<compile_context>
chip_gen: v7x
topology: tpu7x:2x2x1
jax: 0.10.2.dev20260603
libtpu: 0.0.44.dev20260713+nightly
codegen_flags: <defaults>
</compile_context>

<pallas_src>
import functools

import jax
import jax.numpy as jnp
from jax import lax
from jax.experimental import pallas as pl
from jax.experimental.pallas import tpu as pltpu
from jax.experimental.pallas import tpu_sc as plsc

N = 10000
NP = 10240
IN = 128
MID = 128
OUT = 128
S = 8
NS = 16
CG = OUT // S
MTOT = float(N * NS)
EPS = 1e-5

def _pack_bf16(x):
    half = x.shape[-1] // 2
    hi = x[..., :half].astype(jnp.bfloat16).astype(jnp.float32)
    lo = x[..., half:].astype(jnp.bfloat16).astype(jnp.float32)
    hi_i = lax.bitcast_convert_type(hi, jnp.int32)
    lo_i = lax.bitcast_convert_type(lo, jnp.int32)
    return lax.bitcast_convert_type(
        hi_i | lax.shift_right_logical(lo_i, 16), jnp.float32)


def _unpack_bf16(xp):
    xi = lax.bitcast_convert_type(xp, jnp.int32)
    hi = lax.bitcast_convert_type(xi & jnp.int32(-65536), jnp.float32)
    lo = lax.bitcast_convert_type(lax.shift_left(xi, jnp.int32(16)),
                                  jnp.float32)
    return jnp.concatenate([hi, lo], axis=-1)


_RB1 = 1024


def _qkv_body(x_ref, wq_ref, bq_ref, wk_ref, bk_ref, wv_ref, bv_ref,
              xq_ref, kv_ref):
    x = x_ref[...]
    xq_ref[...] = jnp.dot(x, wq_ref[...], preferred_element_type=jnp.float32) + bq_ref[...]
    xk = jnp.dot(x, wk_ref[...], preferred_element_type=jnp.float32) + bk_ref[...]
    xv = jnp.dot(x, wv_ref[...], preferred_element_type=jnp.float32) + bv_ref[...]
    kv_ref[...] = jnp.concatenate([_pack_bf16(xk), _pack_bf16(xv)], axis=-1)


def _qkv(xpad, Wq, bq, Wk, bk, Wv, bv):
    full = pl.BlockSpec((128, 128), lambda i: (0, 0))
    bias = pl.BlockSpec((1, 128), lambda i: (0, 0))
    row = pl.BlockSpec((_RB1, 128), lambda i: (i, 0))
    return pl.pallas_call(
        _qkv_body,
        grid=(NP // _RB1,),
        in_specs=[row, full, bias, full, bias, full, bias],
        out_specs=[row, row],
        out_shape=[jax.ShapeDtypeStruct((NP, 128), jnp.float32),
                   jax.ShapeDtypeStruct((NP, 128), jnp.float32)],
    )(xpad, Wq, bq.reshape(1, 128), Wk, bk.reshape(1, 128), Wv, bv.reshape(1, 128))


_BQ = 256


def _knn_body(pq_ref, pT_ref, idx_ref):
    pq = pq_ref[...]
    pT = pT_ref[...]
    sqk = jnp.sum(pT * pT, axis=0, keepdims=True)
    k1 = lax.broadcasted_iota(jnp.int32, (1, NP), 1)
    sqk = jnp.where(k1 >= N, jnp.float32(jnp.inf), sqk)
    sqq = jnp.sum(pq * pq, axis=1, keepdims=True)
    d = sqq + sqk - 2.0 * jnp.dot(pq, pT, preferred_element_type=jnp.float32)
    kiof = lax.broadcasted_iota(jnp.int32, (_BQ, NP), 1).astype(jnp.float32)
    BIGF = jnp.float32(2.0**30)
    cols = []
    for _ in range(NS):
        m = jnp.min(d, axis=1, keepdims=True)
        idxf = jnp.min(jnp.where(d <= m, kiof, BIGF), axis=1,
                       keepdims=True)
        cols.append(idxf.astype(jnp.int32))
        d = jnp.where(kiof == idxf, jnp.float32(jnp.inf), d)
    idx_ref[...] = jnp.concatenate(cols, axis=1)


def _knn(pp, pT):
    return pl.pallas_call(
        _knn_body,
        grid=(NP // _BQ,),
        in_specs=[pl.BlockSpec((_BQ, 16), lambda i: (i, 0)),
                  pl.BlockSpec((16, NP), lambda i: (0, 0))],
        out_specs=pl.BlockSpec((_BQ, NS), lambda i: (i, 0)),
        out_shape=jax.ShapeDtypeStruct((NP, NS), jnp.int32),
    )(pp, pT)


_NWORK = 32
_BTOT = NP * NS
_PERW = _BTOT // _NWORK
_CHUNK = 128
_NCH = _PERW // _CHUNK


def _sc_gather_body(idx_hbm, kv_hbm, px_hbm, py_hbm, pz_hbm,
                    kvg_hbm, pg_hbm,
                    idx_v, bk_v, bp_v, px_v, py_v, pz_v, sk):
    wid = lax.axis_index("s") * 2 + lax.axis_index("c")
    base = wid * _PERW
    pltpu.sync_copy(px_hbm, px_v)
    pltpu.sync_copy(py_hbm, py_v)
    pltpu.sync_copy(pz_hbm, pz_v)
    zero16 = jnp.zeros((16,), jnp.float32)
    for r in range(_CHUNK):
        bp_v[r * 16:(r + 1) * 16] = zero16
    lane = lax.iota(jnp.int32, 16)

    def chunk(t, carry):
        off = base + t * _CHUNK
        pltpu.sync_copy(idx_hbm.at[pl.ds(off, _CHUNK)], idx_v)
        ck = pltpu.async_copy(kv_hbm.at[idx_v], bk_v, sk)
        for g in range(_CHUNK // 16):
            nbr = idx_v[g * 16:(g + 1) * 16]
            q = jnp.full((16,), off // 16 + g, jnp.int32)
            for c, pc_v in enumerate((px_v, py_v, pz_v)):
                rel = plsc.load_gather(pc_v, [nbr]) - plsc.load_gather(pc_v, [q])
                plsc.store_scatter(bp_v, [lane * 16 + (g * 256 + c)], rel)
        ck.wait()
        pltpu.sync_copy(bk_v, kvg_hbm.at[pl.ds(off, _CHUNK)])
        pltpu.sync_copy(bp_v, pg_hbm.at[pl.ds(off * 16, _CHUNK * 16)])
        return carry

    lax.fori_loop(0, _NCH, chunk, 0)


def _sc_gather(idxf, kv, px, py, pz):
    mesh = plsc.VectorSubcoreMesh(core_axis_name="c", subcore_axis_name="s")
    call = pl.kernel(
        _sc_gather_body,
        out_type=[jax.ShapeDtypeStruct((_BTOT, 128), jnp.float32),
                  jax.ShapeDtypeStruct((_BTOT * 16,), jnp.float32)],
        mesh=mesh,
        compiler_params=pltpu.CompilerParams(needs_layout_passes=False),
        scratch_types=[pltpu.VMEM((_CHUNK,), jnp.int32),
                       pltpu.VMEM((_CHUNK, 128), jnp.float32),
                       pltpu.VMEM((_CHUNK * 16,), jnp.float32),
                       pltpu.VMEM((NP,), jnp.float32),
                       pltpu.VMEM((NP,), jnp.float32),
                       pltpu.VMEM((NP,), jnp.float32),
                       pltpu.SemaphoreType.DMA],
    )
    return call(idxf, kv, px, py, pz)


_BP = 64
_RB4 = _BP * NS


def _bn_apply(t, s, g, b):
    mean = s[0:1, :] / MTOT
    var = s[1:2, :] / MTOT - mean * mean
    return (t - mean) * lax.rsqrt(var + EPS) * g + b


def _pos_enc(pg_ref, sA_ref, p1W_ref, p1b_ref, pbng_ref, pbnb_ref,
             p2W_ref, p2b_ref):
    pr_ = pg_ref[...].reshape(_RB4, 16)
    pr1 = jnp.dot(pr_, p1W_ref[...], preferred_element_type=jnp.float32) + p1b_ref[...]
    pr1 = jnp.maximum(_bn_apply(pr1, sA_ref[...], pbng_ref[...], pbnb_ref[...]), 0.0)
    return jnp.dot(pr1, p2W_ref[...], preferred_element_type=jnp.float32) + p2b_ref[...]


def _rowmask(i):
    rio = lax.broadcasted_iota(jnp.int32, (_RB4, 1), 0) + i * _RB4
    return jnp.where(rio < N * NS, jnp.float32(1.0), jnp.float32(0.0))


def _accum_stats(outs_ref, t, msk, i, width):
    s1 = jnp.sum(t * msk, axis=0, keepdims=True)
    s2 = jnp.sum(t * t * msk, axis=0, keepdims=True)
    acc = jnp.concatenate([s1, s2, jnp.zeros((6, width), jnp.float32)], axis=0)

    @pl.when(i == 0)
    def _():
        outs_ref[...] = jnp.zeros_like(outs_ref)

    outs_ref[...] += acc


def _prestats_body(pg_ref, p1W_ref, p1b_ref, outs_ref):
    i = pl.program_id(0)
    pr_ = pg_ref[...].reshape(_RB4, 16)
    pr1 = jnp.dot(pr_, p1W_ref[...], preferred_element_type=jnp.float32) + p1b_ref[...]
    _accum_stats(outs_ref, pr1, _rowmask(i), i, 16)


def _w0stats_body(xkg_ref, pg_ref, xq_ref, sA_ref,
                  p1W_ref, p1b_ref, pbng_ref, pbnb_ref, p2W_ref, p2b_ref,
                  outs_ref):
    i = pl.program_id(0)
    pr = _pos_enc(pg_ref, sA_ref, p1W_ref, p1b_ref, pbng_ref,
                  pbnb_ref, p2W_ref, p2b_ref)
    xqe = jnp.broadcast_to(xq_ref[...][:, None, :], (_BP, NS, IN)).reshape(_RB4, IN)
    w0 = _unpack_bf16(xkg_ref[...].reshape(_RB4, IN)[:, :IN // 2]) - xqe + pr
    _accum_stats(outs_ref, w0, _rowmask(i), i, 128)


def _w1_body(xkg_ref, pg_ref, xq_ref, sA_ref, sB_ref,
             p1W_ref, p1b_ref, pbng_ref, pbnb_ref, p2W_ref, p2b_ref,
             wbn1g_ref, wbn1b_ref, w1W_ref, w1b_ref,
             w1g_ref, outs_ref):
    i = pl.program_id(0)
    pr = _pos_enc(pg_ref, sA_ref, p1W_ref, p1b_ref, pbng_ref,
                  pbnb_ref, p2W_ref, p2b_ref)
    xqe = jnp.broadcast_to(xq_ref[...][:, None, :], (_BP, NS, IN)).reshape(_RB4, IN)
    w0 = _unpack_bf16(xkg_ref[...].reshape(_RB4, IN)[:, :IN // 2]) - xqe + pr
    w0n = jnp.maximum(_bn_apply(w0, sB_ref[...], wbn1g_ref[...], wbn1b_ref[...]), 0.0)
    w1 = jnp.dot(w0n, w1W_ref[...], preferred_element_type=jnp.float32) + w1b_ref[...]
    w1g_ref[...] = w1.reshape(_BP, NS, CG)
    _accum_stats(outs_ref, w1, _rowmask(i), i, CG)


def _final_body(w1g_ref, xvg_ref, pg_ref, sA_ref, sC_ref,
                p1W_ref, p1b_ref, pbng_ref, pbnb_ref, p2W_ref, p2b_ref,
                wbn2g_ref, wbn2b_ref, w2W_ref, w2b_ref,
                out_ref):
    pr = _pos_enc(pg_ref, sA_ref, p1W_ref, p1b_ref, pbng_ref,
                  pbnb_ref, p2W_ref, p2b_ref)
    w1 = w1g_ref[...].reshape(_RB4, CG)
    w1n = jnp.maximum(_bn_apply(w1, sC_ref[...], wbn2g_ref[...], wbn2b_ref[...]), 0.0)
    w2 = (jnp.dot(w1n, w2W_ref[...], preferred_element_type=jnp.float32)
          + w2b_ref[...]).reshape(_BP, NS, CG)
    mx = jnp.max(w2, axis=1, keepdims=True)
    e = jnp.exp(w2 - mx)
    att = e / jnp.sum(e, axis=1, keepdims=True)
    attt = jnp.concatenate([att] * S, axis=2)
    xv_u = _unpack_bf16(xvg_ref[...].reshape(_RB4, OUT)[:, OUT // 2:])
    v = xv_u.reshape(_BP, NS, OUT) + pr.reshape(_BP, NS, OUT)
    out_ref[...] = jnp.sum(v * attt, axis=1)


def _blk3(c):
    return pl.BlockSpec((_BP, NS, c), lambda i: (i, 0, 0))


def _blk2(c):
    return pl.BlockSpec((_BP, c), lambda i: (i, 0))


def _cst(r, c):
    return pl.BlockSpec((r, c), lambda i: (0, 0))


_G4 = (NP // _BP,)


def _prestats(pg3, p1W16, p1b16):
    return pl.pallas_call(
        _prestats_body,
        grid=_G4,
        in_specs=[_blk3(16), _cst(16, 16), _cst(1, 16)],
        out_specs=_cst(8, 16),
        out_shape=jax.ShapeDtypeStruct((8, 16), jnp.float32),
    )(pg3, p1W16, p1b16)


def _w0stats(xkg3, pg3, xq, sA, p1W16, p1b16, pbng16, pbnb16, p2W16, p2b):
    return pl.pallas_call(
        _w0stats_body,
        grid=_G4,
        in_specs=[_blk3(128), _blk3(16), _blk2(128), _cst(8, 16),
                  _cst(16, 16), _cst(1, 16), _cst(1, 16), _cst(1, 16),
                  _cst(16, 128), _cst(1, 128)],
        out_specs=_cst(8, 128),
        out_shape=jax.ShapeDtypeStruct((8, 128), jnp.float32),
    )(xkg3, pg3, xq, sA, p1W16, p1b16, pbng16, pbnb16, p2W16, p2b)


def _w1pass(xkg3, pg3, xq, sA, sB, p1W16, p1b16, pbng16, pbnb16, p2W16,
            p2b, wbn1g, wbn1b, w1W, w1b):
    return pl.pallas_call(
        _w1_body,
        grid=_G4,
        in_specs=[_blk3(128), _blk3(16), _blk2(128), _cst(8, 16),
                  _cst(8, 128), _cst(16, 16), _cst(1, 16), _cst(1, 16),
                  _cst(1, 16), _cst(16, 128), _cst(1, 128), _cst(1, 128),
                  _cst(1, 128), _cst(128, 16), _cst(1, 16)],
        out_specs=[_blk3(CG), _cst(8, CG)],
        out_shape=[jax.ShapeDtypeStruct((NP, NS, CG), jnp.float32),
                   jax.ShapeDtypeStruct((8, CG), jnp.float32)],
    )(xkg3, pg3, xq, sA, sB, p1W16, p1b16, pbng16, pbnb16, p2W16, p2b,
      wbn1g, wbn1b, w1W, w1b)


def _finalpass(w1g3, xvg3, pg3, sA, sC, p1W16, p1b16, pbng16, pbnb16,
               p2W16, p2b, wbn2g, wbn2b, w2W, w2b):
    return pl.pallas_call(
        _final_body,
        grid=_G4,
        in_specs=[_blk3(CG), _blk3(128), _blk3(16), _cst(8, 16),
                  _cst(8, CG), _cst(16, 16), _cst(1, 16), _cst(1, 16),
                  _cst(1, 16), _cst(16, 128), _cst(1, 128), _cst(1, 16),
                  _cst(1, 16), _cst(16, 16), _cst(1, 16)],
        out_specs=_blk2(128),
        out_shape=jax.ShapeDtypeStruct((NP, OUT), jnp.float32),
    )(w1g3, xvg3, pg3, sA, sC, p1W16, p1b16, pbng16, pbnb16, p2W16, p2b,
      wbn2g, wbn2b, w2W, w2b)


def kernel(p, x, o, Wq, bq, Wk, bk, Wv, bv, p1_W, p1_b, pbn_g, pbn_b, p2_W,
           p2_b, wbn1_g, wbn1_b, w1_W, w1_b, wbn2_g, wbn2_b, w2_W, w2_b):
    f32 = jnp.float32
    p = p.astype(f32)
    x = x.astype(f32)
    pp = jnp.zeros((NP, 16), f32).at[:N, :3].set(p)
    pT = jnp.zeros((16, NP), f32).at[:3, :N].set(p.T)
    xpad = jnp.zeros((NP, IN), f32).at[:N].set(x)

    p1W16 = jnp.zeros((16, 16), f32).at[:3, :3].set(p1_W)
    p1b16 = jnp.zeros((1, 16), f32).at[0, :3].set(p1_b)
    pbng16 = jnp.ones((1, 16), f32).at[0, :3].set(pbn_g)
    pbnb16 = jnp.zeros((1, 16), f32).at[0, :3].set(pbn_b)
    p2W16 = jnp.zeros((16, OUT), f32).at[:3, :].set(p2_W)
    p2b = p2_b.reshape(1, OUT)
    wbn1g = wbn1_g.reshape(1, MID)
    wbn1b = wbn1_b.reshape(1, MID)
    w1b = w1_b.reshape(1, CG)
    wbn2g = wbn2_g.reshape(1, CG)
    wbn2b = wbn2_b.reshape(1, CG)
    w2b = w2_b.reshape(1, CG)

    px = jnp.zeros((NP,), f32).at[:N].set(p[:, 0])
    py = jnp.zeros((NP,), f32).at[:N].set(p[:, 1])
    pz = jnp.zeros((NP,), f32).at[:N].set(p[:, 2])

    xq, kv = _qkv(xpad, Wq, bq, Wk, bk, Wv, bv)
    idx = _knn(pp, pT)
    idxf = idx.reshape(_BTOT)
    kvg, pg = _sc_gather(idxf, kv, px, py, pz)
    xkg3 = kvg.reshape(NP, NS, 128)
    xvg3 = xkg3
    pg3 = pg.reshape(NP, NS, 16)

    sA = _prestats(pg3, p1W16, p1b16)
    sB = _w0stats(xkg3, pg3, xq, sA, p1W16, p1b16, pbng16, pbnb16,
                  p2W16, p2b)
    w1g3, sC = _w1pass(xkg3, pg3, xq, sA, sB, p1W16, p1b16, pbng16,
                       pbnb16, p2W16, p2b, wbn1g, wbn1b, w1_W, w1b)
    outp = _finalpass(w1g3, xvg3, pg3, sA, sC, p1W16, p1b16, pbng16,
                      pbnb16, p2W16, p2b, wbn2g, wbn2b, w2_W, w2b)
    return outp[:N]

# --- scband reference (transcript-rebuilt; emitter-appended) ---
"""Pipeline reference for scband-point-transformer-layer-89043261980756 (READ-ONLY COPY).

The authoritative reference and input builder live on the scoring server;
editing this copy changes nothing except your own understanding.
"""

import jax, jax.numpy as jnp
import numpy as np

N = 10000
IN = 128
MID = 128
OUT = 128
S = 8
NS = 16

def bn(t, g, b, eps=1e-5):
    # BatchNorm1d in training mode over (batch, spatial) dims; t: [n, ns, C]
    m = t.mean(axis=(0, 1))
    v = t.var(axis=(0, 1))
    return (t - m) / jnp.sqrt(v + eps) * g + b

def knn_idx(p, ns):
    sq = jnp.sum(p * p, axis=1)
    d = sq[:, None] + sq[None, :] - 2.0 * (p @ p.T)
    _, idx = jax.lax.top_k(-d, ns)
    return idx

def setup_inputs(seed: int = 0) -> dict:
    key = jax.random.key(seed)
    ks = jax.random.split(key, 16)
    sc = 0.05
    inp = {}
    inp['p'] = jax.random.normal(ks[0], (N, 3), jnp.float32)
    inp['x'] = jax.random.normal(ks[1], (N, IN), jnp.float32)
    inp['o'] = N
    inp['Wq'] = jax.random.normal(ks[2], (IN, MID), jnp.float32) * sc
    inp['bq'] = jnp.zeros((MID,), jnp.float32)
    inp['Wk'] = jax.random.normal(ks[3], (IN, MID), jnp.float32) * sc
    inp['bk'] = jnp.zeros((MID,), jnp.float32)
    inp['Wv'] = jax.random.normal(ks[4], (IN, OUT), jnp.float32) * sc
    inp['bv'] = jnp.zeros((OUT,), jnp.float32)
    inp['p1_W'] = jax.random.normal(ks[5], (3, 3), jnp.float32) * sc
    inp['p1_b'] = jnp.zeros((3,), jnp.float32)
    inp['pbn_g'] = jnp.ones((3,), jnp.float32)
    inp['pbn_b'] = jnp.zeros((3,), jnp.float32)
    inp['p2_W'] = jax.random.normal(ks[6], (3, OUT), jnp.float32) * sc
    inp['p2_b'] = jnp.zeros((OUT,), jnp.float32)
    inp['wbn1_g'] = jnp.ones((MID,), jnp.float32)
    inp['wbn1_b'] = jnp.zeros((MID,), jnp.float32)
    inp['w1_W'] = jax.random.normal(ks[7], (MID, MID // S), jnp.float32) * sc
    inp['w1_b'] = jnp.zeros((MID // S,), jnp.float32)
    inp['wbn2_g'] = jnp.ones((MID // S,), jnp.float32)
    inp['wbn2_b'] = jnp.zeros((MID // S,), jnp.float32)
    inp['w2_W'] = jax.random.normal(ks[8], (OUT // S, OUT // S), jnp.float32) * sc
    inp['w2_b'] = jnp.zeros((OUT // S,), jnp.float32)
    return inp

def reference(p, x, o, Wq, bq, Wk, bk, Wv, bv, p1_W, p1_b, pbn_g, pbn_b, p2_W, p2_b, wbn1_g, wbn1_b, w1_W, w1_b, wbn2_g, wbn2_b, w2_W, w2_b):
    # QKV encoding
    x_q = x @ Wq + bq
    x_k = x @ Wk + bk
    x_v = x @ Wv + bv
    # kNN query + grouping (single batch, offsets o = [N])
    idx = knn_idx(p, NS)  # [N, NS]
    p_r = p[idx] - p[:, None, :]            # relative xyz (use_xyz=True prefix)
    xk = x_k[idx]                            # [N, NS, MID]
    xv = x_v[idx]                            # [N, NS, OUT]
    # relative positional encoding: Linear(3,3) -> BN(3) -> ReLU -> Linear(3,OUT)
    pr = p_r @ p1_W + p1_b
    pr = jnp.maximum(bn(pr, pbn_g, pbn_b), 0.0)
    pr = pr @ p2_W + p2_b                    # [N, NS, OUT]
    # relation & weight encoding; out_planes // mid_planes == 1 so sum(2) is identity
    w = xk - x_q[:, None, :] + pr
    w = jnp.maximum(bn(w, wbn1_g, wbn1_b), 0.0)
    w = w @ w1_W + w1_b
    w = jnp.maximum(bn(w, wbn2_g, wbn2_b), 0.0)
    w = w @ w2_W + w2_b                      # [N, NS, OUT//S]
    w = jax.nn.softmax(w, axis=1)
    n, ns, c = xv.shape
    out = ((xv + pr).reshape(n, ns, S, c // S) * w[:, :, None, :]).sum(axis=1).reshape(n, c)
    return out

if __name__ == "__main__":
    import jax
    _d = setup_inputs()
    print(jax.jit(kernel)(*tuple(_d.values())))

</pallas_src>

<mosaic_0001>
#map = affine_map<(d0, d1) -> (0)>
#map1 = affine_map<(d0, d1) -> (0, 0)>
module attributes {stable_mosaic.version = 14 : i64} {
  func.func @_sc_gather_body(%arg0: i32, %arg1: i32, %arg2: memref<163840xi32, #tpu.memory_space<hbm>>, %arg3: memref<10240x128xf32, #tpu.memory_space<hbm>>, %arg4: memref<10240xf32, #tpu.memory_space<hbm>>, %arg5: memref<10240xf32, #tpu.memory_space<hbm>>, %arg6: memref<10240xf32, #tpu.memory_space<hbm>>, %arg7: memref<163840x128xf32, #tpu.memory_space<hbm>>, %arg8: memref<2621440xf32, #tpu.memory_space<hbm>>, %arg9: memref<128xi32, #tpu.memory_space<vmem>>, %arg10: memref<128x128xf32, #tpu.memory_space<vmem>>, %arg11: memref<2048xf32, #tpu.memory_space<vmem>>, %arg12: memref<10240xf32, #tpu.memory_space<vmem>>, %arg13: memref<10240xf32, #tpu.memory_space<vmem>>, %arg14: memref<10240xf32, #tpu.memory_space<vmem>>, %arg15: memref<!tpu.dma_semaphore, #tpu.memory_space<semaphore_mem>>) attributes {dimension_semantics = [#tpu.dimension_semantics<core_parallel>, #tpu.dimension_semantics<subcore_parallel>], iteration_bounds = array<i64: 2, 16>, scalar_prefetch = 0 : i64, scratch_operands = 7 : i64, tpu.core_type = #tpu.core_type<sc_vector_subcore>, window_params = [{transform_indices = #map}, {transform_indices = #map1}, {transform_indices = #map}, {transform_indices = #map}, {transform_indices = #map}, {transform_indices = #map1}, {transform_indices = #map}]} {
    %mul3A = arith.constant 2 : i32
    %mul3A_0 = arith.muli %arg1, %mul3A : i32
    %add3A = arith.addi %mul3A_0, %arg0 : i32
    %mul3A_1 = arith.constant 5120 : i32
    %mul3A_2 = arith.muli %add3A, %mul3A_1 : i32
    "tpu.region"() ({
      %run_scoped3A = tpu.sem_alloc : memref<!tpu.dma_semaphore, #tpu.memory_space<semaphore_mem>>
      tpu.enqueue_dma source(%arg4 : memref<10240xf32, #tpu.memory_space<hbm>>) target(%arg12 : memref<10240xf32, #tpu.memory_space<vmem>>) target_semaphore(%run_scoped3A : memref<!tpu.dma_semaphore, #tpu.memory_space<semaphore_mem>>)
      tpu.wait_dma2 semaphore(%run_scoped3A : memref<!tpu.dma_semaphore, #tpu.memory_space<semaphore_mem>>) src(%arg4 : memref<10240xf32, #tpu.memory_space<hbm>>) dst(%arg12 : memref<10240xf32, #tpu.memory_space<vmem>>)
      tpu.yield
    }) : () -> ()
    "tpu.region"() ({
      %run_scoped3A = tpu.sem_alloc : memref<!tpu.dma_semaphore, #tpu.memory_space<semaphore_mem>>
      tpu.enqueue_dma source(%arg5 : memref<10240xf32, #tpu.memory_space<hbm>>) target(%arg13 : memref<10240xf32, #tpu.memory_space<vmem>>) target_semaphore(%run_scoped3A : memref<!tpu.dma_semaphore, #tpu.memory_space<semaphore_mem>>)
      tpu.wait_dma2 semaphore(%run_scoped3A : memref<!tpu.dma_semaphore, #tpu.memory_space<semaphore_mem>>) src(%arg5 : memref<10240xf32, #tpu.memory_space<hbm>>) dst(%arg13 : memref<10240xf32, #tpu.memory_space<vmem>>)
      tpu.yield
    }) : () -> ()
    "tpu.region"() ({
      %run_scoped3A = tpu.sem_alloc : memref<!tpu.dma_semaphore, #tpu.memory_space<semaphore_mem>>
      tpu.enqueue_dma source(%arg6 : memref<10240xf32, #tpu.memory_space<hbm>>) target(%arg14 : memref<10240xf32, #tpu.memory_space<vmem>>) target_semaphore(%run_scoped3A : memref<!tpu.dma_semaphore, #tpu.memory_space<semaphore_mem>>)
      tpu.wait_dma2 semaphore(%run_scoped3A : memref<!tpu.dma_semaphore, #tpu.memory_space<semaphore_mem>>) src(%arg6 : memref<10240xf32, #tpu.memory_space<hbm>>) dst(%arg14 : memref<10240xf32, #tpu.memory_space<vmem>>)
      tpu.yield
    }) : () -> ()
    %broadcast_in_dim3A = arith.constant 0.000000e+00 : f32
    %broadcast_in_dim3A_3 = vector.broadcast %broadcast_in_dim3A : f32 to vector<16xf32>
    %swap3A = arith.constant 0 : index
    %swap3A_4 = tpu.vector_load %arg11[%swap3A] {strides = array<i32>} : memref<2048xf32, #tpu.memory_space<vmem>>, vector<16xf32>,
    tpu.vector_store %arg11[%swap3A], %broadcast_in_dim3A_3 {strides = array<i32>} : memref<2048xf32, #tpu.memory_space<vmem>>, vector<16xf32>,
    %swap3A_5 = arith.constant 16 : index
    %swap3A_6 = tpu.vector_load %arg11[%swap3A_5] {strides = array<i32>} : memref<2048xf32, #tpu.memory_space<vmem>>, vector<16xf32>,
    tpu.vector_store %arg11[%swap3A_5], %broadcast_in_dim3A_3 {strides = array<i32>} : memref<2048xf32, #tpu.memory_space<vmem>>, vector<16xf32>,
    %swap3A_7 = arith.constant 32 : index
    %swap3A_8 = tpu.vector_load %arg11[%swap3A_7] {strides = array<i32>} : memref<2048xf32, #tpu.memory_space<vmem>>, vector<16xf32>,
    tpu.vector_store %arg11[%swap3A_7], %broadcast_in_dim3A_3 {strides = array<i32>} : memref<2048xf32, #tpu.memory_space<vmem>>, vector<16xf32>,
    %swap3A_9 = arith.constant 48 : index
    %swap3A_10 = tpu.vector_load %arg11[%swap3A_9] {strides = array<i32>} : memref<2048xf32, #tpu.memory_space<vmem>>, vector<16xf32>,
    tpu.vector_store %arg11[%swap3A_9], %broadcast_in_dim3A_3 {strides = array<i32>} : memref<2048xf32, #tpu.memory_space<vmem>>, vector<16xf32>,
    %swap3A_11 = arith.constant 64 : index
    %swap3A_12 = tpu.vector_load %arg11[%swap3A_11] {strides = array<i32>} : memref<2048xf32, #tpu.memory_space<vmem>>, vector<16xf32>,
    tpu.vector_store %arg11[%swap3A_11], %broadcast_in_dim3A_3 {strides = array<i32>} : memref<2048xf32, #tpu.memory_space<vmem>>, vector<16xf32>,
    %swap3A_13 = arith.constant 80 : index
    %swap3A_14 = tpu.vector_load %arg11[%swap3A_13] {strides = array<i32>} : memref<2048xf32, #tpu.memory_space<vmem>>, vector<16xf32>,
    tpu.vector_store %arg11[%swap3A_13], %broadcast_in_dim3A_3 {strides = array<i32>} : memref<2048xf32, #tpu.memory_space<vmem>>, vector<16xf32>,
    %swap3A_15 = arith.constant 96 : index
    %swap3A_16 = tpu.vector_load %arg11[%swap3A_15] {strides = array<i32>} : memref<2048xf32, #tpu.memory_space<vmem>>, vector<16xf32>,
    tpu.vector_store %arg11[%swap3A_15], %broadcast_in_dim3A_3 {strides = array<i32>} : memref<2048xf32, #tpu.memory_space<vmem>>, vector<16xf32>,
    %swap3A_17 = arith.constant 112 : index
    %swap3A_18 = tpu.vector_load %arg11[%swap3A_17] {strides = array<i32>} : memref<2048xf32, #tpu.memory_space<vmem>>, vector<16xf32>,
    tpu.vector_store %arg11[%swap3A_17], %broadcast_in_dim3A_3 {strides = array<i32>} : memref<2048xf32, #tpu.memory_space<vmem>>, vector<16xf32>,
    %swap3A_19 = arith.constant 128 : index
    %swap3A_20 = tpu.vector_load %arg11[%swap3A_19] {strides = array<i32>} : memref<2048xf32, #tpu.memory_space<vmem>>, vector<16xf32>,
    tpu.vector_store %arg11[%swap3A_19], %broadcast_in_dim3A_3 {strides = array<i32>} : memref<2048xf32, #tpu.memory_space<vmem>>, vector<16xf32>,
    %swap3A_21 = arith.constant 144 : index
    %swap3A_22 = tpu.vector_load %arg11[%swap3A_21] {strides = array<i32>} : memref<2048xf32, #tpu.memory_space<vmem>>, vector<16xf32>,
    tpu.vector_store %arg11[%swap3A_21], %broadcast_in_dim3A_3 {strides = array<i32>} : memref<2048xf32, #tpu.memory_space<vmem>>, vector<16xf32>,
    %swap3A_23 = arith.constant 160 : index
    %swap3A_24 = tpu.vector_load %arg11[%swap3A_23] {strides = array<i32>} : memref<2048xf32, #tpu.memory_space<vmem>>, vector<16xf32>,
    tpu.vector_store %arg11[%swap3A_23], %broadcast_in_dim3A_3 {strides = array<i32>} : memref<2048xf32, #tpu.memory_space<vmem>>, vector<16xf32>,
    %swap3A_25 = arith.constant 176 : index
    %swap3A_26 = tpu.vector_load %arg11[%swap3A_25] {strides = array<i32>} : memref<2048xf32, #tpu.memory_space<vmem>>, vector<16xf32>,
    tpu.vector_store %arg11[%swap3A_25], %broadcast_in_dim3A_3 {strides = array<i32>} : memref<2048xf32, #tpu.memory_space<vmem>>, vector<16xf32>,
    %swap3A_27 = arith.constant 192 : index
    %swap3A_28 = tpu.vector_load %arg11[%swap3A_27] {strides = array<i32>} : memref<2048xf32, #tpu.memory_space<vmem>>, vector<16xf32>,
    tpu.vector_store %arg11[%swap3A_27], %broadcast_in_dim3A_3 {strides = array<i32>} : memref<2048xf32, #tpu.memory_space<vmem>>, vector<16xf32>,
    %swap3A_29 = arith.constant 208 : index
    %swap3A_30 = tpu.vector_load %arg11[%swap3A_29] {strides = array<i32>} : memref<2048xf32, #tpu.memory_space<vmem>>, vector<16xf32>,
    tpu.vector_store %arg11[%swap3A_29], %broadcast_in_dim3A_3 {strides = array<i32>} : memref<2048xf32, #tpu.memory_space<vmem>>, vector<16xf32>,
    %swap3A_31 = arith.constant 224 : index
    %swap3A_32 = tpu.vector_load %arg11[%swap3A_31] {strides = array<i32>} : memref<2048xf32, #tpu.memory_space<vmem>>, vector<16xf32>,
    tpu.vector_store %arg11[%swap3A_31], %broadcast_in_dim3A_3 {strides = array<i32>} : memref<2048xf32, #tpu.memory_space<vmem>>, vector<16xf32>,
    %swap3A_33 = arith.constant 240 : index
    %swap3A_34 = tpu.vector_load %arg11[%swap3A_33] {strides = array<i32>} : memref<2048xf32, #tpu.memory_space<vmem>>, vector<16xf32>,
    tpu.vector_store %arg11[%swap3A_33], %broadcast_in_dim3A_3 {strides = array<i32>} : memref<2048xf32, #tpu.memory_space<vmem>>, vector<16xf32>,
    %swap3A_35 = arith.constant 256 : index
    %swap3A_36 = tpu.vector_load %arg11[%swap3A_35] {strides = array<i32>} : memref<2048xf32, #tpu.memory_space<vmem>>, vector<16xf32>,
    tpu.vector_store %arg11[%swap3A_35], %broadcast_in_dim3A_3 {strides = array<i32>} : memref<2048xf32, #tpu.memory_space<vmem>>, vector<16xf32>,
    %swap3A_37 = arith.constant 272 : index
    %swap3A_38 = tpu.vector_load %arg11[%swap3A_37] {strides = array<i32>} : memref<2048xf32, #tpu.memory_space<vmem>>, vector<16xf32>,
    tpu.vector_store %arg11[%swap3A_37], %broadcast_in_dim3A_3 {strides = array<i32>} : memref<2048xf32, #tpu.memory_space<vmem>>, vector<16xf32>,
    %swap3A_39 = arith.constant 288 : index
    %swap3A_40 = tpu.vector_load %arg11[%swap3A_39] {strides = array<i32>} : memref<2048xf32, #tpu.memory_space<vmem>>, vector<16xf32>,
    tpu.vector_store %arg11[%swap3A_39], %broadcast_in_dim3A_3 {strides = array<i32>} : memref<2048xf32, #tpu.memory_space<vmem>>, vector<16xf32>,
    %swap3A_41 = arith.constant 304 : index
    %swap3A_42 = tpu.vector_load %arg11[%swap3A_41] {strides = array<i32>} : memref<2048xf32, #tpu.memory_space<vmem>>, vector<16xf32>,
    tpu.vector_store %arg11[%swap3A_41], %broadcast_in_dim3A_3 {strides = array<i32>} : memref<2048xf32, #tpu.memory_space<vmem>>, vector<16xf32>,
    %swap3A_43 = arith.constant 320 : index
    %swap3A_44 = tpu.vector_load %arg11[%swap3A_43] {strides = array<i32>} : memref<2048xf32, #tpu.memory_space<vmem>>, vector<16xf32>,
    tpu.vector_store %arg11[%swap3A_43], %broadcast_in_dim3A_3 {strides = array<i32>} : memref<2048xf32, #tpu.memory_space<vmem>>, vector<16xf32>,
    %swap3A_45 = arith.constant 336 : index
    %swap3A_46 = tpu.vector_load %arg11[%swap3A_45] {strides = array<i32>} : memref<2048xf32, #tpu.memory_space<vmem>>, vector<16xf32>,
    tpu.vector_store %arg11[%swap3A_45], %broadcast_in_dim3A_3 {strides = array<i32>} : memref<2048xf32, #tpu.memory_space<vmem>>, vector<16xf32>,
    %swap3A_47 = arith.constant 352 : index
    %swap3A_48 = tpu.vector_load %arg11[%swap3A_47] {strides = array<i32>} : memref<2048xf32, #tpu.memory_space<vmem>>, vector<16xf32>,
    tpu.vector_store %arg11[%swap3A_47], %broadcast_in_dim3A_3 {strides = array<i32>} : memref<2048xf32, #tpu.memory_space<vmem>>, vector<16xf32>,
    %swap3A_49 = arith.constant 368 : index
    %swap3A_50 = tpu.vector_load %arg11[%swap3A_49] {strides = array<i32>} : memref<2048xf32, #tpu.memory_space<vmem>>, vector<16xf32>,
    tpu.vector_store %arg11[%swap3A_49], %broadcast_in_dim3A_3 {strides = array<i32>} : memref<2048xf32, #tpu.memory_space<vmem>>, vector<16xf32>,
    %swap3A_51 = arith.constant 384 : index
    %swap3A_52 = tpu.vector_load %arg11[%swap3A_51] {strides = array<i32>} : memref<2048xf32, #tpu.memory_space<vmem>>, vector<16xf32>,
    tpu.vector_store %arg11[%swap3A_51], %broadcast_in_dim3A_3 {strides = array<i32>} : memref<2048xf32, #tpu.memory_space<vmem>>, vector<16xf32>,
    %swap3A_53 = arith.constant 400 : index
    %swap3A_54 = tpu.vector_load %arg11[%swap3A_53] {strides = array<i32>} : memref<2048xf32, #tpu.memory_space<vmem>>, vector<16xf32>,
    tpu.vector_store %arg11[%swap3A_53], %broadcast_in_dim3A_3 {strides = array<i32>} : memref<2048xf32, #tpu.memory_space<vmem>>, vector<16xf32>,
    %swap3A_55 = arith.constant 416 : index
    %swap3A_56 = tpu.vector_load %arg11[%swap3A_55] {strides = array<i32>} : memref<2048xf32, #tpu.memory_space<vmem>>, vector<16xf32>,
    tpu.vector_store %arg11[%swap3A_55], %broadcast_in_dim3A_3 {strides = array<i32>} : memref<2048xf32, #tpu.memory_space<vmem>>, vector<16xf32>,
    %swap3A_57 = arith.constant 432 : index
    %swap3A_58 = tpu.vector_load %arg11[%swap3A_57] {strides = array<i32>} : memref<2048xf32, #tpu.memory_space<vmem>>, vector<16xf32>,
    tpu.vector_store %arg11[%swap3A_57], %broadcast_in_dim3A_3 {strides = array<i32>} : memref<2048xf32, #tpu.memory_space<vmem>>, vector<16xf32>,
    %swap3A_59 = arith.constant 448 : index
    %swap3A_60 = tpu.vector_load %arg11[%swap3A_59] {strides = array<i32>} : memref<2048xf32, #tpu.memory_space<vmem>>, vector<16xf32>,
    tpu.vector_store %arg11[%swap3A_59], %broadcast_in_dim3A_3 {strides = array<i32>} : memref<2048xf32, #tpu.memory_space<vmem>>, vector<16xf32>,
    %swap3A_61 = arith.constant 464 : index
    %swap3A_62 = tpu.vector_load %arg11[%swap3A_61] {strides = array<i32>} : memref<2048xf32, #tpu.memory_space<vmem>>, vector<16xf32>,
    tpu.vector_store %arg11[%swap3A_61], %broadcast_in_dim3A_3 {strides = array<i32>} : memref<2048xf32, #tpu.memory_space<vmem>>, vector<16xf32>,
    %swap3A_63 = arith.constant 480 : index
    %swap3A_64 = tpu.vector_load %arg11[%swap3A_63] {strides = array<i32>} : memref<2048xf32, #tpu.memory_space<vmem>>, vector<16xf32>,
    tpu.vector_store %arg11[%swap3A_63], %broadcast_in_dim3A_3 {strides = array<i32>} : memref<2048xf32, #tpu.memory_space<vmem>>, vector<16xf32>,
    %swap3A_65 = arith.constant 496 : index
    %swap3A_66 = tpu.vector_load %arg11[%swap3A_65] {strides = array<i32>} : memref<2048xf32, #tpu.memory_space<vmem>>, vector<16xf32>,
    tpu.vector_store %arg11[%swap3A_65], %broadcast_in_dim3A_3 {strides = array<i32>} : memref<2048xf32, #tpu.memory_space<vmem>>, vector<16xf32>,
    %swap3A_67 = arith.constant 512 : index
    %swap3A_68 = tpu.vector_load %arg11[%swap3A_67] {strides = array<i32>} : memref<2048xf32, #tpu.memory_space<vmem>>, vector<16xf32>,
    tpu.vector_store %arg11[%swap3A_67], %broadcast_in_dim3A_3 {strides = array<i32>} : memref<2048xf32, #tpu.memory_space<vmem>>, vector<16xf32>,
    %swap3A_69 = arith.constant 528 : index
    %swap3A_70 = tpu.vector_load %arg11[%swap3A_69] {strides = array<i32>} : memref<2048xf32, #tpu.memory_space<vmem>>, vector<16xf32>,
    tpu.vector_store %arg11[%swap3A_69], %broadcast_in_dim3A_3 {strides = array<i32>} : memref<2048xf32, #tpu.memory_space<vmem>>, vector<16xf32>,
    %swap3A_71 = arith.constant 544 : index
    %swap3A_72 = tpu.vector_load %arg11[%swap3A_71] {strides = array<i32>} : memref<2048xf32, #tpu.memory_space<vmem>>, vector<16xf32>,
    tpu.vector_store %arg11[%swap3A_71], %broadcast_in_dim3A_3 {strides = array<i32>} : memref<2048xf32, #tpu.memory_space<vmem>>, vector<16xf32>,
    %swap3A_73 = arith.constant 560 : index
    %swap3A_74 = tpu.vector_load %arg11[%swap3A_73] {strides = array<i32>} : memref<2048xf32, #tpu.memory_space<vmem>>, vector<16xf32>,
    tpu.vector_store %arg11[%swap3A_73], %broadcast_in_dim3A_3 {strides = array<i32>} : memref<2048xf32, #tpu.memory_space<vmem>>, vector<16xf32>,
    %swap3A_75 = arith.constant 576 : index
    %swap3A_76 = tpu.vector_load %arg11[%swap3A_75] {strides = array<i32>} : memref<2048xf32, #tpu.memory_space<vmem>>, vector<16xf32>,
    tpu.vector_store %arg11[%swap3A_75], %broadcast_in_dim3A_3 {strides = array<i32>} : memref<2048xf32, #tpu.memory_space<vmem>>, vector<16xf32>,
    %swap3A_77 = arith.constant 592 : index
    %swap3A_78 = tpu.vector_load %arg11[%swap3A_77] {strides = array<i32>} : memref<2048xf32, #tpu.memory_space<vmem>>, vector<16xf32>,
    tpu.vector_store %arg11[%swap3A_77], %broadcast_in_dim3A_3 {strides = array<i32>} : memref<2048xf32, #tpu.memory_space<vmem>>, vector<16xf32>,
    %swap3A_79 = arith.constant 608 : index
    %swap3A_80 = tpu.vector_load %arg11[%swap3A_79] {strides = array<i32>} : memref<2048xf32, #tpu.memory_space<vmem>>, vector<16xf32>,
    tpu.vector_store %arg11[%swap3A_79], %broadcast_in_dim3A_3 {strides = array<i32>} : memref<2048xf32, #tpu.memory_space<vmem>>, vector<16xf32>,
    %swap3A_81 = arith.constant 624 : index
    %swap3A_82 = tpu.vector_load %arg11[%swap3A_81] {strides = array<i32>} : memref<2048xf32, #tpu.memory_space<vmem>>, vector<16xf32>,
    tpu.vector_store %arg11[%swap3A_81], %broadcast_in_dim3A_3 {strides = array<i32>} : memref<2048xf32, #tpu.memory_space<vmem>>, vector<16xf32>,
    %swap3A_83 = arith.constant 640 : index
    %swap3A_84 = tpu.vector_load %arg11[%swap3A_83] {strides = array<i32>} : memref<2048xf32, #tpu.memory_space<vmem>>, vector<16xf32>,
    tpu.vector_store %arg11[%swap3A_83], %broadcast_in_dim3A_3 {strides = array<i32>} : memref<2048xf32, #tpu.memory_space<vmem>>, vector<16xf32>,
    %swap3A_85 = arith.constant 656 : index
    %swap3A_86 = tpu.vector_load %arg11[%swap3A_85] {strides = array<i32>} : memref<2048xf32, #tpu.memory_space<vmem>>, vector<16xf32>,
    tpu.vector_store %arg11[%swap3A_85], %broadcast_in_dim3A_3 {strides = array<i32>} : memref<2048xf32, #tpu.memory_space<vmem>>, vector<16xf32>,
    %swap3A_87 = arith.constant 672 : index
    %swap3A_88 = tpu.vector_load %arg11[%swap3A_87] {strides = array<i32>} : memref<2048xf32, #tpu.memory_space<vmem>>, vector<16xf32>,
    tpu.vector_store %arg11[%swap3A_87], %broadcast_in_dim3A_3 {strides = array<i32>} : memref<2048xf32, #tpu.memory_space<vmem>>, vector<16xf32>,
    %swap3A_89 = arith.constant 688 : index
    %swap3A_90 = tpu.vector_load %arg11[%swap3A_89] {strides = array<i32>} : memref<2048xf32, #tpu.memory_space<vmem>>, vector<16xf32>,
    tpu.vector_store %arg11[%swap3A_89], %broadcast_in_dim3A_3 {strides = array<i32>} : memref<2048xf32, #tpu.memory_space<vmem>>, vector<16xf32>,
    %swap3A_91 = arith.constant 704 : index
    %swap3A_92 = tpu.vector_load %arg11[%swap3A_91] {strides = array<i32>} : memref<2048xf32, #tpu.memory_space<vmem>>, vector<16xf32>,
    tpu.vector_store %arg11[%swap3A_91], %broadcast_in_dim3A_3 {strides = array<i32>} : memref<2048xf32, #tpu.memory_space<vmem>>, vector<16xf32>,
    %swap3A_93 = arith.constant 720 : index
    %swap3A_94 = tpu.vector_load %arg11[%swap3A_93] {strides = array<i32>} : memref<2048xf32, #tpu.memory_space<vmem>>, vector<16xf32>,
    tpu.vector_store %arg11[%swap3A_93], %broadcast_in_dim3A_3 {strides = array<i32>} : memref<2048xf32, #tpu.memory_space<vmem>>, vector<16xf32>,
    %swap3A_95 = arith.constant 736 : index
    %swap3A_96 = tpu.vector_load %arg11[%swap3A_95] {strides = array<i32>} : memref<2048xf32, #tpu.memory_space<vmem>>, vector<16xf32>,
    tpu.vector_store %arg11[%swap3A_95], %broadcast_in_dim3A_3 {strides = array<i32>} : memref<2048xf32, #tpu.memory_space<vmem>>, vector<16xf32>,
    %swap3A_97 = arith.constant 752 : index
    %swap3A_98 = tpu.vector_load %arg11[%swap3A_97] {strides = array<i32>} : memref<2048xf32, #tpu.memory_space<vmem>>, vector<16xf32>,
    tpu.vector_store %arg11[%swap3A_97], %broadcast_in_dim3A_3 {strides = array<i32>} : memref<2048xf32, #tpu.memory_space<vmem>>, vector<16xf32>,
    %swap3A_99 = arith.constant 768 : index
    %swap3A_100 = tpu.vector_load %arg11[%swap3A_99] {strides = array<i32>} : memref<2048xf32, #tpu.memory_space<vmem>>, vector<16xf32>,
    tpu.vector_store %arg11[%swap3A_99], %broadcast_in_dim3A_3 {strides = array<i32>} : memref<2048xf32, #tpu.memory_space<vmem>>, vector<16xf32>,
    %swap3A_101 = arith.constant 784 : index
    %swap3A_102 = tpu.vector_load %arg11[%swap3A_101] {strides = array<i32>} : memref<2048xf32, #tpu.memory_space<vmem>>, vector<16xf32>,
    tpu.vector_store %arg11[%swap3A_101], %broadcast_in_dim3A_3 {strides = array<i32>} : memref<2048xf32, #tpu.memory_space<vmem>>, vector<16xf32>,
    %swap3A_103 = arith.constant 800 : index
    %swap3A_104 = tpu.vector_load %arg11[%swap3A_103] {strides = array<i32>} : memref<2048xf32, #tpu.memory_space<vmem>>, vector<16xf32>,
    tpu.vector_store %arg11[%swap3A_103], %broadcast_in_dim3A_3 {strides = array<i32>} : memref<2048xf32, #tpu.memory_space<vmem>>, vector<16xf32>,
    %swap3A_105 = arith.constant 816 : index
    %swap3A_106 = tpu.vector_load %arg11[%swap3A_105] {strides = array<i32>} : memref<2048xf32, #tpu.memory_space<vmem>>, vector<16xf32>,
    tpu.vector_store %arg11[%swap3A_105], %broadcast_in_dim3A_3 {strides = array<i32>} : memref<2048xf32, #tpu.memory_space<vmem>>, vector<16xf32>,
    %swap3A_107 = arith.constant 832 : index
    %swap3A_108 = tpu.vector_load %arg11[%swap3A_107] {strides = array<i32>} : memref<2048xf32, #tpu.memory_space<vmem>>, vector<16xf32>,
    tpu.vector_store %arg11[%swap3A_107], %broadcast_in_dim3A_3 {strides = array<i32>} : memref<2048xf32, #tpu.memory_space<vmem>>, vector<16xf32>,
    %swap3A_109 = arith.constant 848 : index
    %swap3A_110 = tpu.vector_load %arg11[%swap3A_109] {strides = array<i32>} : memref<2048xf32, #tpu.memory_space<vmem>>, vector<16xf32>,
    tpu.vector_store %arg11[%swap3A_109], %broadcast_in_dim3A_3 {strides = array<i32>} : memref<2048xf32, #tpu.memory_space<vmem>>, vector<16xf32>,
    %swap3A_111 = arith.constant 864 : index
    %swap3A_112 = tpu.vector_load %arg11[%swap3A_111] {strides = array<i32>} : memref<2048xf32, #tpu.memory_space<vmem>>, vector<16xf32>,
    tpu.vector_store %arg11[%swap3A_111], %broadcast_in_dim3A_3 {strides = array<i32>} : memref<2048xf32, #tpu.memory_space<vmem>>, vector<16xf32>,
    %swap3A_113 = arith.constant 880 : index
    %swap3A_114 = tpu.vector_load %arg11[%swap3A_113] {strides = array<i32>} : memref<2048xf32, #tpu.memory_space<vmem>>, vector<16xf32>,
    tpu.vector_store %arg11[%swap3A_113], %broadcast_in_dim3A_3 {strides = array<i32>} : memref<2048xf32, #tpu.memory_space<vmem>>, vector<16xf32>,
    %swap3A_115 = arith.constant 896 : index
    %swap3A_116 = tpu.vector_load %arg11[%swap3A_115] {strides = array<i32>} : memref<2048xf32, #tpu.memory_space<vmem>>, vector<16xf32>,
    tpu.vector_store %arg11[%swap3A_115], %broadcast_in_dim3A_3 {strides = array<i32>} : memref<2048xf32, #tpu.memory_space<vmem>>, vector<16xf32>,
    %swap3A_117 = arith.constant 912 : index
    %swap3A_118 = tpu.vector_load %arg11[%swap3A_117] {strides = array<i32>} : memref<2048xf32, #tpu.memory_space<vmem>>, vector<16xf32>,
    tpu.vector_store %arg11[%swap3A_117], %broadcast_in_dim3A_3 {strides = array<i32>} : memref<2048xf32, #tpu.memory_space<vmem>>, vector<16xf32>,
    %swap3A_119 = arith.constant 928 : index
    %swap3A_120 = tpu.vector_load %arg11[%swap3A_119] {strides = array<i32>} : memref<2048xf32, #tpu.memory_space<vmem>>, vector<16xf32>,
    tpu.vector_store %arg11[%swap3A_119], %broadcast_in_dim3A_3 {strides = array<i32>} : memref<2048xf32, #tpu.memory_space<vmem>>, vector<16xf32>,
    %swap3A_121 = arith.constant 944 : index
    %swap3A_122 = tpu.vector_load %arg11[%swap3A_121] {strides = array<i32>} : memref<2048xf32, #tpu.memory_space<vmem>>, vector<16xf32>,
    tpu.vector_store %arg11[%swap3A_121], %broadcast_in_dim3A_3 {strides = array<i32>} : memref<2048xf32, #tpu.memory_space<vmem>>, vector<16xf32>,
    %swap3A_123 = arith.constant 960 : index
    %swap3A_124 = tpu.vector_load %arg11[%swap3A_123] {strides = array<i32>} : memref<2048xf32, #tpu.memory_space<vmem>>, vector<16xf32>,
    tpu.vector_store %arg11[%swap3A_123], %broadcast_in_dim3A_3 {strides = array<i32>} : memref<2048xf32, #tpu.memory_space<vmem>>, vector<16xf32>,
    %swap3A_125 = arith.constant 976 : index
    %swap3A_126 = tpu.vector_load %arg11[%swap3A_125] {strides = array<i32>} : memref<2048xf32, #tpu.memory_space<vmem>>, vector<16xf32>,
    tpu.vector_store %arg11[%swap3A_125], %broadcast_in_dim3A_3 {strides = array<i32>} : memref<2048xf32, #tpu.memory_space<vmem>>, vector<16xf32>,
    %swap3A_127 = arith.constant 992 : index
    %swap3A_128 = tpu.vector_load %arg11[%swap3A_127] {strides = array<i32>} : memref<2048xf32, #tpu.memory_space<vmem>>, vector<16xf32>,
    tpu.vector_store %arg11[%swap3A_127], %broadcast_in_dim3A_3 {strides = array<i32>} : memref<2048xf32, #tpu.memory_space<vmem>>, vector<16xf32>,
    %swap3A_129 = arith.constant 1008 : index
    %swap3A_130 = tpu.vector_load %arg11[%swap3A_129] {strides = array<i32>} : memref<2048xf32, #tpu.memory_space<vmem>>, vector<16xf32>,
    tpu.vector_store %arg11[%swap3A_129], %broadcast_in_dim3A_3 {strides = array<i32>} : memref<2048xf32, #tpu.memory_space<vmem>>, vector<16xf32>,
    %swap3A_131 = arith.constant 1024 : index
    %swap3A_132 = tpu.vector_load %arg11[%swap3A_131] {strides = array<i32>} : memref<2048xf32, #tpu.memory_space<vmem>>, vector<16xf32>,
    tpu.vector_store %arg11[%swap3A_131], %broadcast_in_dim3A_3 {strides = array<i32>} : memref<2048xf32, #tpu.memory_space<vmem>>, vector<16xf32>,
    %swap3A_133 = arith.constant 1040 : index
    %swap3A_134 = tpu.vector_load %arg11[%swap3A_133] {strides = array<i32>} : memref<2048xf32, #tpu.memory_space<vmem>>, vector<16xf32>,
    tpu.vector_store %arg11[%swap3A_133], %broadcast_in_dim3A_3 {strides = array<i32>} : memref<2048xf32, #tpu.memory_space<vmem>>, vector<16xf32>,
    %swap3A_135 = arith.constant 1056 : index
    %swap3A_136 = tpu.vector_load %arg11[%swap3A_135] {strides = array<i32>} : memref<2048xf32, #tpu.memory_space<vmem>>, vector<16xf32>,
    tpu.vector_store %arg11[%swap3A_135], %broadcast_in_dim3A_3 {strides = array<i32>} : memref<2048xf32, #tpu.memory_space<vmem>>, vector<16xf32>,
    %swap3A_137 = arith.constant 1072 : index
    %swap3A_138 = tpu.vector_load %arg11[%swap3A_137] {strides = array<i32>} : memref<2048xf32, #tpu.memory_space<vmem>>, vector<16xf32>,
    tpu.vector_store %arg11[%swap3A_137], %broadcast_in_dim3A_3 {strides = array<i32>} : memref<2048xf32, #tpu.memory_space<vmem>>, vector<16xf32>,
    %swap3A_139 = arith.constant 1088 : index
    %swap3A_140 = tpu.vector_load %arg11[%swap3A_139] {strides = array<i32>} : memref<2048xf32, #tpu.memory_space<vmem>>, vector<16xf32>,
    tpu.vector_store %arg11[%swap3A_139], %broadcast_in_dim3A_3 {strides = array<i32>} : memref<2048xf32, #tpu.memory_space<vmem>>, vector<16xf32>,
    %swap3A_141 = arith.constant 1104 : index
    %swap3A_142 = tpu.vector_load %arg11[%swap3A_141] {strides = array<i32>} : memref<2048xf32, #tpu.memory_space<vmem>>, vector<16xf32>,
    tpu.vector_store %arg11[%swap3A_141], %broadcast_in_dim3A_3 {strides = array<i32>} : memref<2048xf32, #tpu.memory_space<vmem>>, vector<16xf32>,
    %swap3A_143 = arith.constant 1120 : index
    %swap3A_144 = tpu.vector_load %arg11[%swap3A_143] {strides = array<i32>} : memref<2048xf32, #tpu.memory_space<vmem>>, vector<16xf32>,
    tpu.vector_store %arg11[%swap3A_143], %broadcast_in_dim3A_3 {strides = array<i32>} : memref<2048xf32, #tpu.memory_space<vmem>>, vector<16xf32>,
    %swap3A_145 = arith.constant 1136 : index
    %swap3A_146 = tpu.vector_load %arg11[%swap3A_145] {strides = array<i32>} : memref<2048xf32, #tpu.memory_space<vmem>>, vector<16xf32>,
    tpu.vector_store %arg11[%swap3A_145], %broadcast_in_dim3A_3 {strides = array<i32>} : memref<2048xf32, #tpu.memory_space<vmem>>, vector<16xf32>,
    %swap3A_147 = arith.constant 1152 : index
    %swap3A_148 = tpu.vector_load %arg11[%swap3A_147] {strides = array<i32>} : memref<2048xf32, #tpu.memory_space<vmem>>, vector<16xf32>,
    tpu.vector_store %arg11[%swap3A_147], %broadcast_in_dim3A_3 {strides = array<i32>} : memref<2048xf32, #tpu.memory_space<vmem>>, vector<16xf32>,
    %swap3A_149 = arith.constant 1168 : index
    %swap3A_150 = tpu.vector_load %arg11[%swap3A_149] {strides = array<i32>} : memref<2048xf32, #tpu.memory_space<vmem>>, vector<16xf32>,
    tpu.vector_store %arg11[%swap3A_149], %broadcast_in_dim3A_3 {strides = array<i32>} : memref<2048xf32, #tpu.memory_space<vmem>>, vector<16xf32>,
    %swap3A_151 = arith.constant 1184 : index
    %swap3A_152 = tpu.vector_load %arg11[%swap3A_151] {strides = array<i32>} : memref<2048xf32, #tpu.memory_space<vmem>>, vector<16xf32>,
    tpu.vector_store %arg11[%swap3A_151], %broadcast_in_dim3A_3 {strides = array<i32>} : memref<2048xf32, #tpu.memory_space<vmem>>, vector<16xf32>,
    %swap3A_153 = arith.constant 1200 : index
    %swap3A_154 = tpu.vector_load %arg11[%swap3A_153] {strides = array<i32>} : memref<2048xf32, #tpu.memory_space<vmem>>, vector<16xf32>,
    tpu.vector_store %arg11[%swap3A_153], %broadcast_in_dim3A_3 {strides = array<i32>} : memref<2048xf32, #tpu.memory_space<vmem>>, vector<16xf32>,
    %swap3A_155 = arith.constant 1216 : index
    %swap3A_156 = tpu.vector_load %arg11[%swap3A_155] {strides = array<i32>} : memref<2048xf32, #tpu.memory_space<vmem>>, vector<16xf32>,
    tpu.vector_store %arg11[%swap3A_155], %broadcast_in_dim3A_3 {strides = array<i32>} : memref<2048xf32, #tpu.memory_space<vmem>>, vector<16xf32>,
    %swap3A_157 = arith.constant 1232 : index
    %swap3A_158 = tpu.vector_load %arg11[%swap3A_157] {strides = array<i32>} : memref<2048xf32, #tpu.memory_space<vmem>>, vector<16xf32>,
    tpu.vector_store %arg11[%swap3A_157], %broadcast_in_dim3A_3 {strides = array<i32>} : memref<2048xf32, #tpu.memory_space<vmem>>, vector<16xf32>,
    %swap3A_159 = arith.constant 1248 : index
    %swap3A_160 = tpu.vector_load %arg11[%swap3A_159] {strides = array<i32>} : memref<2048xf32, #tpu.memory_space<vmem>>, vector<16xf32>,
    tpu.vector_store %arg11[%swap3A_159], %broadcast_in_dim3A_3 {strides = array<i32>} : memref<2048xf32, #tpu.memory_space<vmem>>, vector<16xf32>,
    %swap3A_161 = arith.constant 1264 : index
    %swap3A_162 = tpu.vector_load %arg11[%swap3A_161] {strides = array<i32>} : memref<2048xf32, #tpu.memory_space<vmem>>, vector<16xf32>,
    tpu.vector_store %arg11[%swap3A_161], %broadcast_in_dim3A_3 {strides = array<i32>} : memref<2048xf32, #tpu.memory_space<vmem>>, vector<16xf32>,
    %swap3A_163 = arith.constant 1280 : index
    %swap3A_164 = tpu.vector_load %arg11[%swap3A_163] {strides = array<i32>} : memref<2048xf32, #tpu.memory_space<vmem>>, vector<16xf32>,
    tpu.vector_store %arg11[%swap3A_163], %broadcast_in_dim3A_3 {strides = array<i32>} : memref<2048xf32, #tpu.memory_space<vmem>>, vector<16xf32>,
    %swap3A_165 = arith.constant 1296 : index
    %swap3A_166 = tpu.vector_load %arg11[%swap3A_165] {strides = array<i32>} : memref<2048xf32, #tpu.memory_space<vmem>>, vector<16xf32>,
    tpu.vector_store %arg11[%swap3A_165], %broadcast_in_dim3A_3 {strides = array<i32>} : memref<2048xf32, #tpu.memory_space<vmem>>, vector<16xf32>,
    %swap3A_167 = arith.constant 1312 : index
    %swap3A_168 = tpu.vector_load %arg11[%swap3A_167] {strides = array<i32>} : memref<2048xf32, #tpu.memory_space<vmem>>, vector<16xf32>,
    tpu.vector_store %arg11[%swap3A_167], %broadcast_in_dim3A_3 {strides = array<i32>} : memref<2048xf32, #tpu.memory_space<vmem>>, vector<16xf32>,
    %swap3A_169 = arith.constant 1328 : index
    %swap3A_170 = tpu.vector_load %arg11[%swap3A_169] {strides = array<i32>} : memref<2048xf32, #tpu.memory_space<vmem>>, vector<16xf32>,
    tpu.vector_store %arg11[%swap3A_169], %broadcast_in_dim3A_3 {strides = array<i32>} : memref<2048xf32, #tpu.memory_space<vmem>>, vector<16xf32>,
    %swap3A_171 = arith.constant 1344 : index
    %swap3A_172 = tpu.vector_load %arg11[%swap3A_171] {strides = array<i32>} : memref<2048xf32, #tpu.memory_space<vmem>>, vector<16xf32>,
    tpu.vector_store %arg11[%swap3A_171], %broadcast_in_dim3A_3 {strides = array<i32>} : memref<2048xf32, #tpu.memory_space<vmem>>, vector<16xf32>,
    %swap3A_173 = arith.constant 1360 : index
    %swap3A_174 = tpu.vector_load %arg11[%swap3A_173] {strides = array<i32>} : memref<2048xf32, #tpu.memory_space<vmem>>, vector<16xf32>,
    tpu.vector_store %arg11[%swap3A_173], %broadcast_in_dim3A_3 {strides = array<i32>} : memref<2048xf32, #tpu.memory_space<vmem>>, vector<16xf32>,
    %swap3A_175 = arith.constant 1376 : index
    %swap3A_176 = tpu.vector_load %arg11[%swap3A_175] {strides = array<i32>} : memref<2048xf32, #tpu.memory_space<vmem>>, vector<16xf32>,
    tpu.vector_store %arg11[%swap3A_175], %broadcast_in_dim3A_3 {strides = array<i32>} : memref<2048xf32, #tpu.memory_space<vmem>>, vector<16xf32>,
    %swap3A_177 = arith.constant 1392 : index
    %swap3A_178 = tpu.vector_load %arg11[%swap3A_177] {strides = array<i32>} : memref<2048xf32, #tpu.memory_space<vmem>>, vector<16xf32>,
    tpu.vector_store %arg11[%swap3A_177], %broadcast_in_dim3A_3 {strides = array<i32>} : memref<2048xf32, #tpu.memory_space<vmem>>, vector<16xf32>,
    %swap3A_179 = arith.constant 1408 : index
    %swap3A_180 = tpu.vector_load %arg11[%swap3A_179] {strides = array<i32>} : memref<2048xf32, #tpu.memory_space<vmem>>, vector<16xf32>,
    tpu.vector_store %arg11[%swap3A_179], %broadcast_in_dim3A_3 {strides = array<i32>} : memref<2048xf32, #tpu.memory_space<vmem>>, vector<16xf32>,
    %swap3A_181 = arith.constant 1424 : index
    %swap3A_182 = tpu.vector_load %arg11[%swap3A_181] {strides = array<i32>} : memref<2048xf32, #tpu.memory_space<vmem>>, vector<16xf32>,
    tpu.vector_store %arg11[%swap3A_181], %broadcast_in_dim3A_3 {strides = array<i32>} : memref<2048xf32, #tpu.memory_space<vmem>>, vector<16xf32>,
    %swap3A_183 = arith.constant 1440 : index
    %swap3A_184 = tpu.vector_load %arg11[%swap3A_183] {strides = array<i32>} : memref<2048xf32, #tpu.memory_space<vmem>>, vector<16xf32>,
    tpu.vector_store %arg11[%swap3A_183], %broadcast_in_dim3A_3 {strides = array<i32>} : memref<2048xf32, #tpu.memory_space<vmem>>, vector<16xf32>,
    %swap3A_185 = arith.constant 1456 : index
    %swap3A_186 = tpu.vector_load %arg11[%swap3A_185] {strides = array<i32>} : memref<2048xf32, #tpu.memory_space<vmem>>, vector<16xf32>,
    tpu.vector_store %arg11[%swap3A_185], %broadcast_in_dim3A_3 {strides = array<i32>} : memref<2048xf32, #tpu.memory_space<vmem>>, vector<16xf32>,
    %swap3A_187 = arith.constant 1472 : index
    %swap3A_188 = tpu.vector_load %arg11[%swap3A_187] {strides = array<i32>} : memref<2048xf32, #tpu.memory_space<vmem>>, vector<16xf32>,
    tpu.vector_store %arg11[%swap3A_187], %broadcast_in_dim3A_3 {strides = array<i32>} : memref<2048xf32, #tpu.memory_space<vmem>>, vector<16xf32>,
    %swap3A_189 = arith.constant 1488 : index
    %swap3A_190 = tpu.vector_load %arg11[%swap3A_189] {strides = array<i32>} : memref<2048xf32, #tpu.memory_space<vmem>>, vector<16xf32>,
    tpu.vector_store %arg11[%swap3A_189], %broadcast_in_dim3A_3 {strides = array<i32>} : memref<2048xf32, #tpu.memory_space<vmem>>, vector<16xf32>,
    %swap3A_191 = arith.constant 1504 : index
    %swap3A_192 = tpu.vector_load %arg11[%swap3A_191] {strides = array<i32>} : memref<2048xf32, #tpu.memory_space<vmem>>, vector<16xf32>,
    tpu.vector_store %arg11[%swap3A_191], %broadcast_in_dim3A_3 {strides = array<i32>} : memref<2048xf32, #tpu.memory_space<vmem>>, vector<16xf32>,
    %swap3A_193 = arith.constant 1520 : index
    %swap3A_194 = tpu.vector_load %arg11[%swap3A_193] {strides = array<i32>} : memref<2048xf32, #tpu.memory_space<vmem>>, vector<16xf32>,
    tpu.vector_store %arg11[%swap3A_193], %broadcast_in_dim3A_3 {strides = array<i32>} : memref<2048xf32, #tpu.memory_space<vmem>>, vector<16xf32>,
    %swap3A_195 = arith.constant 1536 : index
    %swap3A_196 = tpu.vector_load %arg11[%swap3A_195] {strides = array<i32>} : memref<2048xf32, #tpu.memory_space<vmem>>, vector<16xf32>,
    tpu.vector_store %arg11[%swap3A_195], %broadcast_in_dim3A_3 {strides = array<i32>} : memref<2048xf32, #tpu.memory_space<vmem>>, vector<16xf32>,
    %swap3A_197 = arith.constant 1552 : index
    %swap3A_198 = tpu.vector_load %arg11[%swap3A_197] {strides = array<i32>} : memref<2048xf32, #tpu.memory_space<vmem>>, vector<16xf32>,
    tpu.vector_store %arg11[%swap3A_197], %broadcast_in_dim3A_3 {strides = array<i32>} : memref<2048xf32, #tpu.memory_space<vmem>>, vector<16xf32>,
    %swap3A_199 = arith.constant 1568 : index
    %swap3A_200 = tpu.vector_load %arg11[%swap3A_199] {strides = array<i32>} : memref<2048xf32, #tpu.memory_space<vmem>>, vector<16xf32>,
    tpu.vector_store %arg11[%swap3A_199], %broadcast_in_dim3A_3 {strides = array<i32>} : memref<2048xf32, #tpu.memory_space<vmem>>, vector<16xf32>,
    %swap3A_201 = arith.constant 1584 : index
    %swap3A_202 = tpu.vector_load %arg11[%swap3A_201] {strides = array<i32>} : memref<2048xf32, #tpu.memory_space<vmem>>, vector<16xf32>,
    tpu.vector_store %arg11[%swap3A_201], %broadcast_in_dim3A_3 {strides = array<i32>} : memref<2048xf32, #tpu.memory_space<vmem>>, vector<16xf32>,
    %swap3A_203 = arith.constant 1600 : index
    %swap3A_204 = tpu.vector_load %arg11[%swap3A_203] {strides = array<i32>} : memref<2048xf32, #tpu.memory_space<vmem>>, vector<16xf32>,
    tpu.vector_store %arg11[%swap3A_203], %broadcast_in_dim3A_3 {strides = array<i32>} : memref<2048xf32, #tpu.memory_space<vmem>>, vector<16xf32>,
    %swap3A_205 = arith.constant 1616 : index
    %swap3A_206 = tpu.vector_load %arg11[%swap3A_205] {strides = array<i32>} : memref<2048xf32, #tpu.memory_space<vmem>>, vector<16xf32>,
    tpu.vector_store %arg11[%swap3A_205], %broadcast_in_dim3A_3 {strides = array<i32>} : memref<2048xf32, #tpu.memory_space<vmem>>, vector<16xf32>,
    %swap3A_207 = arith.constant 1632 : index
    %swap3A_208 = tpu.vector_load %arg11[%swap3A_207] {strides = array<i32>} : memref<2048xf32, #tpu.memory_space<vmem>>, vector<16xf32>,
    tpu.vector_store %arg11[%swap3A_207], %broadcast_in_dim3A_3 {strides = array<i32>} : memref<2048xf32, #tpu.memory_space<vmem>>, vector<16xf32>,
    %swap3A_209 = arith.constant 1648 : index
    %swap3A_210 = tpu.vector_load %arg11[%swap3A_209] {strides = array<i32>} : memref<2048xf32, #tpu.memory_space<vmem>>, vector<16xf32>,
    tpu.vector_store %arg11[%swap3A_209], %broadcast_in_dim3A_3 {strides = array<i32>} : memref<2048xf32, #tpu.memory_space<vmem>>, vector<16xf32>,
    %swap3A_211 = arith.constant 1664 : index
    %swap3A_212 = tpu.vector_load %arg11[%swap3A_211] {strides = array<i32>} : memref<2048xf32, #tpu.memory_space<vmem>>, vector<16xf32>,
    tpu.vector_store %arg11[%swap3A_211], %broadcast_in_dim3A_3 {strides = array<i32>} : memref<2048xf32, #tpu.memory_space<vmem>>, vector<16xf32>,
    %swap3A_213 = arith.constant 1680 : index
    %swap3A_214 = tpu.vector_load %arg11[%swap3A_213] {strides = array<i32>} : memref<2048xf32, #tpu.memory_space<vmem>>, vector<16xf32>,
    tpu.vector_store %arg11[%swap3A_213], %broadcast_in_dim3A_3 {strides = array<i32>} : memref<2048xf32, #tpu.memory_space<vmem>>, vector<16xf32>,
    %swap3A_215 = arith.constant 1696 : index
    %swap3A_216 = tpu.vector_load %arg11[%swap3A_215] {strides = array<i32>} : memref<2048xf32, #tpu.memory_space<vmem>>, vector<16xf32>,
    tpu.vector_store %arg11[%swap3A_215], %broadcast_in_dim3A_3 {strides = array<i32>} : memref<2048xf32, #tpu.memory_space<vmem>>, vector<16xf32>,
    %swap3A_217 = arith.constant 1712 : index
    %swap3A_218 = tpu.vector_load %arg11[%swap3A_217] {strides = array<i32>} : memref<2048xf32, #tpu.memory_space<vmem>>, vector<16xf32>,
    tpu.vector_store %arg11[%swap3A_217], %broadcast_in_dim3A_3 {strides = array<i32>} : memref<2048xf32, #tpu.memory_space<vmem>>, vector<16xf32>,
    %swap3A_219 = arith.constant 1728 : index
    %swap3A_220 = tpu.vector_load %arg11[%swap3A_219] {strides = array<i32>} : memref<2048xf32, #tpu.memory_space<vmem>>, vector<16xf32>,
    tpu.vector_store %arg11[%swap3A_219], %broadcast_in_dim3A_3 {strides = array<i32>} : memref<2048xf32, #tpu.memory_space<vmem>>, vector<16xf32>,
    %swap3A_221 = arith.constant 1744 : index
    %swap3A_222 = tpu.vector_load %arg11[%swap3A_221] {strides = array<i32>} : memref<2048xf32, #tpu.memory_space<vmem>>, vector<16xf32>,
    tpu.vector_store %arg11[%swap3A_221], %broadcast_in_dim3A_3 {strides = array<i32>} : memref<2048xf32, #tpu.memory_space<vmem>>, vector<16xf32>,
    %swap3A_223 = arith.constant 1760 : index
    %swap3A_224 = tpu.vector_load %arg11[%swap3A_223] {strides = array<i32>} : memref<2048xf32, #tpu.memory_space<vmem>>, vector<16xf32>,
    tpu.vector_store %arg11[%swap3A_223], %broadcast_in_dim3A_3 {strides = array<i32>} : memref<2048xf32, #tpu.memory_space<vmem>>, vector<16xf32>,
    %swap3A_225 = arith.constant 1776 : index
    %swap3A_226 = tpu.vector_load %arg11[%swap3A_225] {strides = array<i32>} : memref<2048xf32, #tpu.memory_space<vmem>>, vector<16xf32>,
    tpu.vector_store %arg11[%swap3A_225], %broadcast_in_dim3A_3 {strides = array<i32>} : memref<2048xf32, #tpu.memory_space<vmem>>, vector<16xf32>,
    %swap3A_227 = arith.constant 1792 : index
    %swap3A_228 = tpu.vector_load %arg11[%swap3A_227] {strides = array<i32>} : memref<2048xf32, #tpu.memory_space<vmem>>, vector<16xf32>,
    tpu.vector_store %arg11[%swap3A_227], %broadcast_in_dim3A_3 {strides = array<i32>} : memref<2048xf32, #tpu.memory_space<vmem>>, vector<16xf32>,
    %swap3A_229 = arith.constant 1808 : index
    %swap3A_230 = tpu.vector_load %arg11[%swap3A_229] {strides = array<i32>} : memref<2048xf32, #tpu.memory_space<vmem>>, vector<16xf32>,
    tpu.vector_store %arg11[%swap3A_229], %broadcast_in_dim3A_3 {strides = array<i32>} : memref<2048xf32, #tpu.memory_space<vmem>>, vector<16xf32>,
    %swap3A_231 = arith.constant 1824 : index
    %swap3A_232 = tpu.vector_load %arg11[%swap3A_231] {strides = array<i32>} : memref<2048xf32, #tpu.memory_space<vmem>>, vector<16xf32>,
    tpu.vector_store %arg11[%swap3A_231], %broadcast_in_dim3A_3 {strides = array<i32>} : memref<2048xf32, #tpu.memory_space<vmem>>, vector<16xf32>,
    %swap3A_233 = arith.constant 1840 : index
    %swap3A_234 = tpu.vector_load %arg11[%swap3A_233] {strides = array<i32>} : memref<2048xf32, #tpu.memory_space<vmem>>, vector<16xf32>,
    tpu.vector_store %arg11[%swap3A_233], %broadcast_in_dim3A_3 {strides = array<i32>} : memref<2048xf32, #tpu.memory_space<vmem>>, vector<16xf32>,
    %swap3A_235 = arith.constant 1856 : index
    %swap3A_236 = tpu.vector_load %arg11[%swap3A_235] {strides = array<i32>} : memref<2048xf32, #tpu.memory_space<vmem>>, vector<16xf32>,
    tpu.vector_store %arg11[%swap3A_235], %broadcast_in_dim3A_3 {strides = array<i32>} : memref<2048xf32, #tpu.memory_space<vmem>>, vector<16xf32>,
    %swap3A_237 = arith.constant 1872 : index
    %swap3A_238 = tpu.vector_load %arg11[%swap3A_237] {strides = array<i32>} : memref<2048xf32, #tpu.memory_space<vmem>>, vector<16xf32>,
    tpu.vector_store %arg11[%swap3A_237], %broadcast_in_dim3A_3 {strides = array<i32>} : memref<2048xf32, #tpu.memory_space<vmem>>, vector<16xf32>,
    %swap3A_239 = arith.constant 1888 : index
    %swap3A_240 = tpu.vector_load %arg11[%swap3A_239] {strides = array<i32>} : memref<2048xf32, #tpu.memory_space<vmem>>, vector<16xf32>,
    tpu.vector_store %arg11[%swap3A_239], %broadcast_in_dim3A_3 {strides = array<i32>} : memref<2048xf32, #tpu.memory_space<vmem>>, vector<16xf32>,
    %swap3A_241 = arith.constant 1904 : index
    %swap3A_242 = tpu.vector_load %arg11[%swap3A_241] {strides = array<i32>} : memref<2048xf32, #tpu.memory_space<vmem>>, vector<16xf32>,
    tpu.vector_store %arg11[%swap3A_241], %broadcast_in_dim3A_3 {strides = array<i32>} : memref<2048xf32, #tpu.memory_space<vmem>>, vector<16xf32>,
    %swap3A_243 = arith.constant 1920 : index
    %swap3A_244 = tpu.vector_load %arg11[%swap3A_243] {strides = array<i32>} : memref<2048xf32, #tpu.memory_space<vmem>>, vector<16xf32>,
    tpu.vector_store %arg11[%swap3A_243], %broadcast_in_dim3A_3 {strides = array<i32>} : memref<2048xf32, #tpu.memory_space<vmem>>, vector<16xf32>,
    %swap3A_245 = arith.constant 1936 : index
    %swap3A_246 = tpu.vector_load %arg11[%swap3A_245] {strides = array<i32>} : memref<2048xf32, #tpu.memory_space<vmem>>, vector<16xf32>,
    tpu.vector_store %arg11[%swap3A_245], %broadcast_in_dim3A_3 {strides = array<i32>} : memref<2048xf32, #tpu.memory_space<vmem>>, vector<16xf32>,
    %swap3A_247 = arith.constant 1952 : index
    %swap3A_248 = tpu.vector_load %arg11[%swap3A_247] {strides = array<i32>} : memref<2048xf32, #tpu.memory_space<vmem>>, vector<16xf32>,
    tpu.vector_store %arg11[%swap3A_247], %broadcast_in_dim3A_3 {strides = array<i32>} : memref<2048xf32, #tpu.memory_space<vmem>>, vector<16xf32>,
    %swap3A_249 = arith.constant 1968 : index
    %swap3A_250 = tpu.vector_load %arg11[%swap3A_249] {strides = array<i32>} : memref<2048xf32, #tpu.memory_space<vmem>>, vector<16xf32>,
    tpu.vector_store %arg11[%swap3A_249], %broadcast_in_dim3A_3 {strides = array<i32>} : memref<2048xf32, #tpu.memory_space<vmem>>, vector<16xf32>,
    %swap3A_251 = arith.constant 1984 : index
    %swap3A_252 = tpu.vector_load %arg11[%swap3A_251] {strides = array<i32>} : memref<2048xf32, #tpu.memory_space<vmem>>, vector<16xf32>,
    tpu.vector_store %arg11[%swap3A_251], %broadcast_in_dim3A_3 {strides = array<i32>} : memref<2048xf32, #tpu.memory_space<vmem>>, vector<16xf32>,
    %swap3A_253 = arith.constant 2000 : index
    %swap3A_254 = tpu.vector_load %arg11[%swap3A_253] {strides = array<i32>} : memref<2048xf32, #tpu.memory_space<vmem>>, vector<16xf32>,
    tpu.vector_store %arg11[%swap3A_253], %broadcast_in_dim3A_3 {strides = array<i32>} : memref<2048xf32, #tpu.memory_space<vmem>>, vector<16xf32>,
    %swap3A_255 = arith.constant 2016 : index
    %swap3A_256 = tpu.vector_load %arg11[%swap3A_255] {strides = array<i32>} : memref<2048xf32, #tpu.memory_space<vmem>>, vector<16xf32>,
    tpu.vector_store %arg11[%swap3A_255], %broadcast_in_dim3A_3 {strides = array<i32>} : memref<2048xf32, #tpu.memory_space<vmem>>, vector<16xf32>,
    %swap3A_257 = arith.constant 2032 : index
    %swap3A_258 = tpu.vector_load %arg11[%swap3A_257] {strides = array<i32>} : memref<2048xf32, #tpu.memory_space<vmem>>, vector<16xf32>,
    tpu.vector_store %arg11[%swap3A_257], %broadcast_in_dim3A_3 {strides = array<i32>} : memref<2048xf32, #tpu.memory_space<vmem>>, vector<16xf32>,
    %iota3A = tpu.iota {dimensions = array<i32: 0>} : vector<16xi32>
    %scan3A = arith.constant 0 : i32
    %scan3A_259 = arith.constant 0 : i32
    %scan3A_260 = arith.constant 40 : i32
    %scan3A_261 = arith.addi %scan3A_259, %scan3A_260 : i32
    %scan3A_262 = arith.constant 1 : i32
    scf.for %scan3A_264 = %scan3A_259 to %scan3A_261 step %scan3A_262  : i32 {
      %mul3A_265 = arith.constant 128 : i32
      %mul3A_266 = arith.muli %scan3A_264, %mul3A_265 : i32
      %add3A_267 = arith.addi %mul3A_2, %mul3A_266 : i32
      "tpu.region"() ({
        %run_scoped3A = tpu.sem_alloc : memref<!tpu.dma_semaphore, #tpu.memory_space<semaphore_mem>>
        %dma_start3A_712 = tpu.memref_slice %arg2[%add3A_267] : memref<163840xi32, #tpu.memory_space<hbm>> -> memref<128xi32, #tpu.memory_space<hbm>>
        %dma_start3A_713 = tpu.memref_slice %arg2[%add3A_267] : memref<163840xi32, #tpu.memory_space<hbm>> -> memref<128xi32, #tpu.memory_space<hbm>>
        tpu.enqueue_dma source(%dma_start3A_713 : memref<128xi32, #tpu.memory_space<hbm>>) target(%arg9 : memref<128xi32, #tpu.memory_space<vmem>>) target_semaphore(%run_scoped3A : memref<!tpu.dma_semaphore, #tpu.memory_space<semaphore_mem>>)
        %dma_wait3A_714 = tpu.memref_slice %arg2[%add3A_267] : memref<163840xi32, #tpu.memory_space<hbm>> -> memref<128xi32, #tpu.memory_space<hbm>>
        %dma_wait3A_715 = tpu.memref_slice %arg2[%add3A_267] : memref<163840xi32, #tpu.memory_space<hbm>> -> memref<128xi32, #tpu.memory_space<hbm>>
        tpu.wait_dma2 semaphore(%run_scoped3A : memref<!tpu.dma_semaphore, #tpu.memory_space<semaphore_mem>>) src(%dma_wait3A_715 : memref<128xi32, #tpu.memory_space<hbm>>) dst(%arg9 : memref<128xi32, #tpu.memory_space<vmem>>)
        tpu.yield
      }) : () -> ()
      %dma_start3A = arith.constant 0 : i32
      %dma_start3A_268 = arith.constant 0 : i32
      %dma_start3A_269 = tpu.memref_slice %arg3[%dma_start3A, %dma_start3A_268] : memref<10240x128xf32, #tpu.memory_space<hbm>> -> memref<10240x128xf32, #tpu.memory_space<hbm>>
      tpu.enqueue_indirect_dma source(%dma_start3A_269 : memref<10240x128xf32, #tpu.memory_space<hbm>>) target(%arg10 : memref<128x128xf32, #tpu.memory_space<vmem>>) offsets(%arg9 : memref<128xi32, #tpu.memory_space<vmem>>) semaphore(%arg15 : memref<!tpu.dma_semaphore, #tpu.memory_space<semaphore_mem>>)
      %get3A = arith.constant 0 : index
      %get3A_270 = tpu.vector_load %arg9[%get3A] {strides = array<i32>} : memref<128xi32, #tpu.memory_space<vmem>>, vector<16xi32>,
      %jit3A = arith.constant 16 : i32
      %div3A = arith.divsi %add3A_267, %jit3A : i32
      %sign3A = arith.constant 0 : i32
      %sign3A_271 = arith.cmpi sgt, %add3A_267, %sign3A : i32
      %sign3A_272 = arith.extui %sign3A_271 : i1 to i32
      %sign3A_273 = arith.constant 0 : i32
      %sign3A_274 = arith.cmpi slt, %add3A_267, %sign3A_273 : i32
      %sign3A_275 = arith.extui %sign3A_274 : i1 to i32
      %sign3A_276 = arith.subi %sign3A_272, %sign3A_275 : i32
      %sign3A_277 = arith.constant 0 : i32
      %sign3A_278 = arith.cmpi sgt, %jit3A, %sign3A_277 : i32
      %sign3A_279 = arith.extui %sign3A_278 : i1 to i32
      %sign3A_280 = arith.constant 0 : i32
      %sign3A_281 = arith.cmpi slt, %jit3A, %sign3A_280 : i32
      %sign3A_282 = arith.extui %sign3A_281 : i1 to i32
      %sign3A_283 = arith.subi %sign3A_279, %sign3A_282 : i32
      %ne3A = arith.cmpi ne, %sign3A_276, %sign3A_283 : i32
      %rem3A = arith.remsi %add3A_267, %jit3A : i32
      %ne3A_284 = arith.constant 0 : i32
      %ne3A_285 = arith.cmpi ne, %rem3A, %ne3A_284 : i32
      %and3A = arith.andi %ne3A, %ne3A_285 : i1
      %sub3A = arith.constant 1 : i32
      %sub3A_286 = arith.subi %div3A, %sub3A : i32
      %select_n3A = arith.select %and3A, %sub3A_286, %div3A : i32
      %add3A_287 = arith.constant 0 : i32
      %add3A_288 = arith.addi %select_n3A, %add3A_287 : i32
      %broadcast_in_dim3A_289 = vector.broadcast %add3A_288 : i32 to vector<16xi32>
      %gather3A = tpu.vector_load_idx %arg12[%get3A_270] : memref<10240xf32, #tpu.memory_space<vmem>>[vector<16xi32>], vector<16xf32>,
      %gather3A_290 = tpu.vector_load_idx %arg12[%broadcast_in_dim3A_289] : memref<10240xf32, #tpu.memory_space<vmem>>[vector<16xi32>], vector<16xf32>,
      %sub3A_291 = arith.subf %gather3A, %gather3A_290 : vector<16xf32>
      %mul3A_292 = arith.constant 16 : i32
      %mul3A_293 = vector.broadcast %mul3A_292 : i32 to vector<16xi32>
      %mul3A_294 = arith.muli %iota3A, %mul3A_293 : vector<16xi32>
      %add3A_295 = arith.constant 0 : i32
      %add3A_296 = vector.broadcast %add3A_295 : i32 to vector<16xi32>
      %add3A_297 = arith.addi %mul3A_294, %add3A_296 : vector<16xi32>
      tpu.vector_store_idx %arg11[%add3A_297], %sub3A_291 : memref<2048xf32, #tpu.memory_space<vmem>>[vector<16xi32>], vector<16xf32>,
      %gather3A_298 = tpu.vector_load_idx %arg13[%get3A_270] : memref<10240xf32, #tpu.memory_space<vmem>>[vector<16xi32>], vector<16xf32>,
      %gather3A_299 = tpu.vector_load_idx %arg13[%broadcast_in_dim3A_289] : memref<10240xf32, #tpu.memory_space<vmem>>[vector<16xi32>], vector<16xf32>,
      %sub3A_300 = arith.subf %gather3A_298, %gather3A_299 : vector<16xf32>
      %mul3A_301 = arith.constant 16 : i32
      %mul3A_302 = vector.broadcast %mul3A_301 : i32 to vector<16xi32>
      %mul3A_303 = arith.muli %iota3A, %mul3A_302 : vector<16xi32>
      %add3A_304 = arith.constant 1 : i32
      %add3A_305 = vector.broadcast %add3A_304 : i32 to vector<16xi32>
      %add3A_306 = arith.addi %mul3A_303, %add3A_305 : vector<16xi32>
      tpu.vector_store_idx %arg11[%add3A_306], %sub3A_300 : memref<2048xf32, #tpu.memory_space<vmem>>[vector<16xi32>], vector<16xf32>,
      %gather3A_307 = tpu.vector_load_idx %arg14[%get3A_270] : memref<10240xf32, #tpu.memory_space<vmem>>[vector<16xi32>], vector<16xf32>,
      %gather3A_308 = tpu.vector_load_idx %arg14[%broadcast_in_dim3A_289] : memref<10240xf32, #tpu.memory_space<vmem>>[vector<16xi32>], vector<16xf32>,
      %sub3A_309 = arith.subf %gather3A_307, %gather3A_308 : vector<16xf32>
      %mul3A_310 = arith.constant 16 : i32
      %mul3A_311 = vector.broadcast %mul3A_310 : i32 to vector<16xi32>
      %mul3A_312 = arith.muli %iota3A, %mul3A_311 : vector<16xi32>
      %add3A_313 = arith.constant 2 : i32
      %add3A_314 = vector.broadcast %add3A_313 : i32 to vector<16xi32>
      %add3A_315 = arith.addi %mul3A_312, %add3A_314 : vector<16xi32>
      tpu.vector_store_idx %arg11[%add3A_315], %sub3A_309 : memref<2048xf32, #tpu.memory_space<vmem>>[vector<16xi32>], vector<16xf32>,
      %get3A_316 = arith.constant 16 : index
      %get3A_317 = tpu.vector_load %arg9[%get3A_316] {strides = array<i32>} : memref<128xi32, #tpu.memory_space<vmem>>, vector<16xi32>,
      %jit3A_318 = arith.constant 16 : i32
      %div3A_319 = arith.divsi %add3A_267, %jit3A_318 : i32
      %sign3A_320 = arith.constant 0 : i32
      %sign3A_321 = arith.cmpi sgt, %add3A_267, %sign3A_320 : i32
      %sign3A_322 = arith.extui %sign3A_321 : i1 to i32
      %sign3A_323 = arith.constant 0 : i32
      %sign3A_324 = arith.cmpi slt, %add3A_267, %sign3A_323 : i32
      %sign3A_325 = arith.extui %sign3A_324 : i1 to i32
      %sign3A_326 = arith.subi %sign3A_322, %sign3A_325 : i32
      %sign3A_327 = arith.constant 0 : i32
      %sign3A_328 = arith.cmpi sgt, %jit3A_318, %sign3A_327 : i32
      %sign3A_329 = arith.extui %sign3A_328 : i1 to i32
      %sign3A_330 = arith.constant 0 : i32
      %sign3A_331 = arith.cmpi slt, %jit3A_318, %sign3A_330 : i32
      %sign3A_332 = arith.extui %sign3A_331 : i1 to i32
      %sign3A_333 = arith.subi %sign3A_329, %sign3A_332 : i32
      %ne3A_334 = arith.cmpi ne, %sign3A_326, %sign3A_333 : i32
      %rem3A_335 = arith.remsi %add3A_267, %jit3A_318 : i32
      %ne3A_336 = arith.constant 0 : i32
      %ne3A_337 = arith.cmpi ne, %rem3A_335, %ne3A_336 : i32
      %and3A_338 = arith.andi %ne3A_334, %ne3A_337 : i1
      %sub3A_339 = arith.constant 1 : i32
      %sub3A_340 = arith.subi %div3A_319, %sub3A_339 : i32
      %select_n3A_341 = arith.select %and3A_338, %sub3A_340, %div3A_319 : i32
      %add3A_342 = arith.constant 1 : i32
      %add3A_343 = arith.addi %select_n3A_341, %add3A_342 : i32
      %broadcast_in_dim3A_344 = vector.broadcast %add3A_343 : i32 to vector<16xi32>
      %gather3A_345 = tpu.vector_load_idx %arg12[%get3A_317] : memref<10240xf32, #tpu.memory_space<vmem>>[vector<16xi32>], vector<16xf32>,
      %gather3A_346 = tpu.vector_load_idx %arg12[%broadcast_in_dim3A_344] : memref<10240xf32, #tpu.memory_space<vmem>>[vector<16xi32>], vector<16xf32>,
      %sub3A_347 = arith.subf %gather3A_345, %gather3A_346 : vector<16xf32>
      %mul3A_348 = arith.constant 16 : i32
      %mul3A_349 = vector.broadcast %mul3A_348 : i32 to vector<16xi32>
      %mul3A_350 = arith.muli %iota3A, %mul3A_349 : vector<16xi32>
      %add3A_351 = arith.constant 256 : i32
      %add3A_352 = vector.broadcast %add3A_351 : i32 to vector<16xi32>
      %add3A_353 = arith.addi %mul3A_350, %add3A_352 : vector<16xi32>
      tpu.vector_store_idx %arg11[%add3A_353], %sub3A_347 : memref<2048xf32, #tpu.memory_space<vmem>>[vector<16xi32>], vector<16xf32>,
      %gather3A_354 = tpu.vector_load_idx %arg13[%get3A_317] : memref<10240xf32, #tpu.memory_space<vmem>>[vector<16xi32>], vector<16xf32>,
      %gather3A_355 = tpu.vector_load_idx %arg13[%broadcast_in_dim3A_344] : memref<10240xf32, #tpu.memory_space<vmem>>[vector<16xi32>], vector<16xf32>,
      %sub3A_356 = arith.subf %gather3A_354, %gather3A_355 : vector<16xf32>
      %mul3A_357 = arith.constant 16 : i32
      %mul3A_358 = vector.broadcast %mul3A_357 : i32 to vector<16xi32>
      %mul3A_359 = arith.muli %iota3A, %mul3A_358 : vector<16xi32>
      %add3A_360 = arith.constant 257 : i32
      %add3A_361 = vector.broadcast %add3A_360 : i32 to vector<16xi32>
      %add3A_362 = arith.addi %mul3A_359, %add3A_361 : vector<16xi32>
      tpu.vector_store_idx %arg11[%add3A_362], %sub3A_356 : memref<2048xf32, #tpu.memory_space<vmem>>[vector<16xi32>], vector<16xf32>,
      %gather3A_363 = tpu.vector_load_idx %arg14[%get3A_317] : memref<10240xf32, #tpu.memory_space<vmem>>[vector<16xi32>], vector<16xf32>,
      %gather3A_364 = tpu.vector_load_idx %arg14[%broadcast_in_dim3A_344] : memref<10240xf32, #tpu.memory_space<vmem>>[vector<16xi32>], vector<16xf32>,
      %sub3A_365 = arith.subf %gather3A_363, %gather3A_364 : vector<16xf32>
      %mul3A_366 = arith.constant 16 : i32
      %mul3A_367 = vector.broadcast %mul3A_366 : i32 to vector<16xi32>
      %mul3A_368 = arith.muli %iota3A, %mul3A_367 : vector<16xi32>
      %add3A_369 = arith.constant 258 : i32
      %add3A_370 = vector.broadcast %add3A_369 : i32 to vector<16xi32>
      %add3A_371 = arith.addi %mul3A_368, %add3A_370 : vector<16xi32>
      tpu.vector_store_idx %arg11[%add3A_371], %sub3A_365 : memref<2048xf32, #tpu.memory_space<vmem>>[vector<16xi32>], vector<16xf32>,
      %get3A_372 = arith.constant 32 : index
      %get3A_373 = tpu.vector_load %arg9[%get3A_372] {strides = array<i32>} : memref<128xi32, #tpu.memory_space<vmem>>, vector<16xi32>,
      %jit3A_374 = arith.constant 16 : i32
      %div3A_375 = arith.divsi %add3A_267, %jit3A_374 : i32
      %sign3A_376 = arith.constant 0 : i32
      %sign3A_377 = arith.cmpi sgt, %add3A_267, %sign3A_376 : i32
      %sign3A_378 = arith.extui %sign3A_377 : i1 to i32
      %sign3A_379 = arith.constant 0 : i32
      %sign3A_380 = arith.cmpi slt, %add3A_267, %sign3A_379 : i32
      %sign3A_381 = arith.extui %sign3A_380 : i1 to i32
      %sign3A_382 = arith.subi %sign3A_378, %sign3A_381 : i32
      %sign3A_383 = arith.constant 0 : i32
      %sign3A_384 = arith.cmpi sgt, %jit3A_374, %sign3A_383 : i32
      %sign3A_385 = arith.extui %sign3A_384 : i1 to i32
      %sign3A_386 = arith.constant 0 : i32
      %sign3A_387 = arith.cmpi slt, %jit3A_374, %sign3A_386 : i32
      %sign3A_388 = arith.extui %sign3A_387 : i1 to i32
      %sign3A_389 = arith.subi %sign3A_385, %sign3A_388 : i32
      %ne3A_390 = arith.cmpi ne, %sign3A_382, %sign3A_389 : i32
      %rem3A_391 = arith.remsi %add3A_267, %jit3A_374 : i32
      %ne3A_392 = arith.constant 0 : i32
      %ne3A_393 = arith.cmpi ne, %rem3A_391, %ne3A_392 : i32
      %and3A_394 = arith.andi %ne3A_390, %ne3A_393 : i1
      %sub3A_395 = arith.constant 1 : i32
      %sub3A_396 = arith.subi %div3A_375, %sub3A_395 : i32
      %select_n3A_397 = arith.select %and3A_394, %sub3A_396, %div3A_375 : i32
      %add3A_398 = arith.constant 2 : i32
      %add3A_399 = arith.addi %select_n3A_397, %add3A_398 : i32
      %broadcast_in_dim3A_400 = vector.broadcast %add3A_399 : i32 to vector<16xi32>
      %gather3A_401 = tpu.vector_load_idx %arg12[%get3A_373] : memref<10240xf32, #tpu.memory_space<vmem>>[vector<16xi32>], vector<16xf32>,
      %gather3A_402 = tpu.vector_load_idx %arg12[%broadcast_in_dim3A_400] : memref<10240xf32, #tpu.memory_space<vmem>>[vector<16xi32>], vector<16xf32>,
      %sub3A_403 = arith.subf %gather3A_401, %gather3A_402 : vector<16xf32>
      %mul3A_404 = arith.constant 16 : i32
      %mul3A_405 = vector.broadcast %mul3A_404 : i32 to vector<16xi32>
      %mul3A_406 = arith.muli %iota3A, %mul3A_405 : vector<16xi32>
      %add3A_407 = arith.constant 512 : i32
      %add3A_408 = vector.broadcast %add3A_407 : i32 to vector<16xi32>
      %add3A_409 = arith.addi %mul3A_406, %add3A_408 : vector<16xi32>
      tpu.vector_store_idx %arg11[%add3A_409], %sub3A_403 : memref<2048xf32, #tpu.memory_space<vmem>>[vector<16xi32>], vector<16xf32>,
      %gather3A_410 = tpu.vector_load_idx %arg13[%get3A_373] : memref<10240xf32, #tpu.memory_space<vmem>>[vector<16xi32>], vector<16xf32>,
      %gather3A_411 = tpu.vector_load_idx %arg13[%broadcast_in_dim3A_400] : memref<10240xf32, #tpu.memory_space<vmem>>[vector<16xi32>], vector<16xf32>,
      %sub3A_412 = arith.subf %gather3A_410, %gather3A_411 : vector<16xf32>
      %mul3A_413 = arith.constant 16 : i32
      %mul3A_414 = vector.broadcast %mul3A_413 : i32 to vector<16xi32>
      %mul3A_415 = arith.muli %iota3A, %mul3A_414 : vector<16xi32>
      %add3A_416 = arith.constant 513 : i32
      %add3A_417 = vector.broadcast %add3A_416 : i32 to vector<16xi32>
      %add3A_418 = arith.addi %mul3A_415, %add3A_417 : vector<16xi32>
      tpu.vector_store_idx %arg11[%add3A_418], %sub3A_412 : memref<2048xf32, #tpu.memory_space<vmem>>[vector<16xi32>], vector<16xf32>,
      %gather3A_419 = tpu.vector_load_idx %arg14[%get3A_373] : memref<10240xf32, #tpu.memory_space<vmem>>[vector<16xi32>], vector<16xf32>,
      %gather3A_420 = tpu.vector_load_idx %arg14[%broadcast_in_dim3A_400] : memref<10240xf32, #tpu.memory_space<vmem>>[vector<16xi32>], vector<16xf32>,
      %sub3A_421 = arith.subf %gather3A_419, %gather3A_420 : vector<16xf32>
      %mul3A_422 = arith.constant 16 : i32
      %mul3A_423 = vector.broadcast %mul3A_422 : i32 to vector<16xi32>
      %mul3A_424 = arith.muli %iota3A, %mul3A_423 : vector<16xi32>
      %add3A_425 = arith.constant 514 : i32
      %add3A_426 = vector.broadcast %add3A_425 : i32 to vector<16xi32>
      %add3A_427 = arith.addi %mul3A_424, %add3A_426 : vector<16xi32>
      tpu.vector_store_idx %arg11[%add3A_427], %sub3A_421 : memref<2048xf32, #tpu.memory_space<vmem>>[vector<16xi32>], vector<16xf32>,
      %get3A_428 = arith.constant 48 : index
      %get3A_429 = tpu.vector_load %arg9[%get3A_428] {strides = array<i32>} : memref<128xi32, #tpu.memory_space<vmem>>, vector<16xi32>,
      %jit3A_430 = arith.constant 16 : i32
      %div3A_431 = arith.divsi %add3A_267, %jit3A_430 : i32
      %sign3A_432 = arith.constant 0 : i32
      %sign3A_433 = arith.cmpi sgt, %add3A_267, %sign3A_432 : i32
      %sign3A_434 = arith.extui %sign3A_433 : i1 to i32
      %sign3A_435 = arith.constant 0 : i32
      %sign3A_436 = arith.cmpi slt, %add3A_267, %sign3A_435 : i32
      %sign3A_437 = arith.extui %sign3A_436 : i1 to i32
      %sign3A_438 = arith.subi %sign3A_434, %sign3A_437 : i32
      %sign3A_439 = arith.constant 0 : i32
      %sign3A_440 = arith.cmpi sgt, %jit3A_430, %sign3A_439 : i32
      %sign3A_441 = arith.extui %sign3A_440 : i1 to i32
      %sign3A_442 = arith.constant 0 : i32
      %sign3A_443 = arith.cmpi slt, %jit3A_430, %sign3A_442 : i32
      %sign3A_444 = arith.extui %sign3A_443 : i1 to i32
      %sign3A_445 = arith.subi %sign3A_441, %sign3A_444 : i32
      %ne3A_446 = arith.cmpi ne, %sign3A_438, %sign3A_445 : i32
      %rem3A_447 = arith.remsi %add3A_267, %jit3A_430 : i32
      %ne3A_448 = arith.constant 0 : i32
      %ne3A_449 = arith.cmpi ne, %rem3A_447, %ne3A_448 : i32
      %and3A_450 = arith.andi %ne3A_446, %ne3A_449 : i1
      %sub3A_451 = arith.constant 1 : i32
      %sub3A_452 = arith.subi %div3A_431, %sub3A_451 : i32
      %select_n3A_453 = arith.select %and3A_450, %sub3A_452, %div3A_431 : i32
      %add3A_454 = arith.constant 3 : i32
      %add3A_455 = arith.addi %select_n3A_453, %add3A_454 : i32
      %broadcast_in_dim3A_456 = vector.broadcast %add3A_455 : i32 to vector<16xi32>
      %gather3A_457 = tpu.vector_load_idx %arg12[%get3A_429] : memref<10240xf32, #tpu.memory_space<vmem>>[vector<16xi32>], vector<16xf32>,
      %gather3A_458 = tpu.vector_load_idx %arg12[%broadcast_in_dim3A_456] : memref<10240xf32, #tpu.memory_space<vmem>>[vector<16xi32>], vector<16xf32>,
      %sub3A_459 = arith.subf %gather3A_457, %gather3A_458 : vector<16xf32>
      %mul3A_460 = arith.constant 16 : i32
      %mul3A_461 = vector.broadcast %mul3A_460 : i32 to vector<16xi32>
      %mul3A_462 = arith.muli %iota3A, %mul3A_461 : vector<16xi32>
      %add3A_463 = arith.constant 768 : i32
      %add3A_464 = vector.broadcast %add3A_463 : i32 to vector<16xi32>
      %add3A_465 = arith.addi %mul3A_462, %add3A_464 : vector<16xi32>
      tpu.vector_store_idx %arg11[%add3A_465], %sub3A_459 : memref<2048xf32, #tpu.memory_space<vmem>>[vector<16xi32>], vector<16xf32>,
      %gather3A_466 = tpu.vector_load_idx %arg13[%get3A_429] : memref<10240xf32, #tpu.memory_space<vmem>>[vector<16xi32>], vector<16xf32>,
      %gather3A_467 = tpu.vector_load_idx %arg13[%broadcast_in_dim3A_456] : memref<10240xf32, #tpu.memory_space<vmem>>[vector<16xi32>], vector<16xf32>,
      %sub3A_468 = arith.subf %gather3A_466, %gather3A_467 : vector<16xf32>
      %mul3A_469 = arith.constant 16 : i32
      %mul3A_470 = vector.broadcast %mul3A_469 : i32 to vector<16xi32>
      %mul3A_471 = arith.muli %iota3A, %mul3A_470 : vector<16xi32>
      %add3A_472 = arith.constant 769 : i32
      %add3A_473 = vector.broadcast %add3A_472 : i32 to vector<16xi32>
      %add3A_474 = arith.addi %mul3A_471, %add3A_473 : vector<16xi32>
      tpu.vector_store_idx %arg11[%add3A_474], %sub3A_468 : memref<2048xf32, #tpu.memory_space<vmem>>[vector<16xi32>], vector<16xf32>,
      %gather3A_475 = tpu.vector_load_idx %arg14[%get3A_429] : memref<10240xf32, #tpu.memory_space<vmem>>[vector<16xi32>], vector<16xf32>,
      %gather3A_476 = tpu.vector_load_idx %arg14[%broadcast_in_dim3A_456] : memref<10240xf32, #tpu.memory_space<vmem>>[vector<16xi32>], vector<16xf32>,
      %sub3A_477 = arith.subf %gather3A_475, %gather3A_476 : vector<16xf32>
      %mul3A_478 = arith.constant 16 : i32
      %mul3A_479 = vector.broadcast %mul3A_478 : i32 to vector<16xi32>
      %mul3A_480 = arith.muli %iota3A, %mul3A_479 : vector<16xi32>
      %add3A_481 = arith.constant 770 : i32
      %add3A_482 = vector.broadcast %add3A_481 : i32 to vector<16xi32>
      %add3A_483 = arith.addi %mul3A_480, %add3A_482 : vector<16xi32>
      tpu.vector_store_idx %arg11[%add3A_483], %sub3A_477 : memref<2048xf32, #tpu.memory_space<vmem>>[vector<16xi32>], vector<16xf32>,
      %get3A_484 = arith.constant 64 : index
      %get3A_485 = tpu.vector_load %arg9[%get3A_484] {strides = array<i32>} : memref<128xi32, #tpu.memory_space<vmem>>, vector<16xi32>,
      %jit3A_486 = arith.constant 16 : i32
      %div3A_487 = arith.divsi %add3A_267, %jit3A_486 : i32
      %sign3A_488 = arith.constant 0 : i32
      %sign3A_489 = arith.cmpi sgt, %add3A_267, %sign3A_488 : i32
      %sign3A_490 = arith.extui %sign3A_489 : i1 to i32
      %sign3A_491 = arith.constant 0 : i32
      %sign3A_492 = arith.cmpi slt, %add3A_267, %sign3A_491 : i32
      %sign3A_493 = arith.extui %sign3A_492 : i1 to i32
      %sign3A_494 = arith.subi %sign3A_490, %sign3A_493 : i32
      %sign3A_495 = arith.constant 0 : i32
      %sign3A_496 = arith.cmpi sgt, %jit3A_486, %sign3A_495 : i32
      %sign3A_497 = arith.extui %sign3A_496 : i1 to i32
      %sign3A_498 = arith.constant 0 : i32
      %sign3A_499 = arith.cmpi slt, %jit3A_486, %sign3A_498 : i32
      %sign3A_500 = arith.extui %sign3A_499 : i1 to i32
      %sign3A_501 = arith.subi %sign3A_497, %sign3A_500 : i32
      %ne3A_502 = arith.cmpi ne, %sign3A_494, %sign3A_501 : i32
      %rem3A_503 = arith.remsi %add3A_267, %jit3A_486 : i32
      %ne3A_504 = arith.constant 0 : i32
      %ne3A_505 = arith.cmpi ne, %rem3A_503, %ne3A_504 : i32
      %and3A_506 = arith.andi %ne3A_502, %ne3A_505 : i1
      %sub3A_507 = arith.constant 1 : i32
      %sub3A_508 = arith.subi %div3A_487, %sub3A_507 : i32
      %select_n3A_509 = arith.select %and3A_506, %sub3A_508, %div3A_487 : i32
      %add3A_510 = arith.constant 4 : i32
      %add3A_511 = arith.addi %select_n3A_509, %add3A_510 : i32
      %broadcast_in_dim3A_512 = vector.broadcast %add3A_511 : i32 to vector<16xi32>
      %gather3A_513 = tpu.vector_load_idx %arg12[%get3A_485] : memref<10240xf32, #tpu.memory_space<vmem>>[vector<16xi32>], vector<16xf32>,
      %gather3A_514 = tpu.vector_load_idx %arg12[%broadcast_in_dim3A_512] : memref<10240xf32, #tpu.memory_space<vmem>>[vector<16xi32>], vector<16xf32>,
      %sub3A_515 = arith.subf %gather3A_513, %gather3A_514 : vector<16xf32>
      %mul3A_516 = arith.constant 16 : i32
      %mul3A_517 = vector.broadcast %mul3A_516 : i32 to vector<16xi32>
      %mul3A_518 = arith.muli %iota3A, %mul3A_517 : vector<16xi32>
      %add3A_519 = arith.constant 1024 : i32
      %add3A_520 = vector.broadcast %add3A_519 : i32 to vector<16xi32>
      %add3A_521 = arith.addi %mul3A_518, %add3A_520 : vector<16xi32>
      tpu.vector_store_idx %arg11[%add3A_521], %sub3A_515 : memref<2048xf32, #tpu.memory_space<vmem>>[vector<16xi32>], vector<16xf32>,
      %gather3A_522 = tpu.vector_load_idx %arg13[%get3A_485] : memref<10240xf32, #tpu.memory_space<vmem>>[vector<16xi32>], vector<16xf32>,
      %gather3A_523 = tpu.vector_load_idx %arg13[%broadcast_in_dim3A_512] : memref<10240xf32, #tpu.memory_space<vmem>>[vector<16xi32>], vector<16xf32>,
      %sub3A_524 = arith.subf %gather3A_522, %gather3A_523 : vector<16xf32>
      %mul3A_525 = arith.constant 16 : i32
      %mul3A_526 = vector.broadcast %mul3A_525 : i32 to vector<16xi32>
      %mul3A_527 = arith.muli %iota3A, %mul3A_526 : vector<16xi32>
      %add3A_528 = arith.constant 1025 : i32
      %add3A_529 = vector.broadcast %add3A_528 : i32 to vector<16xi32>
      %add3A_530 = arith.addi %mul3A_527, %add3A_529 : vector<16xi32>
      tpu.vector_store_idx %arg11[%add3A_530], %sub3A_524 : memref<2048xf32, #tpu.memory_space<vmem>>[vector<16xi32>], vector<16xf32>,
      %gather3A_531 = tpu.vector_load_idx %arg14[%get3A_485] : memref<10240xf32, #tpu.memory_space<vmem>>[vector<16xi32>], vector<16xf32>,
      %gather3A_532 = tpu.vector_load_idx %arg14[%broadcast_in_dim3A_512] : memref<10240xf32, #tpu.memory_space<vmem>>[vector<16xi32>], vector<16xf32>,
      %sub3A_533 = arith.subf %gather3A_531, %gather3A_532 : vector<16xf32>
      %mul3A_534 = arith.constant 16 : i32
      %mul3A_535 = vector.broadcast %mul3A_534 : i32 to vector<16xi32>
      %mul3A_536 = arith.muli %iota3A, %mul3A_535 : vector<16xi32>
      %add3A_537 = arith.constant 1026 : i32
      %add3A_538 = vector.broadcast %add3A_537 : i32 to vector<16xi32>
      %add3A_539 = arith.addi %mul3A_536, %add3A_538 : vector<16xi32>
      tpu.vector_store_idx %arg11[%add3A_539], %sub3A_533 : memref<2048xf32, #tpu.memory_space<vmem>>[vector<16xi32>], vector<16xf32>,
      %get3A_540 = arith.constant 80 : index
      %get3A_541 = tpu.vector_load %arg9[%get3A_540] {strides = array<i32>} : memref<128xi32, #tpu.memory_space<vmem>>, vector<16xi32>,
      %jit3A_542 = arith.constant 16 : i32
      %div3A_543 = arith.divsi %add3A_267, %jit3A_542 : i32
      %sign3A_544 = arith.constant 0 : i32
      %sign3A_545 = arith.cmpi sgt, %add3A_267, %sign3A_544 : i32
      %sign3A_546 = arith.extui %sign3A_545 : i1 to i32
      %sign3A_547 = arith.constant 0 : i32
      %sign3A_548 = arith.cmpi slt, %add3A_267, %sign3A_547 : i32
      %sign3A_549 = arith.extui %sign3A_548 : i1 to i32
      %sign3A_550 = arith.subi %sign3A_546, %sign3A_549 : i32
      %sign3A_551 = arith.constant 0 : i32
      %sign3A_552 = arith.cmpi sgt, %jit3A_542, %sign3A_551 : i32
      %sign3A_553 = arith.extui %sign3A_552 : i1 to i32
      %sign3A_554 = arith.constant 0 : i32
      %sign3A_555 = arith.cmpi slt, %jit3A_542, %sign3A_554 : i32
      %sign3A_556 = arith.extui %sign3A_555 : i1 to i32
      %sign3A_557 = arith.subi %sign3A_553, %sign3A_556 : i32
      %ne3A_558 = arith.cmpi ne, %sign3A_550, %sign3A_557 : i32
      %rem3A_559 = arith.remsi %add3A_267, %jit3A_542 : i32
      %ne3A_560 = arith.constant 0 : i32
      %ne3A_561 = arith.cmpi ne, %rem3A_559, %ne3A_560 : i32
      %and3A_562 = arith.andi %ne3A_558, %ne3A_561 : i1
      %sub3A_563 = arith.constant 1 : i32
      %sub3A_564 = arith.subi %div3A_543, %sub3A_563 : i32
      %select_n3A_565 = arith.select %and3A_562, %sub3A_564, %div3A_543 : i32
      %add3A_566 = arith.constant 5 : i32
      %add3A_567 = arith.addi %select_n3A_565, %add3A_566 : i32
      %broadcast_in_dim3A_568 = vector.broadcast %add3A_567 : i32 to vector<16xi32>
      %gather3A_569 = tpu.vector_load_idx %arg12[%get3A_541] : memref<10240xf32, #tpu.memory_space<vmem>>[vector<16xi32>], vector<16xf32>,
      %gather3A_570 = tpu.vector_load_idx %arg12[%broadcast_in_dim3A_568] : memref<10240xf32, #tpu.memory_space<vmem>>[vector<16xi32>], vector<16xf32>,
      %sub3A_571 = arith.subf %gather3A_569, %gather3A_570 : vector<16xf32>
      %mul3A_572 = arith.constant 16 : i32
      %mul3A_573 = vector.broadcast %mul3A_572 : i32 to vector<16xi32>
      %mul3A_574 = arith.muli %iota3A, %mul3A_573 : vector<16xi32>
      %add3A_575 = arith.constant 1280 : i32
      %add3A_576 = vector.broadcast %add3A_575 : i32 to vector<16xi32>
      %add3A_577 = arith.addi %mul3A_574, %add3A_576 : vector<16xi32>
      tpu.vector_store_idx %arg11[%add3A_577], %sub3A_571 : memref<2048xf32, #tpu.memory_space<vmem>>[vector<16xi32>], vector<16xf32>,
      %gather3A_578 = tpu.vector_load_idx %arg13[%get3A_541] : memref<10240xf32, #tpu.memory_space<vmem>>[vector<16xi32>], vector<16xf32>,
      %gather3A_579 = tpu.vector_load_idx %arg13[%broadcast_in_dim3A_568] : memref<10240xf32, #tpu.memory_space<vmem>>[vector<16xi32>], vector<16xf32>,
      %sub3A_580 = arith.subf %gather3A_578, %gather3A_579 : vector<16xf32>
      %mul3A_581 = arith.constant 16 : i32
      %mul3A_582 = vector.broadcast %mul3A_581 : i32 to vector<16xi32>
      %mul3A_583 = arith.muli %iota3A, %mul3A_582 : vector<16xi32>
      %add3A_584 = arith.constant 1281 : i32
      %add3A_585 = vector.broadcast %add3A_584 : i32 to vector<16xi32>
      %add3A_586 = arith.addi %mul3A_583, %add3A_585 : vector<16xi32>
      tpu.vector_store_idx %arg11[%add3A_586], %sub3A_580 : memref<2048xf32, #tpu.memory_space<vmem>>[vector<16xi32>], vector<16xf32>,
      %gather3A_587 = tpu.vector_load_idx %arg14[%get3A_541] : memref<10240xf32, #tpu.memory_space<vmem>>[vector<16xi32>], vector<16xf32>,
      %gather3A_588 = tpu.vector_load_idx %arg14[%broadcast_in_dim3A_568] : memref<10240xf32, #tpu.memory_space<vmem>>[vector<16xi32>], vector<16xf32>,
      %sub3A_589 = arith.subf %gather3A_587, %gather3A_588 : vector<16xf32>
      %mul3A_590 = arith.constant 16 : i32
      %mul3A_591 = vector.broadcast %mul3A_590 : i32 to vector<16xi32>
      %mul3A_592 = arith.muli %iota3A, %mul3A_591 : vector<16xi32>
      %add3A_593 = arith.constant 1282 : i32
      %add3A_594 = vector.broadcast %add3A_593 : i32 to vector<16xi32>
      %add3A_595 = arith.addi %mul3A_592, %add3A_594 : vector<16xi32>
      tpu.vector_store_idx %arg11[%add3A_595], %sub3A_589 : memref<2048xf32, #tpu.memory_space<vmem>>[vector<16xi32>], vector<16xf32>,
      %get3A_596 = arith.constant 96 : index
      %get3A_597 = tpu.vector_load %arg9[%get3A_596] {strides = array<i32>} : memref<128xi32, #tpu.memory_space<vmem>>, vector<16xi32>,
      %jit3A_598 = arith.constant 16 : i32
      %div3A_599 = arith.divsi %add3A_267, %jit3A_598 : i32
      %sign3A_600 = arith.constant 0 : i32
      %sign3A_601 = arith.cmpi sgt, %add3A_267, %sign3A_600 : i32
      %sign3A_602 = arith.extui %sign3A_601 : i1 to i32
      %sign3A_603 = arith.constant 0 : i32
      %sign3A_604 = arith.cmpi slt, %add3A_267, %sign3A_603 : i32
      %sign3A_605 = arith.extui %sign3A_604 : i1 to i32
      %sign3A_606 = arith.subi %sign3A_602, %sign3A_605 : i32
      %sign3A_607 = arith.constant 0 : i32
      %sign3A_608 = arith.cmpi sgt, %jit3A_598, %sign3A_607 : i32
      %sign3A_609 = arith.extui %sign3A_608 : i1 to i32
      %sign3A_610 = arith.constant 0 : i32
      %sign3A_611 = arith.cmpi slt, %jit3A_598, %sign3A_610 : i32
      %sign3A_612 = arith.extui %sign3A_611 : i1 to i32
      %sign3A_613 = arith.subi %sign3A_609, %sign3A_612 : i32
      %ne3A_614 = arith.cmpi ne, %sign3A_606, %sign3A_613 : i32
      %rem3A_615 = arith.remsi %add3A_267, %jit3A_598 : i32
      %ne3A_616 = arith.constant 0 : i32
      %ne3A_617 = arith.cmpi ne, %rem3A_615, %ne3A_616 : i32
      %and3A_618 = arith.andi %ne3A_614, %ne3A_617 : i1
      %sub3A_619 = arith.constant 1 : i32
      %sub3A_620 = arith.subi %div3A_599, %sub3A_619 : i32
      %select_n3A_621 = arith.select %and3A_618, %sub3A_620, %div3A_599 : i32
      %add3A_622 = arith.constant 6 : i32
      %add3A_623 = arith.addi %select_n3A_621, %add3A_622 : i32
      %broadcast_in_dim3A_624 = vector.broadcast %add3A_623 : i32 to vector<16xi32>
      %gather3A_625 = tpu.vector_load_idx %arg12[%get3A_597] : memref<10240xf32, #tpu.memory_space<vmem>>[vector<16xi32>], vector<16xf32>,
      %gather3A_626 = tpu.vector_load_idx %arg12[%broadcast_in_dim3A_624] : memref<10240xf32, #tpu.memory_space<vmem>>[vector<16xi32>], vector<16xf32>,
      %sub3A_627 = arith.subf %gather3A_625, %gather3A_626 : vector<16xf32>
      %mul3A_628 = arith.constant 16 : i32
      %mul3A_629 = vector.broadcast %mul3A_628 : i32 to vector<16xi32>
      %mul3A_630 = arith.muli %iota3A, %mul3A_629 : vector<16xi32>
      %add3A_631 = arith.constant 1536 : i32
      %add3A_632 = vector.broadcast %add3A_631 : i32 to vector<16xi32>
      %add3A_633 = arith.addi %mul3A_630, %add3A_632 : vector<16xi32>
      tpu.vector_store_idx %arg11[%add3A_633], %sub3A_627 : memref<2048xf32, #tpu.memory_space<vmem>>[vector<16xi32>], vector<16xf32>,
      %gather3A_634 = tpu.vector_load_idx %arg13[%get3A_597] : memref<10240xf32, #tpu.memory_space<vmem>>[vector<16xi32>], vector<16xf32>,
      %gather3A_635 = tpu.vector_load_idx %arg13[%broadcast_in_dim3A_624] : memref<10240xf32, #tpu.memory_space<vmem>>[vector<16xi32>], vector<16xf32>,
      %sub3A_636 = arith.subf %gather3A_634, %gather3A_635 : vector<16xf32>
      %mul3A_637 = arith.constant 16 : i32
      %mul3A_638 = vector.broadcast %mul3A_637 : i32 to vector<16xi32>
      %mul3A_639 = arith.muli %iota3A, %mul3A_638 : vector<16xi32>
      %add3A_640 = arith.constant 1537 : i32
      %add3A_641 = vector.broadcast %add3A_640 : i32 to vector<16xi32>
      %add3A_642 = arith.addi %mul3A_639, %add3A_641 : vector<16xi32>
      tpu.vector_store_idx %arg11[%add3A_642], %sub3A_636 : memref<2048xf32, #tpu.memory_space<vmem>>[vector<16xi32>], vector<16xf32>,
      %gather3A_643 = tpu.vector_load_idx %arg14[%get3A_597] : memref<10240xf32, #tpu.memory_space<vmem>>[vector<16xi32>], vector<16xf32>,
      %gather3A_644 = tpu.vector_load_idx %arg14[%broadcast_in_dim3A_624] : memref<10240xf32, #tpu.memory_space<vmem>>[vector<16xi32>], vector<16xf32>,
      %sub3A_645 = arith.subf %gather3A_643, %gather3A_644 : vector<16xf32>
      %mul3A_646 = arith.constant 16 : i32
      %mul3A_647 = vector.broadcast %mul3A_646 : i32 to vector<16xi32>
      %mul3A_648 = arith.muli %iota3A, %mul3A_647 : vector<16xi32>
      %add3A_649 = arith.constant 1538 : i32
      %add3A_650 = vector.broadcast %add3A_649 : i32 to vector<16xi32>
      %add3A_651 = arith.addi %mul3A_648, %add3A_650 : vector<16xi32>
      tpu.vector_store_idx %arg11[%add3A_651], %sub3A_645 : memref<2048xf32, #tpu.memory_space<vmem>>[vector<16xi32>], vector<16xf32>,
      %get3A_652 = arith.constant 112 : index
      %get3A_653 = tpu.vector_load %arg9[%get3A_652] {strides = array<i32>} : memref<128xi32, #tpu.memory_space<vmem>>, vector<16xi32>,
      %jit3A_654 = arith.constant 16 : i32
      %div3A_655 = arith.divsi %add3A_267, %jit3A_654 : i32
      %sign3A_656 = arith.constant 0 : i32
      %sign3A_657 = arith.cmpi sgt, %add3A_267, %sign3A_656 : i32
      %sign3A_658 = arith.extui %sign3A_657 : i1 to i32
      %sign3A_659 = arith.constant 0 : i32
      %sign3A_660 = arith.cmpi slt, %add3A_267, %sign3A_659 : i32
      %sign3A_661 = arith.extui %sign3A_660 : i1 to i32
      %sign3A_662 = arith.subi %sign3A_658, %sign3A_661 : i32
      %sign3A_663 = arith.constant 0 : i32
      %sign3A_664 = arith.cmpi sgt, %jit3A_654, %sign3A_663 : i32
      %sign3A_665 = arith.extui %sign3A_664 : i1 to i32
      %sign3A_666 = arith.constant 0 : i32
      %sign3A_667 = arith.cmpi slt, %jit3A_654, %sign3A_666 : i32
      %sign3A_668 = arith.extui %sign3A_667 : i1 to i32
      %sign3A_669 = arith.subi %sign3A_665, %sign3A_668 : i32
      %ne3A_670 = arith.cmpi ne, %sign3A_662, %sign3A_669 : i32
      %rem3A_671 = arith.remsi %add3A_267, %jit3A_654 : i32
      %ne3A_672 = arith.constant 0 : i32
      %ne3A_673 = arith.cmpi ne, %rem3A_671, %ne3A_672 : i32
      %and3A_674 = arith.andi %ne3A_670, %ne3A_673 : i1
      %sub3A_675 = arith.constant 1 : i32
      %sub3A_676 = arith.subi %div3A_655, %sub3A_675 : i32
      %select_n3A_677 = arith.select %and3A_674, %sub3A_676, %div3A_655 : i32
      %add3A_678 = arith.constant 7 : i32
      %add3A_679 = arith.addi %select_n3A_677, %add3A_678 : i32
      %broadcast_in_dim3A_680 = vector.broadcast %add3A_679 : i32 to vector<16xi32>
      %gather3A_681 = tpu.vector_load_idx %arg12[%get3A_653] : memref<10240xf32, #tpu.memory_space<vmem>>[vector<16xi32>], vector<16xf32>,
      %gather3A_682 = tpu.vector_load_idx %arg12[%broadcast_in_dim3A_680] : memref<10240xf32, #tpu.memory_space<vmem>>[vector<16xi32>], vector<16xf32>,
      %sub3A_683 = arith.subf %gather3A_681, %gather3A_682 : vector<16xf32>
      %mul3A_684 = arith.constant 16 : i32
      %mul3A_685 = vector.broadcast %mul3A_684 : i32 to vector<16xi32>
      %mul3A_686 = arith.muli %iota3A, %mul3A_685 : vector<16xi32>
      %add3A_687 = arith.constant 1792 : i32
      %add3A_688 = vector.broadcast %add3A_687 : i32 to vector<16xi32>
      %add3A_689 = arith.addi %mul3A_686, %add3A_688 : vector<16xi32>
      tpu.vector_store_idx %arg11[%add3A_689], %sub3A_683 : memref<2048xf32, #tpu.memory_space<vmem>>[vector<16xi32>], vector<16xf32>,
      %gather3A_690 = tpu.vector_load_idx %arg13[%get3A_653] : memref<10240xf32, #tpu.memory_space<vmem>>[vector<16xi32>], vector<16xf32>,
      %gather3A_691 = tpu.vector_load_idx %arg13[%broadcast_in_dim3A_680] : memref<10240xf32, #tpu.memory_space<vmem>>[vector<16xi32>], vector<16xf32>,
      %sub3A_692 = arith.subf %gather3A_690, %gather3A_691 : vector<16xf32>
      %mul3A_693 = arith.constant 16 : i32
      %mul3A_694 = vector.broadcast %mul3A_693 : i32 to vector<16xi32>
      %mul3A_695 = arith.muli %iota3A, %mul3A_694 : vector<16xi32>
      %add3A_696 = arith.constant 1793 : i32
      %add3A_697 = vector.broadcast %add3A_696 : i32 to vector<16xi32>
      %add3A_698 = arith.addi %mul3A_695, %add3A_697 : vector<16xi32>
      tpu.vector_store_idx %arg11[%add3A_698], %sub3A_692 : memref<2048xf32, #tpu.memory_space<vmem>>[vector<16xi32>], vector<16xf32>,
      %gather3A_699 = tpu.vector_load_idx %arg14[%get3A_653] : memref<10240xf32, #tpu.memory_space<vmem>>[vector<16xi32>], vector<16xf32>,
      %gather3A_700 = tpu.vector_load_idx %arg14[%broadcast_in_dim3A_680] : memref<10240xf32, #tpu.memory_space<vmem>>[vector<16xi32>], vector<16xf32>,
      %sub3A_701 = arith.subf %gather3A_699, %gather3A_700 : vector<16xf32>
      %mul3A_702 = arith.constant 16 : i32
      %mul3A_703 = vector.broadcast %mul3A_702 : i32 to vector<16xi32>
      %mul3A_704 = arith.muli %iota3A, %mul3A_703 : vector<16xi32>
      %add3A_705 = arith.constant 1794 : i32
      %add3A_706 = vector.broadcast %add3A_705 : i32 to vector<16xi32>
      %add3A_707 = arith.addi %mul3A_704, %add3A_706 : vector<16xi32>
      tpu.vector_store_idx %arg11[%add3A_707], %sub3A_701 : memref<2048xf32, #tpu.memory_space<vmem>>[vector<16xi32>], vector<16xf32>,
      %dma_wait3A = arith.constant 0 : i32
      %dma_wait3A_708 = arith.constant 0 : i32
      %dma_wait3A_709 = tpu.memref_slice %arg3[%dma_wait3A, %dma_wait3A_708] : memref<10240x128xf32, #tpu.memory_space<hbm>> -> memref<10240x128xf32, #tpu.memory_space<hbm>>
      tpu.wait_indirect_dma semaphore(%arg15 : memref<!tpu.dma_semaphore, #tpu.memory_space<semaphore_mem>>) src(%dma_wait3A_709 : memref<10240x128xf32, #tpu.memory_space<hbm>>) dst(%arg10 : memref<128x128xf32, #tpu.memory_space<vmem>>)
      "tpu.region"() ({
        %run_scoped3A = tpu.sem_alloc : memref<!tpu.dma_semaphore, #tpu.memory_space<semaphore_mem>>
        %dma_start3A_712 = arith.constant 0 : i32
        %dma_start3A_713 = tpu.memref_slice %arg7[%add3A_267, %dma_start3A_712] : memref<163840x128xf32, #tpu.memory_space<hbm>> -> memref<128x128xf32, #tpu.memory_space<hbm>>
        %dma_start3A_714 = arith.constant 0 : i32
        %dma_start3A_715 = tpu.memref_slice %arg7[%add3A_267, %dma_start3A_714] : memref<163840x128xf32, #tpu.memory_space<hbm>> -> memref<128x128xf32, #tpu.memory_space<hbm>>
        tpu.enqueue_dma source(%arg10 : memref<128x128xf32, #tpu.memory_space<vmem>>) target(%dma_start3A_715 : memref<128x128xf32, #tpu.memory_space<hbm>>) target_semaphore(%run_scoped3A : memref<!tpu.dma_semaphore, #tpu.memory_space<semaphore_mem>>)
        %dma_wait3A_716 = arith.constant 0 : i32
        %dma_wait3A_717 = tpu.memref_slice %arg7[%add3A_267, %dma_wait3A_716] : memref<163840x128xf32, #tpu.memory_space<hbm>> -> memref<128x128xf32, #tpu.memory_space<hbm>>
        %dma_wait3A_718 = arith.constant 0 : i32
        %dma_wait3A_719 = tpu.memref_slice %arg7[%add3A_267, %dma_wait3A_718] : memref<163840x128xf32, #tpu.memory_space<hbm>> -> memref<128x128xf32, #tpu.memory_space<hbm>>
        tpu.wait_dma2 semaphore(%run_scoped3A : memref<!tpu.dma_semaphore, #tpu.memory_space<semaphore_mem>>) src(%arg10 : memref<128x128xf32, #tpu.memory_space<vmem>>) dst(%dma_wait3A_719 : memref<128x128xf32, #tpu.memory_space<hbm>>)
        tpu.yield
      }) : () -> ()
      %mul3A_710 = arith.constant 16 : i32
      %mul3A_711 = arith.muli %add3A_267, %mul3A_710 : i32
      "tpu.region"() ({
        %run_scoped3A = tpu.sem_alloc : memref<!tpu.dma_semaphore, #tpu.memory_space<semaphore_mem>>
        %dma_start3A_712 = tpu.memref_slice %arg8[%mul3A_711] : memref<2621440xf32, #tpu.memory_space<hbm>> -> memref<2048xf32, #tpu.memory_space<hbm>>
        %dma_start3A_713 = tpu.memref_slice %arg8[%mul3A_711] : memref<2621440xf32, #tpu.memory_space<hbm>> -> memref<2048xf32, #tpu.memory_space<hbm>>
        tpu.enqueue_dma source(%arg11 : memref<2048xf32, #tpu.memory_space<vmem>>) target(%dma_start3A_713 : memref<2048xf32, #tpu.memory_space<hbm>>) target_semaphore(%run_scoped3A : memref<!tpu.dma_semaphore, #tpu.memory_space<semaphore_mem>>)
        %dma_wait3A_714 = tpu.memref_slice %arg8[%mul3A_711] : memref<2621440xf32, #tpu.memory_space<hbm>> -> memref<2048xf32, #tpu.memory_space<hbm>>
        %dma_wait3A_715 = tpu.memref_slice %arg8[%mul3A_711] : memref<2621440xf32, #tpu.memory_space<hbm>> -> memref<2048xf32, #tpu.memory_space<hbm>>
        tpu.wait_dma2 semaphore(%run_scoped3A : memref<!tpu.dma_semaphore, #tpu.memory_space<semaphore_mem>>) src(%arg11 : memref<2048xf32, #tpu.memory_space<vmem>>) dst(%dma_wait3A_715 : memref<2048xf32, #tpu.memory_space<hbm>>)
        tpu.yield
      }) : () -> ()
    }
    %scan3A_263 = arith.constant 40 : i32
    return
  }
}

module attributes {stable_mosaic.version = 14 : i64} {
  func.func @_knn_body(%arg0: i32, %arg1: memref<256x16xf32, #tpu.memory_space<vmem>>, %arg2: memref<16x10240xf32, #tpu.memory_space<vmem>>, %arg3: memref<256x16xi32, #tpu.memory_space<vmem>>) attributes {dimension_semantics = [#tpu.dimension_semantics<arbitrary>], iteration_bounds = array<i64: 40>, scalar_prefetch = 0 : i64, scratch_operands = 0 : i64, tpu.core_type = #tpu.core_type<tc>, window_params = [{transform_indices = @transform_0, window_bounds = array<i64: 256, 16>}, {pipeline_mode = #tpu.pipeline_mode<synchronous>, transform_indices = @transform_1, window_bounds = array<i64: 16, 10240>}, {transform_indices = @transform_2, window_bounds = array<i64: 256, 16>}]} {
    %get3A = arith.constant 0 : index
    %get3A_0 = arith.constant 0 : index
    %get3A_1 = vector.load %arg1[%get3A, %get3A_0] : memref<256x16xf32, #tpu.memory_space<vmem>>, vector<256x16xf32>
    %get3A_2 = arith.constant 0 : index
    %get3A_3 = arith.constant 0 : index
    %get3A_4 = vector.load %arg2[%get3A_2, %get3A_3] : memref<16x10240xf32, #tpu.memory_space<vmem>>, vector<16x10240xf32>
    %mul3A = arith.mulf %get3A_4, %get3A_4 : vector<16x10240xf32>
    %reduce_sum3A = arith.constant dense<0.000000e+00> : vector<10240xf32>
    %reduce_sum3A_5 = vector.multi_reduction <add>, %mul3A, %reduce_sum3A [0] : vector<16x10240xf32> to vector<10240xf32>
    %broadcast_in_dim3A = vector.shape_cast %reduce_sum3A_5 : vector<10240xf32> to vector<1x10240xf32>
    %iota3A = tpu.iota {dimensions = array<i32: 1>} : vector<1x10240xi32>
    %ge3A = arith.constant 10000 : i32
    %ge3A_6 = vector.broadcast %ge3A : i32 to vector<1x10240xi32>
    %ge3A_7 = arith.cmpi sge, %iota3A, %ge3A_6 : vector<1x10240xi32>
    %jit3A = arith.constant 0x7F800000 : f32
    %broadcast_in_dim3A_8 = vector.broadcast %jit3A : f32 to vector<1x10240xf32>
    %select_n3A = arith.select %ge3A_7, %broadcast_in_dim3A_8, %broadcast_in_dim3A : vector<1x10240xi1>, vector<1x10240xf32>
    %mul3A_9 = arith.mulf %get3A_1, %get3A_1 : vector<256x16xf32>
    %reduce_sum3A_10 = arith.constant dense<0.000000e+00> : vector<256xf32>
    %reduce_sum3A_11 = vector.multi_reduction <add>, %mul3A_9, %reduce_sum3A_10 [1] : vector<256x16xf32> to vector<256xf32>
    %broadcast_in_dim3A_12 = vector.shape_cast %reduce_sum3A_11 : vector<256xf32> to vector<256x1xf32>
    %add3A = vector.broadcast %broadcast_in_dim3A_12 : vector<256x1xf32> to vector<256x10240xf32>
    %add3A_13 = vector.broadcast %select_n3A : vector<1x10240xf32> to vector<256x10240xf32>
    %add3A_14 = arith.addf %add3A, %add3A_13 : vector<256x10240xf32>
    %dot_general3A = arith.constant dense<0.000000e+00> : vector<256x10240xf32>
    %dot_general3A_15 = tpu.matmul %get3A_1, %get3A_4, %dot_general3A {dimension_numbers = #tpu.dot_dimension_numbers<[1], [0], [0], [1], [0, 0, 1, 1], [], []>, transpose_lhs_hint = false} : vector<256x16xf32>, vector<16x10240xf32>, vector<256x10240xf32> -> vector<256x10240xf32>
    %mul3A_16 = arith.constant 2.000000e+00 : f32
    %mul3A_17 = vector.broadcast %mul3A_16 : f32 to vector<256x10240xf32>
    %mul3A_18 = arith.mulf %mul3A_17, %dot_general3A_15 : vector<256x10240xf32>
    %sub3A = arith.subf %add3A_14, %mul3A_18 : vector<256x10240xf32>
    %iota3A_19 = tpu.iota {dimensions = array<i32: 1>} : vector<256x10240xi32>
    %convert_element_type3A = arith.sitofp %iota3A_19 : vector<256x10240xi32> to vector<256x10240xf32>
    %reduce_min3A = arith.constant dense<0x7F800000> : vector<256xf32>
    %reduce_min3A_20 = vector.multi_reduction <minimumf>, %sub3A, %reduce_min3A [1] : vector<256x10240xf32> to vector<256xf32>
    %broadcast_in_dim3A_21 = vector.shape_cast %reduce_min3A_20 : vector<256xf32> to vector<256x1xf32>
    %le3A = vector.broadcast %broadcast_in_dim3A_21 : vector<256x1xf32> to vector<256x10240xf32>
    %le3A_22 = arith.cmpf ole, %sub3A, %le3A : vector<256x10240xf32>
    %jit3A_23 = arith.constant 1.07374182E+9 : f32
    %broadcast_in_dim3A_24 = vector.broadcast %jit3A_23 : f32 to vector<256x10240xf32>
    %select_n3A_25 = arith.select %le3A_22, %convert_element_type3A, %broadcast_in_dim3A_24 : vector<256x10240xi1>, vector<256x10240xf32>
    %reduce_min3A_26 = arith.constant dense<0x7F800000> : vector<256xf32>
    %reduce_min3A_27 = vector.multi_reduction <minimumf>, %select_n3A_25, %reduce_min3A_26 [1] : vector<256x10240xf32> to vector<256xf32>
    %broadcast_in_dim3A_28 = vector.shape_cast %reduce_min3A_27 : vector<256xf32> to vector<256x1xf32>
    %convert_element_type3A_29 = arith.fptosi %broadcast_in_dim3A_28 : vector<256x1xf32> to vector<256x1xi32>
    %eq3A = vector.broadcast %broadcast_in_dim3A_28 : vector<256x1xf32> to vector<256x10240xf32>
    %eq3A_30 = arith.cmpf oeq, %convert_element_type3A, %eq3A : vector<256x10240xf32>
    %jit3A_31 = arith.constant 0x7F800000 : f32
    %broadcast_in_dim3A_32 = vector.broadcast %jit3A_31 : f32 to vector<256x10240xf32>
    %select_n3A_33 = arith.select %eq3A_30, %broadcast_in_dim3A_32, %sub3A : vector<256x10240xi1>, vector<256x10240xf32>
    %reduce_min3A_34 = arith.constant dense<0x7F800000> : vector<256xf32>
    %reduce_min3A_35 = vector.multi_reduction <minimumf>, %select_n3A_33, %reduce_min3A_34 [1] : vector<256x10240xf32> to vector<256xf32>
    %broadcast_in_dim3A_36 = vector.shape_cast %reduce_min3A_35 : vector<256xf32> to vector<256x1xf32>
    %le3A_37 = vector.broadcast %broadcast_in_dim3A_36 : vector<256x1xf32> to vector<256x10240xf32>
    %le3A_38 = arith.cmpf ole, %select_n3A_33, %le3A_37 : vector<256x10240xf32>
    %jit3A_39 = arith.constant 1.07374182E+9 : f32
    %broadcast_in_dim3A_40 = vector.broadcast %jit3A_39 : f32 to vector<256x10240xf32>
    %select_n3A_41 = arith.select %le3A_38, %convert_element_type3A, %broadcast_in_dim3A_40 : vector<256x10240xi1>, vector<256x10240xf32>
    %reduce_min3A_42 = arith.constant dense<0x7F800000> : vector<256xf32>
    %reduce_min3A_43 = vector.multi_reduction <minimumf>, %select_n3A_41, %reduce_min3A_42 [1] : vector<256x10240xf32> to vector<256xf32>
    %broadcast_in_dim3A_44 = vector.shape_cast %reduce_min3A_43 : vector<256xf32> to vector<256x1xf32>
    %convert_element_type3A_45 = arith.fptosi %broadcast_in_dim3A_44 : vector<256x1xf32> to vector<256x1xi32>
    %eq3A_46 = vector.broadcast %broadcast_in_dim3A_44 : vector<256x1xf32> to vector<256x10240xf32>
    %eq3A_47 = arith.cmpf oeq, %convert_element_type3A, %eq3A_46 : vector<256x10240xf32>
    %jit3A_48 = arith.constant 0x7F800000 : f32
    %broadcast_in_dim3A_49 = vector.broadcast %jit3A_48 : f32 to vector<256x10240xf32>
    %select_n3A_50 = arith.select %eq3A_47, %broadcast_in_dim3A_49, %select_n3A_33 : vector<256x10240xi1>, vector<256x10240xf32>
    %reduce_min3A_51 = arith.constant dense<0x7F800000> : vector<256xf32>
    %reduce_min3A_52 = vector.multi_reduction <minimumf>, %select_n3A_50, %reduce_min3A_51 [1] : vector<256x10240xf32> to vector<256xf32>
    %broadcast_in_dim3A_53 = vector.shape_cast %reduce_min3A_52 : vector<256xf32> to vector<256x1xf32>
    %le3A_54 = vector.broadcast %broadcast_in_dim3A_53 : vector<256x1xf32> to vector<256x10240xf32>
    %le3A_55 = arith.cmpf ole, %select_n3A_50, %le3A_54 : vector<256x10240xf32>
    %jit3A_56 = arith.constant 1.07374182E+9 : f32
    %broadcast_in_dim3A_57 = vector.broadcast %jit3A_56 : f32 to vector<256x10240xf32>
    %select_n3A_58 = arith.select %le3A_55, %convert_element_type3A, %broadcast_in_dim3A_57 : vector<256x10240xi1>, vector<256x10240xf32>
    %reduce_min3A_59 = arith.constant dense<0x7F800000> : vector<256xf32>
    %reduce_min3A_60 = vector.multi_reduction <minimumf>, %select_n3A_58, %reduce_min3A_59 [1] : vector<256x10240xf32> to vector<256xf32>
    %broadcast_in_dim3A_61 = vector.shape_cast %reduce_min3A_60 : vector<256xf32> to vector<256x1xf32>
    %convert_element_type3A_62 = arith.fptosi %broadcast_in_dim3A_61 : vector<256x1xf32> to vector<256x1xi32>
    %eq3A_63 = vector.broadcast %broadcast_in_dim3A_61 : vector<256x1xf32> to vector<256x10240xf32>
    %eq3A_64 = arith.cmpf oeq, %convert_element_type3A, %eq3A_63 : vector<256x10240xf32>
    %jit3A_65 = arith.constant 0x7F800000 : f32
    %broadcast_in_dim3A_66 = vector.broadcast %jit3A_65 : f32 to vector<256x10240xf32>
    %select_n3A_67 = arith.select %eq3A_64, %broadcast_in_dim3A_66, %select_n3A_50 : vector<256x10240xi1>, vector<256x10240xf32>
    %reduce_min3A_68 = arith.constant dense<0x7F800000> : vector<256xf32>
    %reduce_min3A_69 = vector.multi_reduction <minimumf>, %select_n3A_67, %reduce_min3A_68 [1] : vector<256x10240xf32> to vector<256xf32>
    %broadcast_in_dim3A_70 = vector.shape_cast %reduce_min3A_69 : vector<256xf32> to vector<256x1xf32>
    %le3A_71 = vector.broadcast %broadcast_in_dim3A_70 : vector<256x1xf32> to vector<256x10240xf32>
    %le3A_72 = arith.cmpf ole, %select_n3A_67, %le3A_71 : vector<256x10240xf32>
    %jit3A_73 = arith.constant 1.07374182E+9 : f32
    %broadcast_in_dim3A_74 = vector.broadcast %jit3A_73 : f32 to vector<256x10240xf32>
    %select_n3A_75 = arith.select %le3A_72, %convert_element_type3A, %broadcast_in_dim3A_74 : vector<256x10240xi1>, vector<256x10240xf32>
    %reduce_min3A_76 = arith.constant dense<0x7F800000> : vector<256xf32>
    %reduce_min3A_77 = vector.multi_reduction <minimumf>, %select_n3A_75, %reduce_min3A_76 [1] : vector<256x10240xf32> to vector<256xf32>
    %broadcast_in_dim3A_78 = vector.shape_cast %reduce_min3A_77 : vector<256xf32> to vector<256x1xf32>
    %convert_element_type3A_79 = arith.fptosi %broadcast_in_dim3A_78 : vector<256x1xf32> to vector<256x1xi32>
    %eq3A_80 = vector.broadcast %broadcast_in_dim3A_78 : vector<256x1xf32> to vector<256x10240xf32>
    %eq3A_81 = arith.cmpf oeq, %convert_element_type3A, %eq3A_80 : vector<256x10240xf32>
    %jit3A_82 = arith.constant 0x7F800000 : f32
    %broadcast_in_dim3A_83 = vector.broadcast %jit3A_82 : f32 to vector<256x10240xf32>
    %select_n3A_84 = arith.select %eq3A_81, %broadcast_in_dim3A_83, %select_n3A_67 : vector<256x10240xi1>, vector<256x10240xf32>
    %reduce_min3A_85 = arith.constant dense<0x7F800000> : vector<256xf32>
    %reduce_min3A_86 = vector.multi_reduction <minimumf>, %select_n3A_84, %reduce_min3A_85 [1] : vector<256x10240xf32> to vector<256xf32>
    %broadcast_in_dim3A_87 = vector.shape_cast %reduce_min3A_86 : vector<256xf32> to vector<256x1xf32>
    %le3A_88 = vector.broadcast %broadcast_in_dim3A_87 : vector<256x1xf32> to vector<256x10240xf32>
    %le3A_89 = arith.cmpf ole, %select_n3A_84, %le3A_88 : vector<256x10240xf32>
    %jit3A_90 = arith.constant 1.07374182E+9 : f32
    %broadcast_in_dim3A_91 = vector.broadcast %jit3A_90 : f32 to vector<256x10240xf32>
    %select_n3A_92 = arith.select %le3A_89, %convert_element_type3A, %broadcast_in_dim3A_91 : vector<256x10240xi1>, vector<256x10240xf32>
    %reduce_min3A_93 = arith.constant dense<0x7F800000> : vector<256xf32>
    %reduce_min3A_94 = vector.multi_reduction <minimumf>, %select_n3A_92, %reduce_min3A_93 [1] : vector<256x10240xf32> to vector<256xf32>
    %broadcast_in_dim3A_95 = vector.shape_cast %reduce_min3A_94 : vector<256xf32> to vector<256x1xf32>
    %convert_element_type3A_96 = arith.fptosi %broadcast_in_dim3A_95 : vector<256x1xf32> to vector<256x1xi32>
    %eq3A_97 = vector.broadcast %broadcast_in_dim3A_95 : vector<256x1xf32> to vector<256x10240xf32>
    %eq3A_98 = arith.cmpf oeq, %convert_element_type3A, %eq3A_97 : vector<256x10240xf32>
    %jit3A_99 = arith.constant 0x7F800000 : f32
    %broadcast_in_dim3A_100 = vector.broadcast %jit3A_99 : f32 to vector<256x10240xf32>
    %select_n3A_101 = arith.select %eq3A_98, %broadcast_in_dim3A_100, %select_n3A_84 : vector<256x10240xi1>, vector<256x10240xf32>
    %reduce_min3A_102 = arith.constant dense<0x7F800000> : vector<256xf32>
    %reduce_min3A_103 = vector.multi_reduction <minimumf>, %select_n3A_101, %reduce_min3A_102 [1] : vector<256x10240xf32> to vector<256xf32>
    %broadcast_in_dim3A_104 = vector.shape_cast %reduce_min3A_103 : vector<256xf32> to vector<256x1xf32>
    %le3A_105 = vector.broadcast %broadcast_in_dim3A_104 : vector<256x1xf32> to vector<256x10240xf32>
    %le3A_106 = arith.cmpf ole, %select_n3A_101, %le3A_105 : vector<256x10240xf32>
    %jit3A_107 = arith.constant 1.07374182E+9 : f32
    %broadcast_in_dim3A_108 = vector.broadcast %jit3A_107 : f32 to vector<256x10240xf32>
    %select_n3A_109 = arith.select %le3A_106, %convert_element_type3A, %broadcast_in_dim3A_108 : vector<256x10240xi1>, vector<256x10240xf32>
    %reduce_min3A_110 = arith.constant dense<0x7F800000> : vector<256xf32>
    %reduce_min3A_111 = vector.multi_reduction <minimumf>, %select_n3A_109, %reduce_min3A_110 [1] : vector<256x10240xf32> to vector<256xf32>
    %broadcast_in_dim3A_112 = vector.shape_cast %reduce_min3A_111 : vector<256xf32> to vector<256x1xf32>
    %convert_element_type3A_113 = arith.fptosi %broadcast_in_dim3A_112 : vector<256x1xf32> to vector<256x1xi32>
    %eq3A_114 = vector.broadcast %broadcast_in_dim3A_112 : vector<256x1xf32> to vector<256x10240xf32>
    %eq3A_115 = arith.cmpf oeq, %convert_element_type3A, %eq3A_114 : vector<256x10240xf32>
    %jit3A_116 = arith.constant 0x7F800000 : f32
    %broadcast_in_dim3A_117 = vector.broadcast %jit3A_116 : f32 to vector<256x10240xf32>
    %select_n3A_118 = arith.select %eq3A_115, %broadcast_in_dim3A_117, %select_n3A_101 : vector<256x10240xi1>, vector<256x10240xf32>
    %reduce_min3A_119 = arith.constant dense<0x7F800000> : vector<256xf32>
    %reduce_min3A_120 = vector.multi_reduction <minimumf>, %select_n3A_118, %reduce_min3A_119 [1] : vector<256x10240xf32> to vector<256xf32>
    %broadcast_in_dim3A_121 = vector.shape_cast %reduce_min3A_120 : vector<256xf32> to vector<256x1xf32>
    %le3A_122 = vector.broadcast %broadcast_in_dim3A_121 : vector<256x1xf32> to vector<256x10240xf32>
    %le3A_123 = arith.cmpf ole, %select_n3A_118, %le3A_122 : vector<256x10240xf32>
    %jit3A_124 = arith.constant 1.07374182E+9 : f32
    %broadcast_in_dim3A_125 = vector.broadcast %jit3A_124 : f32 to vector<256x10240xf32>
    %select_n3A_126 = arith.select %le3A_123, %convert_element_type3A, %broadcast_in_dim3A_125 : vector<256x10240xi1>, vector<256x10240xf32>
    %reduce_min3A_127 = arith.constant dense<0x7F800000> : vector<256xf32>
    %reduce_min3A_128 = vector.multi_reduction <minimumf>, %select_n3A_126, %reduce_min3A_127 [1] : vector<256x10240xf32> to vector<256xf32>
    %broadcast_in_dim3A_129 = vector.shape_cast %reduce_min3A_128 : vector<256xf32> to vector<256x1xf32>
    %convert_element_type3A_130 = arith.fptosi %broadcast_in_dim3A_129 : vector<256x1xf32> to vector<256x1xi32>
    %eq3A_131 = vector.broadcast %broadcast_in_dim3A_129 : vector<256x1xf32> to vector<256x10240xf32>
    %eq3A_132 = arith.cmpf oeq, %convert_element_type3A, %eq3A_131 : vector<256x10240xf32>
    %jit3A_133 = arith.constant 0x7F800000 : f32
    %broadcast_in_dim3A_134 = vector.broadcast %jit3A_133 : f32 to vector<256x10240xf32>
    %select_n3A_135 = arith.select %eq3A_132, %broadcast_in_dim3A_134, %select_n3A_118 : vector<256x10240xi1>, vector<256x10240xf32>
    %reduce_min3A_136 = arith.constant dense<0x7F800000> : vector<256xf32>
    %reduce_min3A_137 = vector.multi_reduction <minimumf>, %select_n3A_135, %reduce_min3A_136 [1] : vector<256x10240xf32> to vector<256xf32>
    %broadcast_in_dim3A_138 = vector.shape_cast %reduce_min3A_137 : vector<256xf32> to vector<256x1xf32>
    %le3A_139 = vector.broadcast %broadcast_in_dim3A_138 : vector<256x1xf32> to vector<256x10240xf32>
    %le3A_140 = arith.cmpf ole, %select_n3A_135, %le3A_139 : vector<256x10240xf32>
    %jit3A_141 = arith.constant 1.07374182E+9 : f32
    %broadcast_in_dim3A_142 = vector.broadcast %jit3A_141 : f32 to vector<256x10240xf32>
    %select_n3A_143 = arith.select %le3A_140, %convert_element_type3A, %broadcast_in_dim3A_142 : vector<256x10240xi1>, vector<256x10240xf32>
    %reduce_min3A_144 = arith.constant dense<0x7F800000> : vector<256xf32>
    %reduce_min3A_145 = vector.multi_reduction <minimumf>, %select_n3A_143, %reduce_min3A_144 [1] : vector<256x10240xf32> to vector<256xf32>
    %broadcast_in_dim3A_146 = vector.shape_cast %reduce_min3A_145 : vector<256xf32> to vector<256x1xf32>
    %convert_element_type3A_147 = arith.fptosi %broadcast_in_dim3A_146 : vector<256x1xf32> to vector<256x1xi32>
    %eq3A_148 = vector.broadcast %broadcast_in_dim3A_146 : vector<256x1xf32> to vector<256x10240xf32>
    %eq3A_149 = arith.cmpf oeq, %convert_element_type3A, %eq3A_148 : vector<256x10240xf32>
    %jit3A_150 = arith.constant 0x7F800000 : f32
    %broadcast_in_dim3A_151 = vector.broadcast %jit3A_150 : f32 to vector<256x10240xf32>
    %select_n3A_152 = arith.select %eq3A_149, %broadcast_in_dim3A_151, %select_n3A_135 : vector<256x10240xi1>, vector<256x10240xf32>
    %reduce_min3A_153 = arith.constant dense<0x7F800000> : vector<256xf32>
    %reduce_min3A_154 = vector.multi_reduction <minimumf>, %select_n3A_152, %reduce_min3A_153 [1] : vector<256x10240xf32> to vector<256xf32>
    %broadcast_in_dim3A_155 = vector.shape_cast %reduce_min3A_154 : vector<256xf32> to vector<256x1xf32>
    %le3A_156 = vector.broadcast %broadcast_in_dim3A_155 : vector<256x1xf32> to vector<256x10240xf32>
    %le3A_157 = arith.cmpf ole, %select_n3A_152, %le3A_156 : vector<256x10240xf32>
    %jit3A_158 = arith.constant 1.07374182E+9 : f32
    %broadcast_in_dim3A_159 = vector.broadcast %jit3A_158 : f32 to vector<256x10240xf32>
    %select_n3A_160 = arith.select %le3A_157, %convert_element_type3A, %broadcast_in_dim3A_159 : vector<256x10240xi1>, vector<256x10240xf32>
    %reduce_min3A_161 = arith.constant dense<0x7F800000> : vector<256xf32>
    %reduce_min3A_162 = vector.multi_reduction <minimumf>, %select_n3A_160, %reduce_min3A_161 [1] : vector<256x10240xf32> to vector<256xf32>
    %broadcast_in_dim3A_163 = vector.shape_cast %reduce_min3A_162 : vector<256xf32> to vector<256x1xf32>
    %convert_element_type3A_164 = arith.fptosi %broadcast_in_dim3A_163 : vector<256x1xf32> to vector<256x1xi32>
    %eq3A_165 = vector.broadcast %broadcast_in_dim3A_163 : vector<256x1xf32> to vector<256x10240xf32>
    %eq3A_166 = arith.cmpf oeq, %convert_element_type3A, %eq3A_165 : vector<256x10240xf32>
    %jit3A_167 = arith.constant 0x7F800000 : f32
    %broadcast_in_dim3A_168 = vector.broadcast %jit3A_167 : f32 to vector<256x10240xf32>
    %select_n3A_169 = arith.select %eq3A_166, %broadcast_in_dim3A_168, %select_n3A_152 : vector<256x10240xi1>, vector<256x10240xf32>
    %reduce_min3A_170 = arith.constant dense<0x7F800000> : vector<256xf32>
    %reduce_min3A_171 = vector.multi_reduction <minimumf>, %select_n3A_169, %reduce_min3A_170 [1] : vector<256x10240xf32> to vector<256xf32>
    %broadcast_in_dim3A_172 = vector.shape_cast %reduce_min3A_171 : vector<256xf32> to vector<256x1xf32>
    %le3A_173 = vector.broadcast %broadcast_in_dim3A_172 : vector<256x1xf32> to vector<256x10240xf32>
    %le3A_174 = arith.cmpf ole, %select_n3A_169, %le3A_173 : vector<256x10240xf32>
    %jit3A_175 = arith.constant 1.07374182E+9 : f32
    %broadcast_in_dim3A_176 = vector.broadcast %jit3A_175 : f32 to vector<256x10240xf32>
    %select_n3A_177 = arith.select %le3A_174, %convert_element_type3A, %broadcast_in_dim3A_176 : vector<256x10240xi1>, vector<256x10240xf32>
    %reduce_min3A_178 = arith.constant dense<0x7F800000> : vector<256xf32>
    %reduce_min3A_179 = vector.multi_reduction <minimumf>, %select_n3A_177, %reduce_min3A_178 [1] : vector<256x10240xf32> to vector<256xf32>
    %broadcast_in_dim3A_180 = vector.shape_cast %reduce_min3A_179 : vector<256xf32> to vector<256x1xf32>
    %convert_element_type3A_181 = arith.fptosi %broadcast_in_dim3A_180 : vector<256x1xf32> to vector<256x1xi32>
    %eq3A_182 = vector.broadcast %broadcast_in_dim3A_180 : vector<256x1xf32> to vector<256x10240xf32>
    %eq3A_183 = arith.cmpf oeq, %convert_element_type3A, %eq3A_182 : vector<256x10240xf32>
    %jit3A_184 = arith.constant 0x7F800000 : f32
    %broadcast_in_dim3A_185 = vector.broadcast %jit3A_184 : f32 to vector<256x10240xf32>
    %select_n3A_186 = arith.select %eq3A_183, %broadcast_in_dim3A_185, %select_n3A_169 : vector<256x10240xi1>, vector<256x10240xf32>
    %reduce_min3A_187 = arith.constant dense<0x7F800000> : vector<256xf32>
    %reduce_min3A_188 = vector.multi_reduction <minimumf>, %select_n3A_186, %reduce_min3A_187 [1] : vector<256x10240xf32> to vector<256xf32>
    %broadcast_in_dim3A_189 = vector.shape_cast %reduce_min3A_188 : vector<256xf32> to vector<256x1xf32>
    %le3A_190 = vector.broadcast %broadcast_in_dim3A_189 : vector<256x1xf32> to vector<256x10240xf32>
    %le3A_191 = arith.cmpf ole, %select_n3A_186, %le3A_190 : vector<256x10240xf32>
    %jit3A_192 = arith.constant 1.07374182E+9 : f32
    %broadcast_in_dim3A_193 = vector.broadcast %jit3A_192 : f32 to vector<256x10240xf32>
    %select_n3A_194 = arith.select %le3A_191, %convert_element_type3A, %broadcast_in_dim3A_193 : vector<256x10240xi1>, vector<256x10240xf32>
    %reduce_min3A_195 = arith.constant dense<0x7F800000> : vector<256xf32>
    %reduce_min3A_196 = vector.multi_reduction <minimumf>, %select_n3A_194, %reduce_min3A_195 [1] : vector<256x10240xf32> to vector<256xf32>
    %broadcast_in_dim3A_197 = vector.shape_cast %reduce_min3A_196 : vector<256xf32> to vector<256x1xf32>
    %convert_element_type3A_198 = arith.fptosi %broadcast_in_dim3A_197 : vector<256x1xf32> to vector<256x1xi32>
    %eq3A_199 = vector.broadcast %broadcast_in_dim3A_197 : vector<256x1xf32> to vector<256x10240xf32>
    %eq3A_200 = arith.cmpf oeq, %convert_element_type3A, %eq3A_199 : vector<256x10240xf32>
    %jit3A_201 = arith.constant 0x7F800000 : f32
    %broadcast_in_dim3A_202 = vector.broadcast %jit3A_201 : f32 to vector<256x10240xf32>
    %select_n3A_203 = arith.select %eq3A_200, %broadcast_in_dim3A_202, %select_n3A_186 : vector<256x10240xi1>, vector<256x10240xf32>
    %reduce_min3A_204 = arith.constant dense<0x7F800000> : vector<256xf32>
    %reduce_min3A_205 = vector.multi_reduction <minimumf>, %select_n3A_203, %reduce_min3A_204 [1] : vector<256x10240xf32> to vector<256xf32>
    %broadcast_in_dim3A_206 = vector.shape_cast %reduce_min3A_205 : vector<256xf32> to vector<256x1xf32>
    %le3A_207 = vector.broadcast %broadcast_in_dim3A_206 : vector<256x1xf32> to vector<256x10240xf32>
    %le3A_208 = arith.cmpf ole, %select_n3A_203, %le3A_207 : vector<256x10240xf32>
    %jit3A_209 = arith.constant 1.07374182E+9 : f32
    %broadcast_in_dim3A_210 = vector.broadcast %jit3A_209 : f32 to vector<256x10240xf32>
    %select_n3A_211 = arith.select %le3A_208, %convert_element_type3A, %broadcast_in_dim3A_210 : vector<256x10240xi1>, vector<256x10240xf32>
    %reduce_min3A_212 = arith.constant dense<0x7F800000> : vector<256xf32>
    %reduce_min3A_213 = vector.multi_reduction <minimumf>, %select_n3A_211, %reduce_min3A_212 [1] : vector<256x10240xf32> to vector<256xf32>
    %broadcast_in_dim3A_214 = vector.shape_cast %reduce_min3A_213 : vector<256xf32> to vector<256x1xf32>
    %convert_element_type3A_215 = arith.fptosi %broadcast_in_dim3A_214 : vector<256x1xf32> to vector<256x1xi32>
    %eq3A_216 = vector.broadcast %broadcast_in_dim3A_214 : vector<256x1xf32> to vector<256x10240xf32>
    %eq3A_217 = arith.cmpf oeq, %convert_element_type3A, %eq3A_216 : vector<256x10240xf32>
    %jit3A_218 = arith.constant 0x7F800000 : f32
    %broadcast_in_dim3A_219 = vector.broadcast %jit3A_218 : f32 to vector<256x10240xf32>
    %select_n3A_220 = arith.select %eq3A_217, %broadcast_in_dim3A_219, %select_n3A_203 : vector<256x10240xi1>, vector<256x10240xf32>
    %reduce_min3A_221 = arith.constant dense<0x7F800000> : vector<256xf32>
    %reduce_min3A_222 = vector.multi_reduction <minimumf>, %select_n3A_220, %reduce_min3A_221 [1] : vector<256x10240xf32> to vector<256xf32>
    %broadcast_in_dim3A_223 = vector.shape_cast %reduce_min3A_222 : vector<256xf32> to vector<256x1xf32>
    %le3A_224 = vector.broadcast %broadcast_in_dim3A_223 : vector<256x1xf32> to vector<256x10240xf32>
    %le3A_225 = arith.cmpf ole, %select_n3A_220, %le3A_224 : vector<256x10240xf32>
    %jit3A_226 = arith.constant 1.07374182E+9 : f32
    %broadcast_in_dim3A_227 = vector.broadcast %jit3A_226 : f32 to vector<256x10240xf32>
    %select_n3A_228 = arith.select %le3A_225, %convert_element_type3A, %broadcast_in_dim3A_227 : vector<256x10240xi1>, vector<256x10240xf32>
    %reduce_min3A_229 = arith.constant dense<0x7F800000> : vector<256xf32>
    %reduce_min3A_230 = vector.multi_reduction <minimumf>, %select_n3A_228, %reduce_min3A_229 [1] : vector<256x10240xf32> to vector<256xf32>
    %broadcast_in_dim3A_231 = vector.shape_cast %reduce_min3A_230 : vector<256xf32> to vector<256x1xf32>
    %convert_element_type3A_232 = arith.fptosi %broadcast_in_dim3A_231 : vector<256x1xf32> to vector<256x1xi32>
    %eq3A_233 = vector.broadcast %broadcast_in_dim3A_231 : vector<256x1xf32> to vector<256x10240xf32>
    %eq3A_234 = arith.cmpf oeq, %convert_element_type3A, %eq3A_233 : vector<256x10240xf32>
    %jit3A_235 = arith.constant 0x7F800000 : f32
    %broadcast_in_dim3A_236 = vector.broadcast %jit3A_235 : f32 to vector<256x10240xf32>
    %select_n3A_237 = arith.select %eq3A_234, %broadcast_in_dim3A_236, %select_n3A_220 : vector<256x10240xi1>, vector<256x10240xf32>
    %reduce_min3A_238 = arith.constant dense<0x7F800000> : vector<256xf32>
    %reduce_min3A_239 = vector.multi_reduction <minimumf>, %select_n3A_237, %reduce_min3A_238 [1] : vector<256x10240xf32> to vector<256xf32>
    %broadcast_in_dim3A_240 = vector.shape_cast %reduce_min3A_239 : vector<256xf32> to vector<256x1xf32>
    %le3A_241 = vector.broadcast %broadcast_in_dim3A_240 : vector<256x1xf32> to vector<256x10240xf32>
    %le3A_242 = arith.cmpf ole, %select_n3A_237, %le3A_241 : vector<256x10240xf32>
    %jit3A_243 = arith.constant 1.07374182E+9 : f32
    %broadcast_in_dim3A_244 = vector.broadcast %jit3A_243 : f32 to vector<256x10240xf32>
    %select_n3A_245 = arith.select %le3A_242, %convert_element_type3A, %broadcast_in_dim3A_244 : vector<256x10240xi1>, vector<256x10240xf32>
    %reduce_min3A_246 = arith.constant dense<0x7F800000> : vector<256xf32>
    %reduce_min3A_247 = vector.multi_reduction <minimumf>, %select_n3A_245, %reduce_min3A_246 [1] : vector<256x10240xf32> to vector<256xf32>
    %broadcast_in_dim3A_248 = vector.shape_cast %reduce_min3A_247 : vector<256xf32> to vector<256x1xf32>
    %convert_element_type3A_249 = arith.fptosi %broadcast_in_dim3A_248 : vector<256x1xf32> to vector<256x1xi32>
    %eq3A_250 = vector.broadcast %broadcast_in_dim3A_248 : vector<256x1xf32> to vector<256x10240xf32>
    %eq3A_251 = arith.cmpf oeq, %convert_element_type3A, %eq3A_250 : vector<256x10240xf32>
    %jit3A_252 = arith.constant 0x7F800000 : f32
    %broadcast_in_dim3A_253 = vector.broadcast %jit3A_252 : f32 to vector<256x10240xf32>
    %select_n3A_254 = arith.select %eq3A_251, %broadcast_in_dim3A_253, %select_n3A_237 : vector<256x10240xi1>, vector<256x10240xf32>
    %reduce_min3A_255 = arith.constant dense<0x7F800000> : vector<256xf32>
    %reduce_min3A_256 = vector.multi_reduction <minimumf>, %select_n3A_254, %reduce_min3A_255 [1] : vector<256x10240xf32> to vector<256xf32>
    %broadcast_in_dim3A_257 = vector.shape_cast %reduce_min3A_256 : vector<256xf32> to vector<256x1xf32>
    %le3A_258 = vector.broadcast %broadcast_in_dim3A_257 : vector<256x1xf32> to vector<256x10240xf32>
    %le3A_259 = arith.cmpf ole, %select_n3A_254, %le3A_258 : vector<256x10240xf32>
    %jit3A_260 = arith.constant 1.07374182E+9 : f32
    %broadcast_in_dim3A_261 = vector.broadcast %jit3A_260 : f32 to vector<256x10240xf32>
    %select_n3A_262 = arith.select %le3A_259, %convert_element_type3A, %broadcast_in_dim3A_261 : vector<256x10240xi1>, vector<256x10240xf32>
    %reduce_min3A_263 = arith.constant dense<0x7F800000> : vector<256xf32>
    %reduce_min3A_264 = vector.multi_reduction <minimumf>, %select_n3A_262, %reduce_min3A_263 [1] : vector<256x10240xf32> to vector<256xf32>
    %broadcast_in_dim3A_265 = vector.shape_cast %reduce_min3A_264 : vector<256xf32> to vector<256x1xf32>
    %convert_element_type3A_266 = arith.fptosi %broadcast_in_dim3A_265 : vector<256x1xf32> to vector<256x1xi32>
    %eq3A_267 = vector.broadcast %broadcast_in_dim3A_265 : vector<256x1xf32> to vector<256x10240xf32>
    %eq3A_268 = arith.cmpf oeq, %convert_element_type3A, %eq3A_267 : vector<256x10240xf32>
    %jit3A_269 = arith.constant 0x7F800000 : f32
    %broadcast_in_dim3A_270 = vector.broadcast %jit3A_269 : f32 to vector<256x10240xf32>
    %select_n3A_271 = arith.select %eq3A_268, %broadcast_in_dim3A_270, %select_n3A_254 : vector<256x10240xi1>, vector<256x10240xf32>
    %reduce_min3A_272 = arith.constant dense<0x7F800000> : vector<256xf32>
    %reduce_min3A_273 = vector.multi_reduction <minimumf>, %select_n3A_271, %reduce_min3A_272 [1] : vector<256x10240xf32> to vector<256xf32>
    %broadcast_in_dim3A_274 = vector.shape_cast %reduce_min3A_273 : vector<256xf32> to vector<256x1xf32>
    %le3A_275 = vector.broadcast %broadcast_in_dim3A_274 : vector<256x1xf32> to vector<256x10240xf32>
    %le3A_276 = arith.cmpf ole, %select_n3A_271, %le3A_275 : vector<256x10240xf32>
    %jit3A_277 = arith.constant 1.07374182E+9 : f32
    %broadcast_in_dim3A_278 = vector.broadcast %jit3A_277 : f32 to vector<256x10240xf32>
    %select_n3A_279 = arith.select %le3A_276, %convert_element_type3A, %broadcast_in_dim3A_278 : vector<256x10240xi1>, vector<256x10240xf32>
    %reduce_min3A_280 = arith.constant dense<0x7F800000> : vector<256xf32>
    %reduce_min3A_281 = vector.multi_reduction <minimumf>, %select_n3A_279, %reduce_min3A_280 [1] : vector<256x10240xf32> to vector<256xf32>
    %broadcast_in_dim3A_282 = vector.shape_cast %reduce_min3A_281 : vector<256xf32> to vector<256x1xf32>
    %convert_element_type3A_283 = arith.fptosi %broadcast_in_dim3A_282 : vector<256x1xf32> to vector<256x1xi32>
    %concatenate3A = tpu.concatenate %convert_element_type3A_29, %convert_element_type3A_45, %convert_element_type3A_62, %convert_element_type3A_79, %convert_element_type3A_96, %convert_element_type3A_113, %convert_element_type3A_130, %convert_element_type3A_147, %convert_element_type3A_164, %convert_element_type3A_181, %convert_element_type3A_198, %convert_element_type3A_215, %convert_element_type3A_232, %convert_element_type3A_249, %convert_element_type3A_266, %convert_element_type3A_283 in 1 : vector<256x1xi32>, vector<256x1xi32>, vector<256x1xi32>, vector<256x1xi32>, vector<256x1xi32>, vector<256x1xi32>, vector<256x1xi32>, vector<256x1xi32>, vector<256x1xi32>, vector<256x1xi32>, vector<256x1xi32>, vector<256x1xi32>, vector<256x1xi32>, vector<256x1xi32>, vector<256x1xi32>, vector<256x1xi32> -> vector<256x16xi32>
    %swap3A = arith.constant 0 : index
    %swap3A_284 = arith.constant 0 : index
    %swap3A_285 = vector.load %arg3[%swap3A, %swap3A_284] : memref<256x16xi32, #tpu.memory_space<vmem>>, vector<256x16xi32>
    tpu.vector_store %arg3[%swap3A, %swap3A_284], %concatenate3A {strides = array<i32>} : memref<256x16xi32, #tpu.memory_space<vmem>>, vector<256x16xi32>,
    return
  }
  func.func @transform_0(%arg0: i32) -> (i32, i32) {
    %c0_i32 = arith.constant 0 : i32
    %c0_i32_0 = arith.constant 0 : i32
    return %arg0, %c0_i32 : i32, i32
  }
  func.func @transform_1(%arg0: i32) -> (i32, i32) {
    %c0_i32 = arith.constant 0 : i32
    %c0_i32_0 = arith.constant 0 : i32
    %c0_i32_1 = arith.constant 0 : i32
    return %c0_i32, %c0_i32_0 : i32, i32
  }
  func.func @transform_2(%arg0: i32) -> (i32, i32) {
    %c0_i32 = arith.constant 0 : i32
    %c0_i32_0 = arith.constant 0 : i32
    return %arg0, %c0_i32 : i32, i32
  }
}

module attributes {stable_mosaic.version = 14 : i64} {
  func.func @_qkv_body(%arg0: i32, %arg1: memref<1024x128xf32, #tpu.memory_space<vmem>>, %arg2: memref<128x128xf32, #tpu.memory_space<vmem>>, %arg3: memref<1x128xf32, #tpu.memory_space<vmem>>, %arg4: memref<128x128xf32, #tpu.memory_space<vmem>>, %arg5: memref<1x128xf32, #tpu.memory_space<vmem>>, %arg6: memref<128x128xf32, #tpu.memory_space<vmem>>, %arg7: memref<1x128xf32, #tpu.memory_space<vmem>>, %arg8: memref<1024x128xf32, #tpu.memory_space<vmem>>, %arg9: memref<1024x128xf32, #tpu.memory_space<vmem>>) attributes {dimension_semantics = [#tpu.dimension_semantics<arbitrary>], iteration_bounds = array<i64: 10>, scalar_prefetch = 0 : i64, scratch_operands = 0 : i64, tpu.core_type = #tpu.core_type<tc>, window_params = [{transform_indices = @transform_0, window_bounds = array<i64: 1024, 128>}, {pipeline_mode = #tpu.pipeline_mode<synchronous>, transform_indices = @transform_1, window_bounds = array<i64: 128, 128>}, {pipeline_mode = #tpu.pipeline_mode<synchronous>, transform_indices = @transform_2, window_bounds = array<i64: 1, 128>}, {pipeline_mode = #tpu.pipeline_mode<synchronous>, transform_indices = @transform_3, window_bounds = array<i64: 128, 128>}, {pipeline_mode = #tpu.pipeline_mode<synchronous>, transform_indices = @transform_4, window_bounds = array<i64: 1, 128>}, {pipeline_mode = #tpu.pipeline_mode<synchronous>, transform_indices = @transform_5, window_bounds = array<i64: 128, 128>}, {pipeline_mode = #tpu.pipeline_mode<synchronous>, transform_indices = @transform_6, window_bounds = array<i64: 1, 128>}, {transform_indices = @transform_7, window_bounds = array<i64: 1024, 128>}, {transform_indices = @transform_8, window_bounds = array<i64: 1024, 128>}]} {
    %get3A = arith.constant 0 : index
    %get3A_0 = arith.constant 0 : index
    %get3A_1 = vector.load %arg1[%get3A, %get3A_0] : memref<1024x128xf32, #tpu.memory_space<vmem>>, vector<1024x128xf32>
    %get3A_2 = arith.constant 0 : index
    %get3A_3 = arith.constant 0 : index
    %get3A_4 = vector.load %arg2[%get3A_2, %get3A_3] : memref<128x128xf32, #tpu.memory_space<vmem>>, vector<128x128xf32>
    %dot_general3A = arith.constant dense<0.000000e+00> : vector<1024x128xf32>
    %dot_general3A_5 = tpu.matmul %get3A_1, %get3A_4, %dot_general3A {dimension_numbers = #tpu.dot_dimension_numbers<[1], [0], [0], [1], [0, 0, 1, 1], [], []>, transpose_lhs_hint = false} : vector<1024x128xf32>, vector<128x128xf32>, vector<1024x128xf32> -> vector<1024x128xf32>
    %get3A_6 = arith.constant 0 : index
    %get3A_7 = arith.constant 0 : index
    %get3A_8 = vector.load %arg3[%get3A_6, %get3A_7] : memref<1x128xf32, #tpu.memory_space<vmem>>, vector<1x128xf32>
    %add3A = vector.broadcast %get3A_8 : vector<1x128xf32> to vector<1024x128xf32>
    %add3A_9 = arith.addf %dot_general3A_5, %add3A : vector<1024x128xf32>
    %swap3A = arith.constant 0 : index
    %swap3A_10 = arith.constant 0 : index
    %swap3A_11 = vector.load %arg8[%swap3A, %swap3A_10] : memref<1024x128xf32, #tpu.memory_space<vmem>>, vector<1024x128xf32>
    tpu.vector_store %arg8[%swap3A, %swap3A_10], %add3A_9 {strides = array<i32>} : memref<1024x128xf32, #tpu.memory_space<vmem>>, vector<1024x128xf32>,
    %get3A_12 = arith.constant 0 : index
    %get3A_13 = arith.constant 0 : index
    %get3A_14 = vector.load %arg4[%get3A_12, %get3A_13] : memref<128x128xf32, #tpu.memory_space<vmem>>, vector<128x128xf32>
    %dot_general3A_15 = arith.constant dense<0.000000e+00> : vector<1024x128xf32>
    %dot_general3A_16 = tpu.matmul %get3A_1, %get3A_14, %dot_general3A_15 {dimension_numbers = #tpu.dot_dimension_numbers<[1], [0], [0], [1], [0, 0, 1, 1], [], []>, transpose_lhs_hint = false} : vector<1024x128xf32>, vector<128x128xf32>, vector<1024x128xf32> -> vector<1024x128xf32>
    %get3A_17 = arith.constant 0 : index
    %get3A_18 = arith.constant 0 : index
    %get3A_19 = vector.load %arg5[%get3A_17, %get3A_18] : memref<1x128xf32, #tpu.memory_space<vmem>>, vector<1x128xf32>
    %add3A_20 = vector.broadcast %get3A_19 : vector<1x128xf32> to vector<1024x128xf32>
    %add3A_21 = arith.addf %dot_general3A_16, %add3A_20 : vector<1024x128xf32>
    %get3A_22 = arith.constant 0 : index
    %get3A_23 = arith.constant 0 : index
    %get3A_24 = vector.load %arg6[%get3A_22, %get3A_23] : memref<128x128xf32, #tpu.memory_space<vmem>>, vector<128x128xf32>
    %dot_general3A_25 = arith.constant dense<0.000000e+00> : vector<1024x128xf32>
    %dot_general3A_26 = tpu.matmul %get3A_1, %get3A_24, %dot_general3A_25 {dimension_numbers = #tpu.dot_dimension_numbers<[1], [0], [0], [1], [0, 0, 1, 1], [], []>, transpose_lhs_hint = false} : vector<1024x128xf32>, vector<128x128xf32>, vector<1024x128xf32> -> vector<1024x128xf32>
    %get3A_27 = arith.constant 0 : index
    %get3A_28 = arith.constant 0 : index
    %get3A_29 = vector.load %arg7[%get3A_27, %get3A_28] : memref<1x128xf32, #tpu.memory_space<vmem>>, vector<1x128xf32>
    %add3A_30 = vector.broadcast %get3A_29 : vector<1x128xf32> to vector<1024x128xf32>
    %add3A_31 = arith.addf %dot_general3A_26, %add3A_30 : vector<1024x128xf32>
    %slice3A = vector.extract_strided_slice %add3A_21 {offsets = [0, 0], sizes = [1024, 64], strides = [1, 1]} : vector<1024x128xf32> to vector<1024x64xf32>
    %convert_element_type3A = arith.truncf %slice3A : vector<1024x64xf32> to vector<1024x64xbf16>
    %convert_element_type3A_32 = arith.extf %convert_element_type3A : vector<1024x64xbf16> to vector<1024x64xf32>
    %slice3A_33 = vector.extract_strided_slice %add3A_21 {offsets = [0, 64], sizes = [1024, 64], strides = [1, 1]} : vector<1024x128xf32> to vector<1024x64xf32>
    %convert_element_type3A_34 = arith.truncf %slice3A_33 : vector<1024x64xf32> to vector<1024x64xbf16>
    %convert_element_type3A_35 = arith.extf %convert_element_type3A_34 : vector<1024x64xbf16> to vector<1024x64xf32>
    %bitcast_convert_type3A = tpu.bitcast %convert_element_type3A_32 : vector<1024x64xf32> -> vector<1024x64xi32>
    %bitcast_convert_type3A_36 = tpu.bitcast %convert_element_type3A_35 : vector<1024x64xf32> -> vector<1024x64xi32>
    %shift_right_logical3A = arith.constant 16 : i32
    %shift_right_logical3A_37 = vector.broadcast %shift_right_logical3A : i32 to vector<1024x64xi32>
    %shift_right_logical3A_38 = arith.shrui %bitcast_convert_type3A_36, %shift_right_logical3A_37 : vector<1024x64xi32>
    %or3A = arith.ori %bitcast_convert_type3A, %shift_right_logical3A_38 : vector<1024x64xi32>
    %bitcast_convert_type3A_39 = tpu.bitcast %or3A : vector<1024x64xi32> -> vector<1024x64xf32>
    %slice3A_40 = vector.extract_strided_slice %add3A_31 {offsets = [0, 0], sizes = [1024, 64], strides = [1, 1]} : vector<1024x128xf32> to vector<1024x64xf32>
    %convert_element_type3A_41 = arith.truncf %slice3A_40 : vector<1024x64xf32> to vector<1024x64xbf16>
    %convert_element_type3A_42 = arith.extf %convert_element_type3A_41 : vector<1024x64xbf16> to vector<1024x64xf32>
    %slice3A_43 = vector.extract_strided_slice %add3A_31 {offsets = [0, 64], sizes = [1024, 64], strides = [1, 1]} : vector<1024x128xf32> to vector<1024x64xf32>
    %convert_element_type3A_44 = arith.truncf %slice3A_43 : vector<1024x64xf32> to vector<1024x64xbf16>
    %convert_element_type3A_45 = arith.extf %convert_element_type3A_44 : vector<1024x64xbf16> to vector<1024x64xf32>
    %bitcast_convert_type3A_46 = tpu.bitcast %convert_element_type3A_42 : vector<1024x64xf32> -> vector<1024x64xi32>
    %bitcast_convert_type3A_47 = tpu.bitcast %convert_element_type3A_45 : vector<1024x64xf32> -> vector<1024x64xi32>
    %shift_right_logical3A_48 = arith.constant 16 : i32
    %shift_right_logical3A_49 = vector.broadcast %shift_right_logical3A_48 : i32 to vector<1024x64xi32>
    %shift_right_logical3A_50 = arith.shrui %bitcast_convert_type3A_47, %shift_right_logical3A_49 : vector<1024x64xi32>
    %or3A_51 = arith.ori %bitcast_convert_type3A_46, %shift_right_logical3A_50 : vector<1024x64xi32>
    %bitcast_convert_type3A_52 = tpu.bitcast %or3A_51 : vector<1024x64xi32> -> vector<1024x64xf32>
    %concatenate3A = tpu.concatenate %bitcast_convert_type3A_39, %bitcast_convert_type3A_52 in 1 : vector<1024x64xf32>, vector<1024x64xf32> -> vector<1024x128xf32>
    %swap3A_53 = arith.constant 0 : index
    %swap3A_54 = arith.constant 0 : index
    %swap3A_55 = vector.load %arg9[%swap3A_53, %swap3A_54] : memref<1024x128xf32, #tpu.memory_space<vmem>>, vector<1024x128xf32>
    tpu.vector_store %arg9[%swap3A_53, %swap3A_54], %concatenate3A {strides = array<i32>} : memref<1024x128xf32, #tpu.memory_space<vmem>>, vector<1024x128xf32>,
    return
  }
  func.func @transform_0(%arg0: i32) -> (i32, i32) {
    %c0_i32 = arith.constant 0 : i32
    %c0_i32_0 = arith.constant 0 : i32
    return %arg0, %c0_i32 : i32, i32
  }
  func.func @transform_1(%arg0: i32) -> (i32, i32) {
    %c0_i32 = arith.constant 0 : i32
    %c0_i32_0 = arith.constant 0 : i32
    %c0_i32_1 = arith.constant 0 : i32
    return %c0_i32, %c0_i32_0 : i32, i32
  }
  func.func @transform_2(%arg0: i32) -> (i32, i32) {
    %c0_i32 = arith.constant 0 : i32
    %c0_i32_0 = arith.constant 0 : i32
    %c0_i32_1 = arith.constant 0 : i32
    return %c0_i32, %c0_i32_0 : i32, i32
  }
  func.func @transform_3(%arg0: i32) -> (i32, i32) {
    %c0_i32 = arith.constant 0 : i32
    %c0_i32_0 = arith.constant 0 : i32
    %c0_i32_1 = arith.constant 0 : i32
    return %c0_i32, %c0_i32_0 : i32, i32
  }
  func.func @transform_4(%arg0: i32) -> (i32, i32) {
    %c0_i32 = arith.constant 0 : i32
    %c0_i32_0 = arith.constant 0 : i32
    %c0_i32_1 = arith.constant 0 : i32
    return %c0_i32, %c0_i32_0 : i32, i32
  }
  func.func @transform_5(%arg0: i32) -> (i32, i32) {
    %c0_i32 = arith.constant 0 : i32
    %c0_i32_0 = arith.constant 0 : i32
    %c0_i32_1 = arith.constant 0 : i32
    return %c0_i32, %c0_i32_0 : i32, i32
  }
  func.func @transform_6(%arg0: i32) -> (i32, i32) {
    %c0_i32 = arith.constant 0 : i32
    %c0_i32_0 = arith.constant 0 : i32
    %c0_i32_1 = arith.constant 0 : i32
    return %c0_i32, %c0_i32_0 : i32, i32
  }
  func.func @transform_7(%arg0: i32) -> (i32, i32) {
    %c0_i32 = arith.constant 0 : i32
    %c0_i32_0 = arith.constant 0 : i32
    return %arg0, %c0_i32 : i32, i32
  }
  func.func @transform_8(%arg0: i32) -> (i32, i32) {
    %c0_i32 = arith.constant 0 : i32
    %c0_i32_0 = arith.constant 0 : i32
    return %arg0, %c0_i32 : i32, i32
  }
}

module attributes {stable_mosaic.version = 14 : i64} {
  func.func @_prestats_body(%arg0: i32, %arg1: memref<64x16x16xf32, #tpu.memory_space<vmem>>, %arg2: memref<16x16xf32, #tpu.memory_space<vmem>>, %arg3: memref<1x16xf32, #tpu.memory_space<vmem>>, %arg4: memref<8x16xf32, #tpu.memory_space<vmem>>) attributes {dimension_semantics = [#tpu.dimension_semantics<arbitrary>], iteration_bounds = array<i64: 160>, scalar_prefetch = 0 : i64, scratch_operands = 0 : i64, tpu.core_type = #tpu.core_type<tc>, window_params = [{transform_indices = @transform_0, window_bounds = array<i64: 64, 16, 16>}, {pipeline_mode = #tpu.pipeline_mode<synchronous>, transform_indices = @transform_1, window_bounds = array<i64: 16, 16>}, {pipeline_mode = #tpu.pipeline_mode<synchronous>, transform_indices = @transform_2, window_bounds = array<i64: 1, 16>}, {pipeline_mode = #tpu.pipeline_mode<synchronous>, transform_indices = @transform_3, window_bounds = array<i64: 8, 16>}]} {
    %get3A = arith.constant 0 : index
    %get3A_0 = arith.constant 0 : index
    %get3A_1 = arith.constant 0 : index
    %get3A_2 = vector.load %arg1[%get3A, %get3A_0, %get3A_1] : memref<64x16x16xf32, #tpu.memory_space<vmem>>, vector<64x16x16xf32>
    %reshape3A = vector.shape_cast %get3A_2 : vector<64x16x16xf32> to vector<1024x16xf32>
    %get3A_3 = arith.constant 0 : index
    %get3A_4 = arith.constant 0 : index
    %get3A_5 = vector.load %arg2[%get3A_3, %get3A_4] : memref<16x16xf32, #tpu.memory_space<vmem>>, vector<16x16xf32>
    %dot_general3A = arith.constant dense<0.000000e+00> : vector<1024x16xf32>
    %dot_general3A_6 = tpu.matmul %reshape3A, %get3A_5, %dot_general3A {dimension_numbers = #tpu.dot_dimension_numbers<[1], [0], [0], [1], [0, 0, 1, 1], [], []>, transpose_lhs_hint = false} : vector<1024x16xf32>, vector<16x16xf32>, vector<1024x16xf32> -> vector<1024x16xf32>
    %get3A_7 = arith.constant 0 : index
    %get3A_8 = arith.constant 0 : index
    %get3A_9 = vector.load %arg3[%get3A_7, %get3A_8] : memref<1x16xf32, #tpu.memory_space<vmem>>, vector<1x16xf32>
    %add3A = vector.broadcast %get3A_9 : vector<1x16xf32> to vector<1024x16xf32>
    %add3A_10 = arith.addf %dot_general3A_6, %add3A : vector<1024x16xf32>
    %iota3A = tpu.iota {dimensions = array<i32: 0>} : vector<1024x1xi32>
    %mul3A = arith.constant 1024 : i32
    %mul3A_11 = arith.muli %arg0, %mul3A : i32
    %add3A_12 = vector.broadcast %mul3A_11 : i32 to vector<1024x1xi32>
    %add3A_13 = arith.addi %iota3A, %add3A_12 : vector<1024x1xi32>
    %lt3A = arith.constant 160000 : i32
    %lt3A_14 = vector.broadcast %lt3A : i32 to vector<1024x1xi32>
    %lt3A_15 = arith.cmpi slt, %add3A_13, %lt3A_14 : vector<1024x1xi32>
    %jit3A = arith.constant 1.000000e+00 : f32
    %jit3A_16 = arith.constant 0.000000e+00 : f32
    %broadcast_in_dim3A = vector.broadcast %jit3A : f32 to vector<1024x1xf32>
    %broadcast_in_dim3A_17 = vector.broadcast %jit3A_16 : f32 to vector<1024x1xf32>
    %select_n3A = arith.select %lt3A_15, %broadcast_in_dim3A, %broadcast_in_dim3A_17 : vector<1024x1xi1>, vector<1024x1xf32>
    %mul3A_18 = vector.broadcast %select_n3A : vector<1024x1xf32> to vector<1024x16xf32>
    %mul3A_19 = arith.mulf %add3A_10, %mul3A_18 : vector<1024x16xf32>
    %reduce_sum3A = arith.constant dense<0.000000e+00> : vector<16xf32>
    %reduce_sum3A_20 = vector.multi_reduction <add>, %mul3A_19, %reduce_sum3A [0] : vector<1024x16xf32> to vector<16xf32>
    %broadcast_in_dim3A_21 = vector.shape_cast %reduce_sum3A_20 : vector<16xf32> to vector<1x16xf32>
    %mul3A_22 = arith.mulf %add3A_10, %add3A_10 : vector<1024x16xf32>
    %mul3A_23 = vector.broadcast %select_n3A : vector<1024x1xf32> to vector<1024x16xf32>
    %mul3A_24 = arith.mulf %mul3A_22, %mul3A_23 : vector<1024x16xf32>
    %reduce_sum3A_25 = arith.constant dense<0.000000e+00> : vector<16xf32>
    %reduce_sum3A_26 = vector.multi_reduction <add>, %mul3A_24, %reduce_sum3A_25 [0] : vector<1024x16xf32> to vector<16xf32>
    %broadcast_in_dim3A_27 = vector.shape_cast %reduce_sum3A_26 : vector<16xf32> to vector<1x16xf32>
    %broadcast_in_dim3A_28 = arith.constant 0.000000e+00 : f32
    %broadcast_in_dim3A_29 = vector.broadcast %broadcast_in_dim3A_28 : f32 to vector<6x16xf32>
    %concatenate3A = tpu.concatenate %broadcast_in_dim3A_21, %broadcast_in_dim3A_27, %broadcast_in_dim3A_29 in 0 : vector<1x16xf32>, vector<1x16xf32>, vector<6x16xf32> -> vector<8x16xf32>
    %eq3A = arith.constant 0 : i32
    %eq3A_30 = arith.cmpi eq, %arg0, %eq3A : i32
    %convert_element_type3A = arith.extui %eq3A_30 : i1 to i32
    %cond3A = arith.constant 0 : i32
    %cond3A_31 = arith.cmpi ne, %convert_element_type3A, %cond3A : i32
    scf.if %cond3A_31 {
      %broadcast_in_dim3A_38 = arith.constant 0.000000e+00 : f32
      %broadcast_in_dim3A_39 = vector.broadcast %broadcast_in_dim3A_38 : f32 to vector<8x16xf32>
      %swap3A_40 = arith.constant 0 : index
      %swap3A_41 = arith.constant 0 : index
      %swap3A_42 = vector.load %arg4[%swap3A_40, %swap3A_41] : memref<8x16xf32, #tpu.memory_space<vmem>>, vector<8x16xf32>
      tpu.vector_store %arg4[%swap3A_40, %swap3A_41], %broadcast_in_dim3A_39 {strides = array<i32>} : memref<8x16xf32, #tpu.memory_space<vmem>>, vector<8x16xf32>,
    } else {
    }
    %get3A_32 = arith.constant 0 : index
    %get3A_33 = arith.constant 0 : index
    %get3A_34 = vector.load %arg4[%get3A_32, %get3A_33] : memref<8x16xf32, #tpu.memory_space<vmem>>, vector<8x16xf32>
    %add3A_35 = arith.addf %get3A_34, %concatenate3A : vector<8x16xf32>
    %swap3A = arith.constant 0 : index
    %swap3A_36 = arith.constant 0 : index
    %swap3A_37 = vector.load %arg4[%swap3A, %swap3A_36] : memref<8x16xf32, #tpu.memory_space<vmem>>, vector<8x16xf32>
    tpu.vector_store %arg4[%swap3A, %swap3A_36], %add3A_35 {strides = array<i32>} : memref<8x16xf32, #tpu.memory_space<vmem>>, vector<8x16xf32>,
    return
  }
  func.func @transform_0(%arg0: i32) -> (i32, i32, i32) {
    %c0_i32 = arith.constant 0 : i32
    %c0_i32_0 = arith.constant 0 : i32
    %c0_i32_1 = arith.constant 0 : i32
    return %arg0, %c0_i32, %c0_i32_0 : i32, i32, i32
  }
  func.func @transform_1(%arg0: i32) -> (i32, i32) {
    %c0_i32 = arith.constant 0 : i32
    %c0_i32_0 = arith.constant 0 : i32
    %c0_i32_1 = arith.constant 0 : i32
    return %c0_i32, %c0_i32_0 : i32, i32
  }
  func.func @transform_2(%arg0: i32) -> (i32, i32) {
    %c0_i32 = arith.constant 0 : i32
    %c0_i32_0 = arith.constant 0 : i32
    %c0_i32_1 = arith.constant 0 : i32
    return %c0_i32, %c0_i32_0 : i32, i32
  }
  func.func @transform_3(%arg0: i32) -> (i32, i32) {
    %c0_i32 = arith.constant 0 : i32
    %c0_i32_0 = arith.constant 0 : i32
    %c0_i32_1 = arith.constant 0 : i32
    return %c0_i32, %c0_i32_0 : i32, i32
  }
}

module attributes {stable_mosaic.version = 14 : i64} {
  func.func @_w0stats_body(%arg0: i32, %arg1: memref<64x16x128xf32, #tpu.memory_space<vmem>>, %arg2: memref<64x16x16xf32, #tpu.memory_space<vmem>>, %arg3: memref<64x128xf32, #tpu.memory_space<vmem>>, %arg4: memref<8x16xf32, #tpu.memory_space<vmem>>, %arg5: memref<16x16xf32, #tpu.memory_space<vmem>>, %arg6: memref<1x16xf32, #tpu.memory_space<vmem>>, %arg7: memref<1x16xf32, #tpu.memory_space<vmem>>, %arg8: memref<1x16xf32, #tpu.memory_space<vmem>>, %arg9: memref<16x128xf32, #tpu.memory_space<vmem>>, %arg10: memref<1x128xf32, #tpu.memory_space<vmem>>, %arg11: memref<8x128xf32, #tpu.memory_space<vmem>>) attributes {dimension_semantics = [#tpu.dimension_semantics<arbitrary>], iteration_bounds = array<i64: 160>, scalar_prefetch = 0 : i64, scratch_operands = 0 : i64, tpu.core_type = #tpu.core_type<tc>, window_params = [{transform_indices = @transform_0, window_bounds = array<i64: 64, 16, 128>}, {transform_indices = @transform_1, window_bounds = array<i64: 64, 16, 16>}, {transform_indices = @transform_2, window_bounds = array<i64: 64, 128>}, {pipeline_mode = #tpu.pipeline_mode<synchronous>, transform_indices = @transform_3, window_bounds = array<i64: 8, 16>}, {pipeline_mode = #tpu.pipeline_mode<synchronous>, transform_indices = @transform_4, window_bounds = array<i64: 16, 16>}, {pipeline_mode = #tpu.pipeline_mode<synchronous>, transform_indices = @transform_5, window_bounds = array<i64: 1, 16>}, {pipeline_mode = #tpu.pipeline_mode<synchronous>, transform_indices = @transform_6, window_bounds = array<i64: 1, 16>}, {pipeline_mode = #tpu.pipeline_mode<synchronous>, transform_indices = @transform_7, window_bounds = array<i64: 1, 16>}, {pipeline_mode = #tpu.pipeline_mode<synchronous>, transform_indices = @transform_8, window_bounds = array<i64: 16, 128>}, {pipeline_mode = #tpu.pipeline_mode<synchronous>, transform_indices = @transform_9, window_bounds = array<i64: 1, 128>}, {pipeline_mode = #tpu.pipeline_mode<synchronous>, transform_indices = @transform_10, window_bounds = array<i64: 8, 128>}]} {
    %get3A = arith.constant 0 : index
    %get3A_0 = arith.constant 0 : index
    %get3A_1 = arith.constant 0 : index
    %get3A_2 = vector.load %arg2[%get3A, %get3A_0, %get3A_1] : memref<64x16x16xf32, #tpu.memory_space<vmem>>, vector<64x16x16xf32>
    %reshape3A = vector.shape_cast %get3A_2 : vector<64x16x16xf32> to vector<1024x16xf32>
    %get3A_3 = arith.constant 0 : index
    %get3A_4 = arith.constant 0 : index
    %get3A_5 = vector.load %arg5[%get3A_3, %get3A_4] : memref<16x16xf32, #tpu.memory_space<vmem>>, vector<16x16xf32>
    %dot_general3A = arith.constant dense<0.000000e+00> : vector<1024x16xf32>
    %dot_general3A_6 = tpu.matmul %reshape3A, %get3A_5, %dot_general3A {dimension_numbers = #tpu.dot_dimension_numbers<[1], [0], [0], [1], [0, 0, 1, 1], [], []>, transpose_lhs_hint = false} : vector<1024x16xf32>, vector<16x16xf32>, vector<1024x16xf32> -> vector<1024x16xf32>
    %get3A_7 = arith.constant 0 : index
    %get3A_8 = arith.constant 0 : index
    %get3A_9 = vector.load %arg6[%get3A_7, %get3A_8] : memref<1x16xf32, #tpu.memory_space<vmem>>, vector<1x16xf32>
    %add3A = vector.broadcast %get3A_9 : vector<1x16xf32> to vector<1024x16xf32>
    %add3A_10 = arith.addf %dot_general3A_6, %add3A : vector<1024x16xf32>
    %get3A_11 = arith.constant 0 : index
    %get3A_12 = arith.constant 0 : index
    %get3A_13 = vector.load %arg4[%get3A_11, %get3A_12] : memref<8x16xf32, #tpu.memory_space<vmem>>, vector<8x16xf32>
    %get3A_14 = arith.constant 0 : index
    %get3A_15 = arith.constant 0 : index
    %get3A_16 = vector.load %arg7[%get3A_14, %get3A_15] : memref<1x16xf32, #tpu.memory_space<vmem>>, vector<1x16xf32>
    %get3A_17 = arith.constant 0 : index
    %get3A_18 = arith.constant 0 : index
    %get3A_19 = vector.load %arg8[%get3A_17, %get3A_18] : memref<1x16xf32, #tpu.memory_space<vmem>>, vector<1x16xf32>
    %slice3A = vector.extract_strided_slice %get3A_13 {offsets = [0, 0], sizes = [1, 16], strides = [1, 1]} : vector<8x16xf32> to vector<1x16xf32>
    %div3A = arith.constant 1.600000e+05 : f32
    %div3A_20 = vector.broadcast %div3A : f32 to vector<1x16xf32>
    %div3A_21 = arith.divf %slice3A, %div3A_20 : vector<1x16xf32>
    %slice3A_22 = vector.extract_strided_slice %get3A_13 {offsets = [1, 0], sizes = [1, 16], strides = [1, 1]} : vector<8x16xf32> to vector<1x16xf32>
    %div3A_23 = arith.constant 1.600000e+05 : f32
    %div3A_24 = vector.broadcast %div3A_23 : f32 to vector<1x16xf32>
    %div3A_25 = arith.divf %slice3A_22, %div3A_24 : vector<1x16xf32>
    %mul3A = arith.mulf %div3A_21, %div3A_21 : vector<1x16xf32>
    %sub3A = arith.subf %div3A_25, %mul3A : vector<1x16xf32>
    %sub3A_26 = vector.broadcast %div3A_21 : vector<1x16xf32> to vector<1024x16xf32>
    %sub3A_27 = arith.subf %add3A_10, %sub3A_26 : vector<1024x16xf32>
    %add3A_28 = arith.constant 9.99999974E-6 : f32
    %add3A_29 = vector.broadcast %add3A_28 : f32 to vector<1x16xf32>
    %add3A_30 = arith.addf %sub3A, %add3A_29 : vector<1x16xf32>
    %rsqrt3A = math.rsqrt %add3A_30 : vector<1x16xf32>
    %mul3A_31 = vector.broadcast %rsqrt3A : vector<1x16xf32> to vector<1024x16xf32>
    %mul3A_32 = arith.mulf %sub3A_27, %mul3A_31 : vector<1024x16xf32>
    %mul3A_33 = vector.broadcast %get3A_16 : vector<1x16xf32> to vector<1024x16xf32>
    %mul3A_34 = arith.mulf %mul3A_32, %mul3A_33 : vector<1024x16xf32>
    %add3A_35 = vector.broadcast %get3A_19 : vector<1x16xf32> to vector<1024x16xf32>
    %add3A_36 = arith.addf %mul3A_34, %add3A_35 : vector<1024x16xf32>
    %max3A = arith.constant 0.000000e+00 : f32
    %max3A_37 = vector.broadcast %max3A : f32 to vector<1024x16xf32>
    %max3A_38 = arith.maximumf %add3A_36, %max3A_37 : vector<1024x16xf32>
    %get3A_39 = arith.constant 0 : index
    %get3A_40 = arith.constant 0 : index
    %get3A_41 = vector.load %arg9[%get3A_39, %get3A_40] : memref<16x128xf32, #tpu.memory_space<vmem>>, vector<16x128xf32>
    %dot_general3A_42 = arith.constant dense<0.000000e+00> : vector<1024x128xf32>
    %dot_general3A_43 = tpu.matmul %max3A_38, %get3A_41, %dot_general3A_42 {dimension_numbers = #tpu.dot_dimension_numbers<[1], [0], [0], [1], [0, 0, 1, 1], [], []>, transpose_lhs_hint = false} : vector<1024x16xf32>, vector<16x128xf32>, vector<1024x128xf32> -> vector<1024x128xf32>
    %get3A_44 = arith.constant 0 : index
    %get3A_45 = arith.constant 0 : index
    %get3A_46 = vector.load %arg10[%get3A_44, %get3A_45] : memref<1x128xf32, #tpu.memory_space<vmem>>, vector<1x128xf32>
    %add3A_47 = vector.broadcast %get3A_46 : vector<1x128xf32> to vector<1024x128xf32>
    %add3A_48 = arith.addf %dot_general3A_43, %add3A_47 : vector<1024x128xf32>
    %get3A_49 = arith.constant 0 : index
    %get3A_50 = arith.constant 0 : index
    %get3A_51 = vector.load %arg3[%get3A_49, %get3A_50] : memref<64x128xf32, #tpu.memory_space<vmem>>, vector<64x128xf32>
    %broadcast_in_dim3A = vector.shape_cast %get3A_51 : vector<64x128xf32> to vector<64x1x128xf32>
    %broadcast_in_dim3A_52 = vector.shape_cast %broadcast_in_dim3A : vector<64x1x128xf32> to vector<64x1x128xf32>
    %broadcast_in_dim3A_53 = vector.broadcast %broadcast_in_dim3A_52 : vector<64x1x128xf32> to vector<64x16x128xf32>
    %reshape3A_54 = vector.shape_cast %broadcast_in_dim3A_53 : vector<64x16x128xf32> to vector<1024x128xf32>
    %get3A_55 = arith.constant 0 : index
    %get3A_56 = arith.constant 0 : index
    %get3A_57 = arith.constant 0 : index
    %get3A_58 = vector.load %arg1[%get3A_55, %get3A_56, %get3A_57] : memref<64x16x128xf32, #tpu.memory_space<vmem>>, vector<64x16x128xf32>
    %reshape3A_59 = vector.shape_cast %get3A_58 : vector<64x16x128xf32> to vector<1024x128xf32>
    %slice3A_60 = vector.extract_strided_slice %reshape3A_59 {offsets = [0, 0], sizes = [1024, 64], strides = [1, 1]} : vector<1024x128xf32> to vector<1024x64xf32>
    %bitcast_convert_type3A = tpu.bitcast %slice3A_60 : vector<1024x64xf32> -> vector<1024x64xi32>
    %and3A = arith.constant -65536 : i32
    %and3A_61 = vector.broadcast %and3A : i32 to vector<1024x64xi32>
    %and3A_62 = arith.andi %bitcast_convert_type3A, %and3A_61 : vector<1024x64xi32>
    %bitcast_convert_type3A_63 = tpu.bitcast %and3A_62 : vector<1024x64xi32> -> vector<1024x64xf32>
    %shift_left3A = arith.constant 16 : i32
    %shift_left3A_64 = vector.broadcast %shift_left3A : i32 to vector<1024x64xi32>
    %shift_left3A_65 = arith.shli %bitcast_convert_type3A, %shift_left3A_64 : vector<1024x64xi32>
    %bitcast_convert_type3A_66 = tpu.bitcast %shift_left3A_65 : vector<1024x64xi32> -> vector<1024x64xf32>
    %concatenate3A = tpu.concatenate %bitcast_convert_type3A_63, %bitcast_convert_type3A_66 in 1 : vector<1024x64xf32>, vector<1024x64xf32> -> vector<1024x128xf32>
    %sub3A_67 = arith.subf %concatenate3A, %reshape3A_54 : vector<1024x128xf32>
    %add3A_68 = arith.addf %sub3A_67, %add3A_48 : vector<1024x128xf32>
    %iota3A = tpu.iota {dimensions = array<i32: 0>} : vector<1024x1xi32>
    %mul3A_69 = arith.constant 1024 : i32
    %mul3A_70 = arith.muli %arg0, %mul3A_69 : i32
    %add3A_71 = vector.broadcast %mul3A_70 : i32 to vector<1024x1xi32>
    %add3A_72 = arith.addi %iota3A, %add3A_71 : vector<1024x1xi32>
    %lt3A = arith.constant 160000 : i32
    %lt3A_73 = vector.broadcast %lt3A : i32 to vector<1024x1xi32>
    %lt3A_74 = arith.cmpi slt, %add3A_72, %lt3A_73 : vector<1024x1xi32>
    %jit3A = arith.constant 1.000000e+00 : f32
    %jit3A_75 = arith.constant 0.000000e+00 : f32
    %broadcast_in_dim3A_76 = vector.broadcast %jit3A : f32 to vector<1024x1xf32>
    %broadcast_in_dim3A_77 = vector.broadcast %jit3A_75 : f32 to vector<1024x1xf32>
    %select_n3A = arith.select %lt3A_74, %broadcast_in_dim3A_76, %broadcast_in_dim3A_77 : vector<1024x1xi1>, vector<1024x1xf32>
    %mul3A_78 = vector.broadcast %select_n3A : vector<1024x1xf32> to vector<1024x128xf32>
    %mul3A_79 = arith.mulf %add3A_68, %mul3A_78 : vector<1024x128xf32>
    %reduce_sum3A = arith.constant dense<0.000000e+00> : vector<128xf32>
    %reduce_sum3A_80 = vector.multi_reduction <add>, %mul3A_79, %reduce_sum3A [0] : vector<1024x128xf32> to vector<128xf32>
    %broadcast_in_dim3A_81 = vector.shape_cast %reduce_sum3A_80 : vector<128xf32> to vector<1x128xf32>
    %mul3A_82 = arith.mulf %add3A_68, %add3A_68 : vector<1024x128xf32>
    %mul3A_83 = vector.broadcast %select_n3A : vector<1024x1xf32> to vector<1024x128xf32>
    %mul3A_84 = arith.mulf %mul3A_82, %mul3A_83 : vector<1024x128xf32>
    %reduce_sum3A_85 = arith.constant dense<0.000000e+00> : vector<128xf32>
    %reduce_sum3A_86 = vector.multi_reduction <add>, %mul3A_84, %reduce_sum3A_85 [0] : vector<1024x128xf32> to vector<128xf32>
    %broadcast_in_dim3A_87 = vector.shape_cast %reduce_sum3A_86 : vector<128xf32> to vector<1x128xf32>
    %broadcast_in_dim3A_88 = arith.constant 0.000000e+00 : f32
    %broadcast_in_dim3A_89 = vector.broadcast %broadcast_in_dim3A_88 : f32 to vector<6x128xf32>
    %concatenate3A_90 = tpu.concatenate %broadcast_in_dim3A_81, %broadcast_in_dim3A_87, %broadcast_in_dim3A_89 in 0 : vector<1x128xf32>, vector<1x128xf32>, vector<6x128xf32> -> vector<8x128xf32>
    %eq3A = arith.constant 0 : i32
    %eq3A_91 = arith.cmpi eq, %arg0, %eq3A : i32
    %convert_element_type3A = arith.extui %eq3A_91 : i1 to i32
    %cond3A = arith.constant 0 : i32
    %cond3A_92 = arith.cmpi ne, %convert_element_type3A, %cond3A : i32
    scf.if %cond3A_92 {
      %broadcast_in_dim3A_99 = arith.constant 0.000000e+00 : f32
      %broadcast_in_dim3A_100 = vector.broadcast %broadcast_in_dim3A_99 : f32 to vector<8x128xf32>
      %swap3A_101 = arith.constant 0 : index
      %swap3A_102 = arith.constant 0 : index
      %swap3A_103 = vector.load %arg11[%swap3A_101, %swap3A_102] : memref<8x128xf32, #tpu.memory_space<vmem>>, vector<8x128xf32>
      tpu.vector_store %arg11[%swap3A_101, %swap3A_102], %broadcast_in_dim3A_100 {strides = array<i32>} : memref<8x128xf32, #tpu.memory_space<vmem>>, vector<8x128xf32>,
    } else {
    }
    %get3A_93 = arith.constant 0 : index
    %get3A_94 = arith.constant 0 : index
    %get3A_95 = vector.load %arg11[%get3A_93, %get3A_94] : memref<8x128xf32, #tpu.memory_space<vmem>>, vector<8x128xf32>
    %add3A_96 = arith.addf %get3A_95, %concatenate3A_90 : vector<8x128xf32>
    %swap3A = arith.constant 0 : index
    %swap3A_97 = arith.constant 0 : index
    %swap3A_98 = vector.load %arg11[%swap3A, %swap3A_97] : memref<8x128xf32, #tpu.memory_space<vmem>>, vector<8x128xf32>
    tpu.vector_store %arg11[%swap3A, %swap3A_97], %add3A_96 {strides = array<i32>} : memref<8x128xf32, #tpu.memory_space<vmem>>, vector<8x128xf32>,
    return
  }
  func.func @transform_0(%arg0: i32) -> (i32, i32, i32) {
    %c0_i32 = arith.constant 0 : i32
    %c0_i32_0 = arith.constant 0 : i32
    %c0_i32_1 = arith.constant 0 : i32
    return %arg0, %c0_i32, %c0_i32_0 : i32, i32, i32
  }
  func.func @transform_1(%arg0: i32) -> (i32, i32, i32) {
    %c0_i32 = arith.constant 0 : i32
    %c0_i32_0 = arith.constant 0 : i32
    %c0_i32_1 = arith.constant 0 : i32
    return %arg0, %c0_i32, %c0_i32_0 : i32, i32, i32
  }
  func.func @transform_2(%arg0: i32) -> (i32, i32) {
    %c0_i32 = arith.constant 0 : i32
    %c0_i32_0 = arith.constant 0 : i32
    return %arg0, %c0_i32 : i32, i32
  }
  func.func @transform_3(%arg0: i32) -> (i32, i32) {
    %c0_i32 = arith.constant 0 : i32
    %c0_i32_0 = arith.constant 0 : i32
    %c0_i32_1 = arith.constant 0 : i32
    return %c0_i32, %c0_i32_0 : i32, i32
  }
  func.func @transform_4(%arg0: i32) -> (i32, i32) {
    %c0_i32 = arith.constant 0 : i32
    %c0_i32_0 = arith.constant 0 : i32
    %c0_i32_1 = arith.constant 0 : i32
    return %c0_i32, %c0_i32_0 : i32, i32
  }
  func.func @transform_5(%arg0: i32) -> (i32, i32) {
    %c0_i32 = arith.constant 0 : i32
    %c0_i32_0 = arith.constant 0 : i32
    %c0_i32_1 = arith.constant 0 : i32
    return %c0_i32, %c0_i32_0 : i32, i32
  }
  func.func @transform_6(%arg0: i32) -> (i32, i32) {
    %c0_i32 = arith.constant 0 : i32
    %c0_i32_0 = arith.constant 0 : i32
    %c0_i32_1 = arith.constant 0 : i32
    return %c0_i32, %c0_i32_0 : i32, i32
  }
  func.func @transform_7(%arg0: i32) -> (i32, i32) {
    %c0_i32 = arith.constant 0 : i32
    %c0_i32_0 = arith.constant 0 : i32
    %c0_i32_1 = arith.constant 0 : i32
    return %c0_i32, %c0_i32_0 : i32, i32
  }
  func.func @transform_8(%arg0: i32) -> (i32, i32) {
    %c0_i32 = arith.constant 0 : i32
    %c0_i32_0 = arith.constant 0 : i32
    %c0_i32_1 = arith.constant 0 : i32
    return %c0_i32, %c0_i32_0 : i32, i32
  }
  func.func @transform_9(%arg0: i32) -> (i32, i32) {
    %c0_i32 = arith.constant 0 : i32
    %c0_i32_0 = arith.constant 0 : i32
    %c0_i32_1 = arith.constant 0 : i32
    return %c0_i32, %c0_i32_0 : i32, i32
  }
  func.func @transform_10(%arg0: i32) -> (i32, i32) {
    %c0_i32 = arith.constant 0 : i32
    %c0_i32_0 = arith.constant 0 : i32
    %c0_i32_1 = arith.constant 0 : i32
    return %c0_i32, %c0_i32_0 : i32, i32
  }
}

module attributes {stable_mosaic.version = 14 : i64} {
  func.func @_w1_body(%arg0: i32, %arg1: memref<64x16x128xf32, #tpu.memory_space<vmem>>, %arg2: memref<64x16x16xf32, #tpu.memory_space<vmem>>, %arg3: memref<64x128xf32, #tpu.memory_space<vmem>>, %arg4: memref<8x16xf32, #tpu.memory_space<vmem>>, %arg5: memref<8x128xf32, #tpu.memory_space<vmem>>, %arg6: memref<16x16xf32, #tpu.memory_space<vmem>>, %arg7: memref<1x16xf32, #tpu.memory_space<vmem>>, %arg8: memref<1x16xf32, #tpu.memory_space<vmem>>, %arg9: memref<1x16xf32, #tpu.memory_space<vmem>>, %arg10: memref<16x128xf32, #tpu.memory_space<vmem>>, %arg11: memref<1x128xf32, #tpu.memory_space<vmem>>, %arg12: memref<1x128xf32, #tpu.memory_space<vmem>>, %arg13: memref<1x128xf32, #tpu.memory_space<vmem>>, %arg14: memref<128x16xf32, #tpu.memory_space<vmem>>, %arg15: memref<1x16xf32, #tpu.memory_space<vmem>>, %arg16: memref<64x16x16xf32, #tpu.memory_space<vmem>>, %arg17: memref<8x16xf32, #tpu.memory_space<vmem>>) attributes {dimension_semantics = [#tpu.dimension_semantics<arbitrary>], iteration_bounds = array<i64: 160>, scalar_prefetch = 0 : i64, scratch_operands = 0 : i64, tpu.core_type = #tpu.core_type<tc>, window_params = [{transform_indices = @transform_0, window_bounds = array<i64: 64, 16, 128>}, {transform_indices = @transform_1, window_bounds = array<i64: 64, 16, 16>}, {transform_indices = @transform_2, window_bounds = array<i64: 64, 128>}, {pipeline_mode = #tpu.pipeline_mode<synchronous>, transform_indices = @transform_3, window_bounds = array<i64: 8, 16>}, {pipeline_mode = #tpu.pipeline_mode<synchronous>, transform_indices = @transform_4, window_bounds = array<i64: 8, 128>}, {pipeline_mode = #tpu.pipeline_mode<synchronous>, transform_indices = @transform_5, window_bounds = array<i64: 16, 16>}, {pipeline_mode = #tpu.pipeline_mode<synchronous>, transform_indices = @transform_6, window_bounds = array<i64: 1, 16>}, {pipeline_mode = #tpu.pipeline_mode<synchronous>, transform_indices = @transform_7, window_bounds = array<i64: 1, 16>}, {pipeline_mode = #tpu.pipeline_mode<synchronous>, transform_indices = @transform_8, window_bounds = array<i64: 1, 16>}, {pipeline_mode = #tpu.pipeline_mode<synchronous>, transform_indices = @transform_9, window_bounds = array<i64: 16, 128>}, {pipeline_mode = #tpu.pipeline_mode<synchronous>, transform_indices = @transform_10, window_bounds = array<i64: 1, 128>}, {pipeline_mode = #tpu.pipeline_mode<synchronous>, transform_indices = @transform_11, window_bounds = array<i64: 1, 128>}, {pipeline_mode = #tpu.pipeline_mode<synchronous>, transform_indices = @transform_12, window_bounds = array<i64: 1, 128>}, {pipeline_mode = #tpu.pipeline_mode<synchronous>, transform_indices = @transform_13, window_bounds = array<i64: 128, 16>}, {pipeline_mode = #tpu.pipeline_mode<synchronous>, transform_indices = @transform_14, window_bounds = array<i64: 1, 16>}, {transform_indices = @transform_15, window_bounds = array<i64: 64, 16, 16>}, {pipeline_mode = #tpu.pipeline_mode<synchronous>, transform_indices = @transform_16, window_bounds = array<i64: 8, 16>}]} {
    %get3A = arith.constant 0 : index
    %get3A_0 = arith.constant 0 : index
    %get3A_1 = arith.constant 0 : index
    %get3A_2 = vector.load %arg2[%get3A, %get3A_0, %get3A_1] : memref<64x16x16xf32, #tpu.memory_space<vmem>>, vector<64x16x16xf32>
    %reshape3A = vector.shape_cast %get3A_2 : vector<64x16x16xf32> to vector<1024x16xf32>
    %get3A_3 = arith.constant 0 : index
    %get3A_4 = arith.constant 0 : index
    %get3A_5 = vector.load %arg6[%get3A_3, %get3A_4] : memref<16x16xf32, #tpu.memory_space<vmem>>, vector<16x16xf32>
    %dot_general3A = arith.constant dense<0.000000e+00> : vector<1024x16xf32>
    %dot_general3A_6 = tpu.matmul %reshape3A, %get3A_5, %dot_general3A {dimension_numbers = #tpu.dot_dimension_numbers<[1], [0], [0], [1], [0, 0, 1, 1], [], []>, transpose_lhs_hint = false} : vector<1024x16xf32>, vector<16x16xf32>, vector<1024x16xf32> -> vector<1024x16xf32>
    %get3A_7 = arith.constant 0 : index
    %get3A_8 = arith.constant 0 : index
    %get3A_9 = vector.load %arg7[%get3A_7, %get3A_8] : memref<1x16xf32, #tpu.memory_space<vmem>>, vector<1x16xf32>
    %add3A = vector.broadcast %get3A_9 : vector<1x16xf32> to vector<1024x16xf32>
    %add3A_10 = arith.addf %dot_general3A_6, %add3A : vector<1024x16xf32>
    %get3A_11 = arith.constant 0 : index
    %get3A_12 = arith.constant 0 : index
    %get3A_13 = vector.load %arg4[%get3A_11, %get3A_12] : memref<8x16xf32, #tpu.memory_space<vmem>>, vector<8x16xf32>
    %get3A_14 = arith.constant 0 : index
    %get3A_15 = arith.constant 0 : index
    %get3A_16 = vector.load %arg8[%get3A_14, %get3A_15] : memref<1x16xf32, #tpu.memory_space<vmem>>, vector<1x16xf32>
    %get3A_17 = arith.constant 0 : index
    %get3A_18 = arith.constant 0 : index
    %get3A_19 = vector.load %arg9[%get3A_17, %get3A_18] : memref<1x16xf32, #tpu.memory_space<vmem>>, vector<1x16xf32>
    %slice3A = vector.extract_strided_slice %get3A_13 {offsets = [0, 0], sizes = [1, 16], strides = [1, 1]} : vector<8x16xf32> to vector<1x16xf32>
    %div3A = arith.constant 1.600000e+05 : f32
    %div3A_20 = vector.broadcast %div3A : f32 to vector<1x16xf32>
    %div3A_21 = arith.divf %slice3A, %div3A_20 : vector<1x16xf32>
    %slice3A_22 = vector.extract_strided_slice %get3A_13 {offsets = [1, 0], sizes = [1, 16], strides = [1, 1]} : vector<8x16xf32> to vector<1x16xf32>
    %div3A_23 = arith.constant 1.600000e+05 : f32
    %div3A_24 = vector.broadcast %div3A_23 : f32 to vector<1x16xf32>
    %div3A_25 = arith.divf %slice3A_22, %div3A_24 : vector<1x16xf32>
    %mul3A = arith.mulf %div3A_21, %div3A_21 : vector<1x16xf32>
    %sub3A = arith.subf %div3A_25, %mul3A : vector<1x16xf32>
    %sub3A_26 = vector.broadcast %div3A_21 : vector<1x16xf32> to vector<1024x16xf32>
    %sub3A_27 = arith.subf %add3A_10, %sub3A_26 : vector<1024x16xf32>
    %add3A_28 = arith.constant 9.99999974E-6 : f32
    %add3A_29 = vector.broadcast %add3A_28 : f32 to vector<1x16xf32>
    %add3A_30 = arith.addf %sub3A, %add3A_29 : vector<1x16xf32>
    %rsqrt3A = math.rsqrt %add3A_30 : vector<1x16xf32>
    %mul3A_31 = vector.broadcast %rsqrt3A : vector<1x16xf32> to vector<1024x16xf32>
    %mul3A_32 = arith.mulf %sub3A_27, %mul3A_31 : vector<1024x16xf32>
    %mul3A_33 = vector.broadcast %get3A_16 : vector<1x16xf32> to vector<1024x16xf32>
    %mul3A_34 = arith.mulf %mul3A_32, %mul3A_33 : vector<1024x16xf32>
    %add3A_35 = vector.broadcast %get3A_19 : vector<1x16xf32> to vector<1024x16xf32>
    %add3A_36 = arith.addf %mul3A_34, %add3A_35 : vector<1024x16xf32>
    %max3A = arith.constant 0.000000e+00 : f32
    %max3A_37 = vector.broadcast %max3A : f32 to vector<1024x16xf32>
    %max3A_38 = arith.maximumf %add3A_36, %max3A_37 : vector<1024x16xf32>
    %get3A_39 = arith.constant 0 : index
    %get3A_40 = arith.constant 0 : index
    %get3A_41 = vector.load %arg10[%get3A_39, %get3A_40] : memref<16x128xf32, #tpu.memory_space<vmem>>, vector<16x128xf32>
    %dot_general3A_42 = arith.constant dense<0.000000e+00> : vector<1024x128xf32>
    %dot_general3A_43 = tpu.matmul %max3A_38, %get3A_41, %dot_general3A_42 {dimension_numbers = #tpu.dot_dimension_numbers<[1], [0], [0], [1], [0, 0, 1, 1], [], []>, transpose_lhs_hint = false} : vector<1024x16xf32>, vector<16x128xf32>, vector<1024x128xf32> -> vector<1024x128xf32>
    %get3A_44 = arith.constant 0 : index
    %get3A_45 = arith.constant 0 : index
    %get3A_46 = vector.load %arg11[%get3A_44, %get3A_45] : memref<1x128xf32, #tpu.memory_space<vmem>>, vector<1x128xf32>
    %add3A_47 = vector.broadcast %get3A_46 : vector<1x128xf32> to vector<1024x128xf32>
    %add3A_48 = arith.addf %dot_general3A_43, %add3A_47 : vector<1024x128xf32>
    %get3A_49 = arith.constant 0 : index
    %get3A_50 = arith.constant 0 : index
    %get3A_51 = vector.load %arg3[%get3A_49, %get3A_50] : memref<64x128xf32, #tpu.memory_space<vmem>>, vector<64x128xf32>
    %broadcast_in_dim3A = vector.shape_cast %get3A_51 : vector<64x128xf32> to vector<64x1x128xf32>
    %broadcast_in_dim3A_52 = vector.shape_cast %broadcast_in_dim3A : vector<64x1x128xf32> to vector<64x1x128xf32>
    %broadcast_in_dim3A_53 = vector.broadcast %broadcast_in_dim3A_52 : vector<64x1x128xf32> to vector<64x16x128xf32>
    %reshape3A_54 = vector.shape_cast %broadcast_in_dim3A_53 : vector<64x16x128xf32> to vector<1024x128xf32>
    %get3A_55 = arith.constant 0 : index
    %get3A_56 = arith.constant 0 : index
    %get3A_57 = arith.constant 0 : index
    %get3A_58 = vector.load %arg1[%get3A_55, %get3A_56, %get3A_57] : memref<64x16x128xf32, #tpu.memory_space<vmem>>, vector<64x16x128xf32>
    %reshape3A_59 = vector.shape_cast %get3A_58 : vector<64x16x128xf32> to vector<1024x128xf32>
    %slice3A_60 = vector.extract_strided_slice %reshape3A_59 {offsets = [0, 0], sizes = [1024, 64], strides = [1, 1]} : vector<1024x128xf32> to vector<1024x64xf32>
    %bitcast_convert_type3A = tpu.bitcast %slice3A_60 : vector<1024x64xf32> -> vector<1024x64xi32>
    %and3A = arith.constant -65536 : i32
    %and3A_61 = vector.broadcast %and3A : i32 to vector<1024x64xi32>
    %and3A_62 = arith.andi %bitcast_convert_type3A, %and3A_61 : vector<1024x64xi32>
    %bitcast_convert_type3A_63 = tpu.bitcast %and3A_62 : vector<1024x64xi32> -> vector<1024x64xf32>
    %shift_left3A = arith.constant 16 : i32
    %shift_left3A_64 = vector.broadcast %shift_left3A : i32 to vector<1024x64xi32>
    %shift_left3A_65 = arith.shli %bitcast_convert_type3A, %shift_left3A_64 : vector<1024x64xi32>
    %bitcast_convert_type3A_66 = tpu.bitcast %shift_left3A_65 : vector<1024x64xi32> -> vector<1024x64xf32>
    %concatenate3A = tpu.concatenate %bitcast_convert_type3A_63, %bitcast_convert_type3A_66 in 1 : vector<1024x64xf32>, vector<1024x64xf32> -> vector<1024x128xf32>
    %sub3A_67 = arith.subf %concatenate3A, %reshape3A_54 : vector<1024x128xf32>
    %add3A_68 = arith.addf %sub3A_67, %add3A_48 : vector<1024x128xf32>
    %get3A_69 = arith.constant 0 : index
    %get3A_70 = arith.constant 0 : index
    %get3A_71 = vector.load %arg5[%get3A_69, %get3A_70] : memref<8x128xf32, #tpu.memory_space<vmem>>, vector<8x128xf32>
    %get3A_72 = arith.constant 0 : index
    %get3A_73 = arith.constant 0 : index
    %get3A_74 = vector.load %arg12[%get3A_72, %get3A_73] : memref<1x128xf32, #tpu.memory_space<vmem>>, vector<1x128xf32>
    %get3A_75 = arith.constant 0 : index
    %get3A_76 = arith.constant 0 : index
    %get3A_77 = vector.load %arg13[%get3A_75, %get3A_76] : memref<1x128xf32, #tpu.memory_space<vmem>>, vector<1x128xf32>
    %slice3A_78 = vector.extract_strided_slice %get3A_71 {offsets = [0, 0], sizes = [1, 128], strides = [1, 1]} : vector<8x128xf32> to vector<1x128xf32>
    %div3A_79 = arith.constant 1.600000e+05 : f32
    %div3A_80 = vector.broadcast %div3A_79 : f32 to vector<1x128xf32>
    %div3A_81 = arith.divf %slice3A_78, %div3A_80 : vector<1x128xf32>
    %slice3A_82 = vector.extract_strided_slice %get3A_71 {offsets = [1, 0], sizes = [1, 128], strides = [1, 1]} : vector<8x128xf32> to vector<1x128xf32>
    %div3A_83 = arith.constant 1.600000e+05 : f32
    %div3A_84 = vector.broadcast %div3A_83 : f32 to vector<1x128xf32>
    %div3A_85 = arith.divf %slice3A_82, %div3A_84 : vector<1x128xf32>
    %mul3A_86 = arith.mulf %div3A_81, %div3A_81 : vector<1x128xf32>
    %sub3A_87 = arith.subf %div3A_85, %mul3A_86 : vector<1x128xf32>
    %sub3A_88 = vector.broadcast %div3A_81 : vector<1x128xf32> to vector<1024x128xf32>
    %sub3A_89 = arith.subf %add3A_68, %sub3A_88 : vector<1024x128xf32>
    %add3A_90 = arith.constant 9.99999974E-6 : f32
    %add3A_91 = vector.broadcast %add3A_90 : f32 to vector<1x128xf32>
    %add3A_92 = arith.addf %sub3A_87, %add3A_91 : vector<1x128xf32>
    %rsqrt3A_93 = math.rsqrt %add3A_92 : vector<1x128xf32>
    %mul3A_94 = vector.broadcast %rsqrt3A_93 : vector<1x128xf32> to vector<1024x128xf32>
    %mul3A_95 = arith.mulf %sub3A_89, %mul3A_94 : vector<1024x128xf32>
    %mul3A_96 = vector.broadcast %get3A_74 : vector<1x128xf32> to vector<1024x128xf32>
    %mul3A_97 = arith.mulf %mul3A_95, %mul3A_96 : vector<1024x128xf32>
    %add3A_98 = vector.broadcast %get3A_77 : vector<1x128xf32> to vector<1024x128xf32>
    %add3A_99 = arith.addf %mul3A_97, %add3A_98 : vector<1024x128xf32>
    %max3A_100 = arith.constant 0.000000e+00 : f32
    %max3A_101 = vector.broadcast %max3A_100 : f32 to vector<1024x128xf32>
    %max3A_102 = arith.maximumf %add3A_99, %max3A_101 : vector<1024x128xf32>
    %get3A_103 = arith.constant 0 : index
    %get3A_104 = arith.constant 0 : index
    %get3A_105 = vector.load %arg14[%get3A_103, %get3A_104] : memref<128x16xf32, #tpu.memory_space<vmem>>, vector<128x16xf32>
    %dot_general3A_106 = arith.constant dense<0.000000e+00> : vector<1024x16xf32>
    %dot_general3A_107 = tpu.matmul %max3A_102, %get3A_105, %dot_general3A_106 {dimension_numbers = #tpu.dot_dimension_numbers<[1], [0], [0], [1], [0, 0, 1, 1], [], []>, transpose_lhs_hint = false} : vector<1024x128xf32>, vector<128x16xf32>, vector<1024x16xf32> -> vector<1024x16xf32>
    %get3A_108 = arith.constant 0 : index
    %get3A_109 = arith.constant 0 : index
    %get3A_110 = vector.load %arg15[%get3A_108, %get3A_109] : memref<1x16xf32, #tpu.memory_space<vmem>>, vector<1x16xf32>
    %add3A_111 = vector.broadcast %get3A_110 : vector<1x16xf32> to vector<1024x16xf32>
    %add3A_112 = arith.addf %dot_general3A_107, %add3A_111 : vector<1024x16xf32>
    %reshape3A_113 = vector.shape_cast %add3A_112 : vector<1024x16xf32> to vector<64x16x16xf32>
    %swap3A = arith.constant 0 : index
    %swap3A_114 = arith.constant 0 : index
    %swap3A_115 = arith.constant 0 : index
    %swap3A_116 = vector.load %arg16[%swap3A, %swap3A_114, %swap3A_115] : memref<64x16x16xf32, #tpu.memory_space<vmem>>, vector<64x16x16xf32>
    tpu.vector_store %arg16[%swap3A, %swap3A_114, %swap3A_115], %reshape3A_113 {strides = array<i32>} : memref<64x16x16xf32, #tpu.memory_space<vmem>>, vector<64x16x16xf32>,
    %iota3A = tpu.iota {dimensions = array<i32: 0>} : vector<1024x1xi32>
    %mul3A_117 = arith.constant 1024 : i32
    %mul3A_118 = arith.muli %arg0, %mul3A_117 : i32
    %add3A_119 = vector.broadcast %mul3A_118 : i32 to vector<1024x1xi32>
    %add3A_120 = arith.addi %iota3A, %add3A_119 : vector<1024x1xi32>
    %lt3A = arith.constant 160000 : i32
    %lt3A_121 = vector.broadcast %lt3A : i32 to vector<1024x1xi32>
    %lt3A_122 = arith.cmpi slt, %add3A_120, %lt3A_121 : vector<1024x1xi32>
    %jit3A = arith.constant 1.000000e+00 : f32
    %jit3A_123 = arith.constant 0.000000e+00 : f32
    %broadcast_in_dim3A_124 = vector.broadcast %jit3A : f32 to vector<1024x1xf32>
    %broadcast_in_dim3A_125 = vector.broadcast %jit3A_123 : f32 to vector<1024x1xf32>
    %select_n3A = arith.select %lt3A_122, %broadcast_in_dim3A_124, %broadcast_in_dim3A_125 : vector<1024x1xi1>, vector<1024x1xf32>
    %mul3A_126 = vector.broadcast %select_n3A : vector<1024x1xf32> to vector<1024x16xf32>
    %mul3A_127 = arith.mulf %add3A_112, %mul3A_126 : vector<1024x16xf32>
    %reduce_sum3A = arith.constant dense<0.000000e+00> : vector<16xf32>
    %reduce_sum3A_128 = vector.multi_reduction <add>, %mul3A_127, %reduce_sum3A [0] : vector<1024x16xf32> to vector<16xf32>
    %broadcast_in_dim3A_129 = vector.shape_cast %reduce_sum3A_128 : vector<16xf32> to vector<1x16xf32>
    %mul3A_130 = arith.mulf %add3A_112, %add3A_112 : vector<1024x16xf32>
    %mul3A_131 = vector.broadcast %select_n3A : vector<1024x1xf32> to vector<1024x16xf32>
    %mul3A_132 = arith.mulf %mul3A_130, %mul3A_131 : vector<1024x16xf32>
    %reduce_sum3A_133 = arith.constant dense<0.000000e+00> : vector<16xf32>
    %reduce_sum3A_134 = vector.multi_reduction <add>, %mul3A_132, %reduce_sum3A_133 [0] : vector<1024x16xf32> to vector<16xf32>
    %broadcast_in_dim3A_135 = vector.shape_cast %reduce_sum3A_134 : vector<16xf32> to vector<1x16xf32>
    %broadcast_in_dim3A_136 = arith.constant 0.000000e+00 : f32
    %broadcast_in_dim3A_137 = vector.broadcast %broadcast_in_dim3A_136 : f32 to vector<6x16xf32>
    %concatenate3A_138 = tpu.concatenate %broadcast_in_dim3A_129, %broadcast_in_dim3A_135, %broadcast_in_dim3A_137 in 0 : vector<1x16xf32>, vector<1x16xf32>, vector<6x16xf32> -> vector<8x16xf32>
    %eq3A = arith.constant 0 : i32
    %eq3A_139 = arith.cmpi eq, %arg0, %eq3A : i32
    %convert_element_type3A = arith.extui %eq3A_139 : i1 to i32
    %cond3A = arith.constant 0 : i32
    %cond3A_140 = arith.cmpi ne, %convert_element_type3A, %cond3A : i32
    scf.if %cond3A_140 {
      %broadcast_in_dim3A_148 = arith.constant 0.000000e+00 : f32
      %broadcast_in_dim3A_149 = vector.broadcast %broadcast_in_dim3A_148 : f32 to vector<8x16xf32>
      %swap3A_150 = arith.constant 0 : index
      %swap3A_151 = arith.constant 0 : index
      %swap3A_152 = vector.load %arg17[%swap3A_150, %swap3A_151] : memref<8x16xf32, #tpu.memory_space<vmem>>, vector<8x16xf32>
      tpu.vector_store %arg17[%swap3A_150, %swap3A_151], %broadcast_in_dim3A_149 {strides = array<i32>} : memref<8x16xf32, #tpu.memory_space<vmem>>, vector<8x16xf32>,
    } else {
    }
    %get3A_141 = arith.constant 0 : index
    %get3A_142 = arith.constant 0 : index
    %get3A_143 = vector.load %arg17[%get3A_141, %get3A_142] : memref<8x16xf32, #tpu.memory_space<vmem>>, vector<8x16xf32>
    %add3A_144 = arith.addf %get3A_143, %concatenate3A_138 : vector<8x16xf32>
    %swap3A_145 = arith.constant 0 : index
    %swap3A_146 = arith.constant 0 : index
    %swap3A_147 = vector.load %arg17[%swap3A_145, %swap3A_146] : memref<8x16xf32, #tpu.memory_space<vmem>>, vector<8x16xf32>
    tpu.vector_store %arg17[%swap3A_145, %swap3A_146], %add3A_144 {strides = array<i32>} : memref<8x16xf32, #tpu.memory_space<vmem>>, vector<8x16xf32>,
    return
  }
  func.func @transform_0(%arg0: i32) -> (i32, i32, i32) {
    %c0_i32 = arith.constant 0 : i32
    %c0_i32_0 = arith.constant 0 : i32
    %c0_i32_1 = arith.constant 0 : i32
    return %arg0, %c0_i32, %c0_i32_0 : i32, i32, i32
  }
  func.func @transform_1(%arg0: i32) -> (i32, i32, i32) {
    %c0_i32 = arith.constant 0 : i32
    %c0_i32_0 = arith.constant 0 : i32
    %c0_i32_1 = arith.constant 0 : i32
    return %arg0, %c0_i32, %c0_i32_0 : i32, i32, i32
  }
  func.func @transform_2(%arg0: i32) -> (i32, i32) {
    %c0_i32 = arith.constant 0 : i32
    %c0_i32_0 = arith.constant 0 : i32
    return %arg0, %c0_i32 : i32, i32
  }
  func.func @transform_3(%arg0: i32) -> (i32, i32) {
    %c0_i32 = arith.constant 0 : i32
    %c0_i32_0 = arith.constant 0 : i32
    %c0_i32_1 = arith.constant 0 : i32
    return %c0_i32, %c0_i32_0 : i32, i32
  }
  func.func @transform_4(%arg0: i32) -> (i32, i32) {
    %c0_i32 = arith.constant 0 : i32
    %c0_i32_0 = arith.constant 0 : i32
    %c0_i32_1 = arith.constant 0 : i32
    return %c0_i32, %c0_i32_0 : i32, i32
  }
  func.func @transform_5(%arg0: i32) -> (i32, i32) {
    %c0_i32 = arith.constant 0 : i32
    %c0_i32_0 = arith.constant 0 : i32
    %c0_i32_1 = arith.constant 0 : i32
    return %c0_i32, %c0_i32_0 : i32, i32
  }
  func.func @transform_6(%arg0: i32) -> (i32, i32) {
    %c0_i32 = arith.constant 0 : i32
    %c0_i32_0 = arith.constant 0 : i32
    %c0_i32_1 = arith.constant 0 : i32
    return %c0_i32, %c0_i32_0 : i32, i32
  }
  func.func @transform_7(%arg0: i32) -> (i32, i32) {
    %c0_i32 = arith.constant 0 : i32
    %c0_i32_0 = arith.constant 0 : i32
    %c0_i32_1 = arith.constant 0 : i32
    return %c0_i32, %c0_i32_0 : i32, i32
  }
  func.func @transform_8(%arg0: i32) -> (i32, i32) {
    %c0_i32 = arith.constant 0 : i32
    %c0_i32_0 = arith.constant 0 : i32
    %c0_i32_1 = arith.constant 0 : i32
    return %c0_i32, %c0_i32_0 : i32, i32
  }
  func.func @transform_9(%arg0: i32) -> (i32, i32) {
    %c0_i32 = arith.constant 0 : i32
    %c0_i32_0 = arith.constant 0 : i32
    %c0_i32_1 = arith.constant 0 : i32
    return %c0_i32, %c0_i32_0 : i32, i32
  }
  func.func @transform_10(%arg0: i32) -> (i32, i32) {
    %c0_i32 = arith.constant 0 : i32
    %c0_i32_0 = arith.constant 0 : i32
    %c0_i32_1 = arith.constant 0 : i32
    return %c0_i32, %c0_i32_0 : i32, i32
  }
  func.func @transform_11(%arg0: i32) -> (i32, i32) {
    %c0_i32 = arith.constant 0 : i32
    %c0_i32_0 = arith.constant 0 : i32
    %c0_i32_1 = arith.constant 0 : i32
    return %c0_i32, %c0_i32_0 : i32, i32
  }
  func.func @transform_12(%arg0: i32) -> (i32, i32) {
    %c0_i32 = arith.constant 0 : i32
    %c0_i32_0 = arith.constant 0 : i32
    %c0_i32_1 = arith.constant 0 : i32
    return %c0_i32, %c0_i32_0 : i32, i32
  }
  func.func @transform_13(%arg0: i32) -> (i32, i32) {
    %c0_i32 = arith.constant 0 : i32
    %c0_i32_0 = arith.constant 0 : i32
    %c0_i32_1 = arith.constant 0 : i32
    return %c0_i32, %c0_i32_0 : i32, i32
  }
  func.func @transform_14(%arg0: i32) -> (i32, i32) {
    %c0_i32 = arith.constant 0 : i32
    %c0_i32_0 = arith.constant 0 : i32
    %c0_i32_1 = arith.constant 0 : i32
    return %c0_i32, %c0_i32_0 : i32, i32
  }
  func.func @transform_15(%arg0: i32) -> (i32, i32, i32) {
    %c0_i32 = arith.constant 0 : i32
    %c0_i32_0 = arith.constant 0 : i32
    %c0_i32_1 = arith.constant 0 : i32
    return %arg0, %c0_i32, %c0_i32_0 : i32, i32, i32
  }
  func.func @transform_16(%arg0: i32) -> (i32, i32) {
    %c0_i32 = arith.constant 0 : i32
    %c0_i32_0 = arith.constant 0 : i32
    %c0_i32_1 = arith.constant 0 : i32
    return %c0_i32, %c0_i32_0 : i32, i32
  }
}

module attributes {stable_mosaic.version = 14 : i64} {
  func.func @_final_body(%arg0: i32, %arg1: memref<64x16x16xf32, #tpu.memory_space<vmem>>, %arg2: memref<64x16x128xf32, #tpu.memory_space<vmem>>, %arg3: memref<64x16x16xf32, #tpu.memory_space<vmem>>, %arg4: memref<8x16xf32, #tpu.memory_space<vmem>>, %arg5: memref<8x16xf32, #tpu.memory_space<vmem>>, %arg6: memref<16x16xf32, #tpu.memory_space<vmem>>, %arg7: memref<1x16xf32, #tpu.memory_space<vmem>>, %arg8: memref<1x16xf32, #tpu.memory_space<vmem>>, %arg9: memref<1x16xf32, #tpu.memory_space<vmem>>, %arg10: memref<16x128xf32, #tpu.memory_space<vmem>>, %arg11: memref<1x128xf32, #tpu.memory_space<vmem>>, %arg12: memref<1x16xf32, #tpu.memory_space<vmem>>, %arg13: memref<1x16xf32, #tpu.memory_space<vmem>>, %arg14: memref<16x16xf32, #tpu.memory_space<vmem>>, %arg15: memref<1x16xf32, #tpu.memory_space<vmem>>, %arg16: memref<64x128xf32, #tpu.memory_space<vmem>>) attributes {dimension_semantics = [#tpu.dimension_semantics<arbitrary>], iteration_bounds = array<i64: 160>, scalar_prefetch = 0 : i64, scratch_operands = 0 : i64, tpu.core_type = #tpu.core_type<tc>, window_params = [{transform_indices = @transform_0, window_bounds = array<i64: 64, 16, 16>}, {transform_indices = @transform_1, window_bounds = array<i64: 64, 16, 128>}, {transform_indices = @transform_2, window_bounds = array<i64: 64, 16, 16>}, {pipeline_mode = #tpu.pipeline_mode<synchronous>, transform_indices = @transform_3, window_bounds = array<i64: 8, 16>}, {pipeline_mode = #tpu.pipeline_mode<synchronous>, transform_indices = @transform_4, window_bounds = array<i64: 8, 16>}, {pipeline_mode = #tpu.pipeline_mode<synchronous>, transform_indices = @transform_5, window_bounds = array<i64: 16, 16>}, {pipeline_mode = #tpu.pipeline_mode<synchronous>, transform_indices = @transform_6, window_bounds = array<i64: 1, 16>}, {pipeline_mode = #tpu.pipeline_mode<synchronous>, transform_indices = @transform_7, window_bounds = array<i64: 1, 16>}, {pipeline_mode = #tpu.pipeline_mode<synchronous>, transform_indices = @transform_8, window_bounds = array<i64: 1, 16>}, {pipeline_mode = #tpu.pipeline_mode<synchronous>, transform_indices = @transform_9, window_bounds = array<i64: 16, 128>}, {pipeline_mode = #tpu.pipeline_mode<synchronous>, transform_indices = @transform_10, window_bounds = array<i64: 1, 128>}, {pipeline_mode = #tpu.pipeline_mode<synchronous>, transform_indices = @transform_11, window_bounds = array<i64: 1, 16>}, {pipeline_mode = #tpu.pipeline_mode<synchronous>, transform_indices = @transform_12, window_bounds = array<i64: 1, 16>}, {pipeline_mode = #tpu.pipeline_mode<synchronous>, transform_indices = @transform_13, window_bounds = array<i64: 16, 16>}, {pipeline_mode = #tpu.pipeline_mode<synchronous>, transform_indices = @transform_14, window_bounds = array<i64: 1, 16>}, {transform_indices = @transform_15, window_bounds = array<i64: 64, 128>}]} {
    %get3A = arith.constant 0 : index
    %get3A_0 = arith.constant 0 : index
    %get3A_1 = arith.constant 0 : index
    %get3A_2 = vector.load %arg3[%get3A, %get3A_0, %get3A_1] : memref<64x16x16xf32, #tpu.memory_space<vmem>>, vector<64x16x16xf32>
    %reshape3A = vector.shape_cast %get3A_2 : vector<64x16x16xf32> to vector<1024x16xf32>
    %get3A_3 = arith.constant 0 : index
    %get3A_4 = arith.constant 0 : index
    %get3A_5 = vector.load %arg6[%get3A_3, %get3A_4] : memref<16x16xf32, #tpu.memory_space<vmem>>, vector<16x16xf32>
    %dot_general3A = arith.constant dense<0.000000e+00> : vector<1024x16xf32>
    %dot_general3A_6 = tpu.matmul %reshape3A, %get3A_5, %dot_general3A {dimension_numbers = #tpu.dot_dimension_numbers<[1], [0], [0], [1], [0, 0, 1, 1], [], []>, transpose_lhs_hint = false} : vector<1024x16xf32>, vector<16x16xf32>, vector<1024x16xf32> -> vector<1024x16xf32>
    %get3A_7 = arith.constant 0 : index
    %get3A_8 = arith.constant 0 : index
    %get3A_9 = vector.load %arg7[%get3A_7, %get3A_8] : memref<1x16xf32, #tpu.memory_space<vmem>>, vector<1x16xf32>
    %add3A = vector.broadcast %get3A_9 : vector<1x16xf32> to vector<1024x16xf32>
    %add3A_10 = arith.addf %dot_general3A_6, %add3A : vector<1024x16xf32>
    %get3A_11 = arith.constant 0 : index
    %get3A_12 = arith.constant 0 : index
    %get3A_13 = vector.load %arg4[%get3A_11, %get3A_12] : memref<8x16xf32, #tpu.memory_space<vmem>>, vector<8x16xf32>
    %get3A_14 = arith.constant 0 : index
    %get3A_15 = arith.constant 0 : index
    %get3A_16 = vector.load %arg8[%get3A_14, %get3A_15] : memref<1x16xf32, #tpu.memory_space<vmem>>, vector<1x16xf32>
    %get3A_17 = arith.constant 0 : index
    %get3A_18 = arith.constant 0 : index
    %get3A_19 = vector.load %arg9[%get3A_17, %get3A_18] : memref<1x16xf32, #tpu.memory_space<vmem>>, vector<1x16xf32>
    %slice3A = vector.extract_strided_slice %get3A_13 {offsets = [0, 0], sizes = [1, 16], strides = [1, 1]} : vector<8x16xf32> to vector<1x16xf32>
    %div3A = arith.constant 1.600000e+05 : f32
    %div3A_20 = vector.broadcast %div3A : f32 to vector<1x16xf32>
    %div3A_21 = arith.divf %slice3A, %div3A_20 : vector<1x16xf32>
    %slice3A_22 = vector.extract_strided_slice %get3A_13 {offsets = [1, 0], sizes = [1, 16], strides = [1, 1]} : vector<8x16xf32> to vector<1x16xf32>
    %div3A_23 = arith.constant 1.600000e+05 : f32
    %div3A_24 = vector.broadcast %div3A_23 : f32 to vector<1x16xf32>
    %div3A_25 = arith.divf %slice3A_22, %div3A_24 : vector<1x16xf32>
    %mul3A = arith.mulf %div3A_21, %div3A_21 : vector<1x16xf32>
    %sub3A = arith.subf %div3A_25, %mul3A : vector<1x16xf32>
    %sub3A_26 = vector.broadcast %div3A_21 : vector<1x16xf32> to vector<1024x16xf32>
    %sub3A_27 = arith.subf %add3A_10, %sub3A_26 : vector<1024x16xf32>
    %add3A_28 = arith.constant 9.99999974E-6 : f32
    %add3A_29 = vector.broadcast %add3A_28 : f32 to vector<1x16xf32>
    %add3A_30 = arith.addf %sub3A, %add3A_29 : vector<1x16xf32>
    %rsqrt3A = math.rsqrt %add3A_30 : vector<1x16xf32>
    %mul3A_31 = vector.broadcast %rsqrt3A : vector<1x16xf32> to vector<1024x16xf32>
    %mul3A_32 = arith.mulf %sub3A_27, %mul3A_31 : vector<1024x16xf32>
    %mul3A_33 = vector.broadcast %get3A_16 : vector<1x16xf32> to vector<1024x16xf32>
    %mul3A_34 = arith.mulf %mul3A_32, %mul3A_33 : vector<1024x16xf32>
    %add3A_35 = vector.broadcast %get3A_19 : vector<1x16xf32> to vector<1024x16xf32>
    %add3A_36 = arith.addf %mul3A_34, %add3A_35 : vector<1024x16xf32>
    %max3A = arith.constant 0.000000e+00 : f32
    %max3A_37 = vector.broadcast %max3A : f32 to vector<1024x16xf32>
    %max3A_38 = arith.maximumf %add3A_36, %max3A_37 : vector<1024x16xf32>
    %get3A_39 = arith.constant 0 : index
    %get3A_40 = arith.constant 0 : index
    %get3A_41 = vector.load %arg10[%get3A_39, %get3A_40] : memref<16x128xf32, #tpu.memory_space<vmem>>, vector<16x128xf32>
    %dot_general3A_42 = arith.constant dense<0.000000e+00> : vector<1024x128xf32>
    %dot_general3A_43 = tpu.matmul %max3A_38, %get3A_41, %dot_general3A_42 {dimension_numbers = #tpu.dot_dimension_numbers<[1], [0], [0], [1], [0, 0, 1, 1], [], []>, transpose_lhs_hint = false} : vector<1024x16xf32>, vector<16x128xf32>, vector<1024x128xf32> -> vector<1024x128xf32>
    %get3A_44 = arith.constant 0 : index
    %get3A_45 = arith.constant 0 : index
    %get3A_46 = vector.load %arg11[%get3A_44, %get3A_45] : memref<1x128xf32, #tpu.memory_space<vmem>>, vector<1x128xf32>
    %add3A_47 = vector.broadcast %get3A_46 : vector<1x128xf32> to vector<1024x128xf32>
    %add3A_48 = arith.addf %dot_general3A_43, %add3A_47 : vector<1024x128xf32>
    %get3A_49 = arith.constant 0 : index
    %get3A_50 = arith.constant 0 : index
    %get3A_51 = arith.constant 0 : index
    %get3A_52 = vector.load %arg1[%get3A_49, %get3A_50, %get3A_51] : memref<64x16x16xf32, #tpu.memory_space<vmem>>, vector<64x16x16xf32>
    %reshape3A_53 = vector.shape_cast %get3A_52 : vector<64x16x16xf32> to vector<1024x16xf32>
    %get3A_54 = arith.constant 0 : index
    %get3A_55 = arith.constant 0 : index
    %get3A_56 = vector.load %arg5[%get3A_54, %get3A_55] : memref<8x16xf32, #tpu.memory_space<vmem>>, vector<8x16xf32>
    %get3A_57 = arith.constant 0 : index
    %get3A_58 = arith.constant 0 : index
    %get3A_59 = vector.load %arg12[%get3A_57, %get3A_58] : memref<1x16xf32, #tpu.memory_space<vmem>>, vector<1x16xf32>
    %get3A_60 = arith.constant 0 : index
    %get3A_61 = arith.constant 0 : index
    %get3A_62 = vector.load %arg13[%get3A_60, %get3A_61] : memref<1x16xf32, #tpu.memory_space<vmem>>, vector<1x16xf32>
    %slice3A_63 = vector.extract_strided_slice %get3A_56 {offsets = [0, 0], sizes = [1, 16], strides = [1, 1]} : vector<8x16xf32> to vector<1x16xf32>
    %div3A_64 = arith.constant 1.600000e+05 : f32
    %div3A_65 = vector.broadcast %div3A_64 : f32 to vector<1x16xf32>
    %div3A_66 = arith.divf %slice3A_63, %div3A_65 : vector<1x16xf32>
    %slice3A_67 = vector.extract_strided_slice %get3A_56 {offsets = [1, 0], sizes = [1, 16], strides = [1, 1]} : vector<8x16xf32> to vector<1x16xf32>
    %div3A_68 = arith.constant 1.600000e+05 : f32
    %div3A_69 = vector.broadcast %div3A_68 : f32 to vector<1x16xf32>
    %div3A_70 = arith.divf %slice3A_67, %div3A_69 : vector<1x16xf32>
    %mul3A_71 = arith.mulf %div3A_66, %div3A_66 : vector<1x16xf32>
    %sub3A_72 = arith.subf %div3A_70, %mul3A_71 : vector<1x16xf32>
    %sub3A_73 = vector.broadcast %div3A_66 : vector<1x16xf32> to vector<1024x16xf32>
    %sub3A_74 = arith.subf %reshape3A_53, %sub3A_73 : vector<1024x16xf32>
    %add3A_75 = arith.constant 9.99999974E-6 : f32
    %add3A_76 = vector.broadcast %add3A_75 : f32 to vector<1x16xf32>
    %add3A_77 = arith.addf %sub3A_72, %add3A_76 : vector<1x16xf32>
    %rsqrt3A_78 = math.rsqrt %add3A_77 : vector<1x16xf32>
    %mul3A_79 = vector.broadcast %rsqrt3A_78 : vector<1x16xf32> to vector<1024x16xf32>
    %mul3A_80 = arith.mulf %sub3A_74, %mul3A_79 : vector<1024x16xf32>
    %mul3A_81 = vector.broadcast %get3A_59 : vector<1x16xf32> to vector<1024x16xf32>
    %mul3A_82 = arith.mulf %mul3A_80, %mul3A_81 : vector<1024x16xf32>
    %add3A_83 = vector.broadcast %get3A_62 : vector<1x16xf32> to vector<1024x16xf32>
    %add3A_84 = arith.addf %mul3A_82, %add3A_83 : vector<1024x16xf32>
    %max3A_85 = arith.constant 0.000000e+00 : f32
    %max3A_86 = vector.broadcast %max3A_85 : f32 to vector<1024x16xf32>
    %max3A_87 = arith.maximumf %add3A_84, %max3A_86 : vector<1024x16xf32>
    %get3A_88 = arith.constant 0 : index
    %get3A_89 = arith.constant 0 : index
    %get3A_90 = vector.load %arg14[%get3A_88, %get3A_89] : memref<16x16xf32, #tpu.memory_space<vmem>>, vector<16x16xf32>
    %dot_general3A_91 = arith.constant dense<0.000000e+00> : vector<1024x16xf32>
    %dot_general3A_92 = tpu.matmul %max3A_87, %get3A_90, %dot_general3A_91 {dimension_numbers = #tpu.dot_dimension_numbers<[1], [0], [0], [1], [0, 0, 1, 1], [], []>, transpose_lhs_hint = false} : vector<1024x16xf32>, vector<16x16xf32>, vector<1024x16xf32> -> vector<1024x16xf32>
    %get3A_93 = arith.constant 0 : index
    %get3A_94 = arith.constant 0 : index
    %get3A_95 = vector.load %arg15[%get3A_93, %get3A_94] : memref<1x16xf32, #tpu.memory_space<vmem>>, vector<1x16xf32>
    %add3A_96 = vector.broadcast %get3A_95 : vector<1x16xf32> to vector<1024x16xf32>
    %add3A_97 = arith.addf %dot_general3A_92, %add3A_96 : vector<1024x16xf32>
    %reshape3A_98 = vector.shape_cast %add3A_97 : vector<1024x16xf32> to vector<64x16x16xf32>
    %reduce_max3A = arith.constant dense<0xFF800000> : vector<64x16xf32>
    %reduce_max3A_99 = vector.multi_reduction <maximumf>, %reshape3A_98, %reduce_max3A [1] : vector<64x16x16xf32> to vector<64x16xf32>
    %broadcast_in_dim3A = vector.shape_cast %reduce_max3A_99 : vector<64x16xf32> to vector<64x1x16xf32>
    %sub3A_100 = vector.broadcast %broadcast_in_dim3A : vector<64x1x16xf32> to vector<64x16x16xf32>
    %sub3A_101 = arith.subf %reshape3A_98, %sub3A_100 : vector<64x16x16xf32>
    %exp3A = math.exp %sub3A_101 : vector<64x16x16xf32>
    %reduce_sum3A = arith.constant dense<0.000000e+00> : vector<64x16xf32>
    %reduce_sum3A_102 = vector.multi_reduction <add>, %exp3A, %reduce_sum3A [1] : vector<64x16x16xf32> to vector<64x16xf32>
    %broadcast_in_dim3A_103 = vector.shape_cast %reduce_sum3A_102 : vector<64x16xf32> to vector<64x1x16xf32>
    %div3A_104 = vector.broadcast %broadcast_in_dim3A_103 : vector<64x1x16xf32> to vector<64x16x16xf32>
    %div3A_105 = arith.divf %exp3A, %div3A_104 : vector<64x16x16xf32>
    %concatenate3A = tpu.concatenate %div3A_105, %div3A_105, %div3A_105, %div3A_105, %div3A_105, %div3A_105, %div3A_105, %div3A_105 in 2 : vector<64x16x16xf32>, vector<64x16x16xf32>, vector<64x16x16xf32>, vector<64x16x16xf32>, vector<64x16x16xf32>, vector<64x16x16xf32>, vector<64x16x16xf32>, vector<64x16x16xf32> -> vector<64x16x128xf32>
    %get3A_106 = arith.constant 0 : index
    %get3A_107 = arith.constant 0 : index
    %get3A_108 = arith.constant 0 : index
    %get3A_109 = vector.load %arg2[%get3A_106, %get3A_107, %get3A_108] : memref<64x16x128xf32, #tpu.memory_space<vmem>>, vector<64x16x128xf32>
    %reshape3A_110 = vector.shape_cast %get3A_109 : vector<64x16x128xf32> to vector<1024x128xf32>
    %slice3A_111 = vector.extract_strided_slice %reshape3A_110 {offsets = [0, 64], sizes = [1024, 64], strides = [1, 1]} : vector<1024x128xf32> to vector<1024x64xf32>
    %bitcast_convert_type3A = tpu.bitcast %slice3A_111 : vector<1024x64xf32> -> vector<1024x64xi32>
    %and3A = arith.constant -65536 : i32
    %and3A_112 = vector.broadcast %and3A : i32 to vector<1024x64xi32>
    %and3A_113 = arith.andi %bitcast_convert_type3A, %and3A_112 : vector<1024x64xi32>
    %bitcast_convert_type3A_114 = tpu.bitcast %and3A_113 : vector<1024x64xi32> -> vector<1024x64xf32>
    %shift_left3A = arith.constant 16 : i32
    %shift_left3A_115 = vector.broadcast %shift_left3A : i32 to vector<1024x64xi32>
    %shift_left3A_116 = arith.shli %bitcast_convert_type3A, %shift_left3A_115 : vector<1024x64xi32>
    %bitcast_convert_type3A_117 = tpu.bitcast %shift_left3A_116 : vector<1024x64xi32> -> vector<1024x64xf32>
    %concatenate3A_118 = tpu.concatenate %bitcast_convert_type3A_114, %bitcast_convert_type3A_117 in 1 : vector<1024x64xf32>, vector<1024x64xf32> -> vector<1024x128xf32>
    %reshape3A_119 = vector.shape_cast %concatenate3A_118 : vector<1024x128xf32> to vector<64x16x128xf32>
    %reshape3A_120 = vector.shape_cast %add3A_48 : vector<1024x128xf32> to vector<64x16x128xf32>
    %add3A_121 = arith.addf %reshape3A_119, %reshape3A_120 : vector<64x16x128xf32>
    %mul3A_122 = arith.mulf %add3A_121, %concatenate3A : vector<64x16x128xf32>
    %reduce_sum3A_123 = arith.constant dense<0.000000e+00> : vector<64x128xf32>
    %reduce_sum3A_124 = vector.multi_reduction <add>, %mul3A_122, %reduce_sum3A_123 [1] : vector<64x16x128xf32> to vector<64x128xf32>
    %swap3A = arith.constant 0 : index
    %swap3A_125 = arith.constant 0 : index
    %swap3A_126 = vector.load %arg16[%swap3A, %swap3A_125] : memref<64x128xf32, #tpu.memory_space<vmem>>, vector<64x128xf32>
    tpu.vector_store %arg16[%swap3A, %swap3A_125], %reduce_sum3A_124 {strides = array<i32>} : memref<64x128xf32, #tpu.memory_space<vmem>>, vector<64x128xf32>,
    return
  }
  func.func @transform_0(%arg0: i32) -> (i32, i32, i32) {
    %c0_i32 = arith.constant 0 : i32
    %c0_i32_0 = arith.constant 0 : i32
    %c0_i32_1 = arith.constant 0 : i32
    return %arg0, %c0_i32, %c0_i32_0 : i32, i32, i32
  }
  func.func @transform_1(%arg0: i32) -> (i32, i32, i32) {
    %c0_i32 = arith.constant 0 : i32
    %c0_i32_0 = arith.constant 0 : i32
    %c0_i32_1 = arith.constant 0 : i32
    return %arg0, %c0_i32, %c0_i32_0 : i32, i32, i32
  }
  func.func @transform_2(%arg0: i32) -> (i32, i32, i32) {
    %c0_i32 = arith.constant 0 : i32
    %c0_i32_0 = arith.constant 0 : i32
    %c0_i32_1 = arith.constant 0 : i32
    return %arg0, %c0_i32, %c0_i32_0 : i32, i32, i32
  }
  func.func @transform_3(%arg0: i32) -> (i32, i32) {
    %c0_i32 = arith.constant 0 : i32
    %c0_i32_0 = arith.constant 0 : i32
    %c0_i32_1 = arith.constant 0 : i32
    return %c0_i32, %c0_i32_0 : i32, i32
  }
  func.func @transform_4(%arg0: i32) -> (i32, i32) {
    %c0_i32 = arith.constant 0 : i32
    %c0_i32_0 = arith.constant 0 : i32
    %c0_i32_1 = arith.constant 0 : i32
    return %c0_i32, %c0_i32_0 : i32, i32
  }
  func.func @transform_5(%arg0: i32) -> (i32, i32) {
    %c0_i32 = arith.constant 0 : i32
    %c0_i32_0 = arith.constant 0 : i32
    %c0_i32_1 = arith.constant 0 : i32
    return %c0_i32, %c0_i32_0 : i32, i32
  }
  func.func @transform_6(%arg0: i32) -> (i32, i32) {
    %c0_i32 = arith.constant 0 : i32
    %c0_i32_0 = arith.constant 0 : i32
    %c0_i32_1 = arith.constant 0 : i32
    return %c0_i32, %c0_i32_0 : i32, i32
  }
  func.func @transform_7(%arg0: i32) -> (i32, i32) {
    %c0_i32 = arith.constant 0 : i32
    %c0_i32_0 = arith.constant 0 : i32
    %c0_i32_1 = arith.constant 0 : i32
    return %c0_i32, %c0_i32_0 : i32, i32
  }
  func.func @transform_8(%arg0: i32) -> (i32, i32) {
    %c0_i32 = arith.constant 0 : i32
    %c0_i32_0 = arith.constant 0 : i32
    %c0_i32_1 = arith.constant 0 : i32
    return %c0_i32, %c0_i32_0 : i32, i32
  }
  func.func @transform_9(%arg0: i32) -> (i32, i32) {
    %c0_i32 = arith.constant 0 : i32
    %c0_i32_0 = arith.constant 0 : i32
    %c0_i32_1 = arith.constant 0 : i32
    return %c0_i32, %c0_i32_0 : i32, i32
  }
  func.func @transform_10(%arg0: i32) -> (i32, i32) {
    %c0_i32 = arith.constant 0 : i32
    %c0_i32_0 = arith.constant 0 : i32
    %c0_i32_1 = arith.constant 0 : i32
    return %c0_i32, %c0_i32_0 : i32, i32
  }
  func.func @transform_11(%arg0: i32) -> (i32, i32) {
    %c0_i32 = arith.constant 0 : i32
    %c0_i32_0 = arith.constant 0 : i32
    %c0_i32_1 = arith.constant 0 : i32
    return %c0_i32, %c0_i32_0 : i32, i32
  }
  func.func @transform_12(%arg0: i32) -> (i32, i32) {
    %c0_i32 = arith.constant 0 : i32
    %c0_i32_0 = arith.constant 0 : i32
    %c0_i32_1 = arith.constant 0 : i32
    return %c0_i32, %c0_i32_0 : i32, i32
  }
  func.func @transform_13(%arg0: i32) -> (i32, i32) {
    %c0_i32 = arith.constant 0 : i32
    %c0_i32_0 = arith.constant 0 : i32
    %c0_i32_1 = arith.constant 0 : i32
    return %c0_i32, %c0_i32_0 : i32, i32
  }
  func.func @transform_14(%arg0: i32) -> (i32, i32) {
    %c0_i32 = arith.constant 0 : i32
    %c0_i32_0 = arith.constant 0 : i32
    %c0_i32_1 = arith.constant 0 : i32
    return %c0_i32, %c0_i32_0 : i32, i32
  }
  func.func @transform_15(%arg0: i32) -> (i32, i32) {
    %c0_i32 = arith.constant 0 : i32
    %c0_i32_0 = arith.constant 0 : i32
    return %arg0, %c0_i32 : i32, i32
  }
}

</mosaic_0001>

<sc_bundles>
// kernel: kernel.9.cloned.1.call-start
scs
__scs_entry_jumppad:
0x0: {  	(pc) =	sbr.rel $0x88, $3  }
0x1: {  	(tag) =	ssettag $0x0;
	lr =	simm.s32 $0x1  }
0x2: {  	[smem:$0x3F8B] =	sst lr;
	_ =	strace $0xD0000000  }
0x3: {  	_ = 	snop  }
0x4: {  	_ = 	snop  }
0x5: {  	_ = 	snop  }
0x6: {  	_ = 	snop  }
0x7: {  	_ = 	snop  }
__scs_overlays_trampoline_lowered:
0x8: {  	[smem:$0x3F9A] =	sst s0  }
0x9: {  	[smem:$0x3F9B] =	sst s1  }
0xa: {  	[smem:$0x3F9C] =	sst s2  }
0xb: {  	[smem:$0x3F9D] =	sst s3  }
0xc: {  	[smem:$0x3F9E] =	sst s4  }
0xd: {  	[smem:$0x3F9F] =	sst s5  }
0xe: {  	[smem:$0x3FA0] =	sst s6  }
0xf: {  	[smem:$0x3FA1] =	sst s7  }
0x10: {  	[smem:$0x3FA2] =	sst s8  }
0x11: {  	[smem:$0x3FA3] =	sst s9;
	s0 =	simm.s32 @!p0 $0x0  }
0x12: {  	s1 =	sld [smem:$0x3F89];
	s0 =	simm.s32 @p0 $0x1  }
0x13: {  	[smem:$0x3FA4] =	sst s0;
	s0 =	simm.s32 @!p1 $0x0  }
0x14: {  	s2 =	sld [smem:$0x3F88];
	s0 =	simm.s32 @p1 $0x1  }
0x15: {  	[smem:$0x3FA5] =	sst s0;
	s0 =	simm.s32 @!p2 $0x0  }
0x16: {  	s3 =	sld [smem:$0x3FDB];
	s0 =	simm.s32 @p2 $0x1  }
0x17: {  	s4 =	simm.s32 $0x1BF5;
	[smem:$0x3FA7] =	sst s0  }
0x18: {  	s0 =	sld [smem:$0x3F8A];
	_ =	swait.ge [sflag:s4], $0x0  }
0x19: {  	s7 =	sld [smem:$0x3F8B]  }
0x1a: {  	s8 =	sadd.s32 $0xFFFFE003, lr  }
0x1b: {  	s9 =	sadd.s32 $0xFFFFFEF7, lr;
	s5 =	simm.s32 $0xFFFFFFFF;
	p2 =	slt.u32 s8, $0xFFFFF086  }
0x1c: {  	p1 =	slt.u32 s9, $0xF7A;
	s5 =	simm.s32 @!p2 $0x0  }
0x1d: {  	s5 =	simm.s32 @p1 $0x1;
	p0 =	seq.s32 s7, s2  }
0x1e: {  	s7 =	smul.u32 @!p0 $0xF7A, s2;
	p2 =	seq.s32 @!p0 s5, $0x0  }
0x1f: {  	s9 =	smul.u32 $0xF7A, s1;
	s8 =	simm.s32 @!p0 $0x1BF5;
	p2 =	por !p2, p0  }
0x20: {  	[sflag:s8] =	ssyncset.s32 @!p0 $0xFFFFF086;
	s6 =	sadd.s32 @!p0 s3, s7;
	s7 =	simm.s32 @!p0 $0x108  }
0x21: {  	s3 =	sadd.s32 s3, s9;
	s6 =	sadd.s32 @!p0 $0x88, s6;
	s7 =	simm.s32 @p2 $0x1082  }
0x22: {  	[simem:s7], [sflag:s8] =	dma.local @!p0 [hbm:s6], $0xF7A  }
0x23: {  	s9 =	sor.u32 $0xD0000000, s2;
	s6 =	simm.s32 $0x108;
	_ =	swait.ge @!p0 [sflag:s8], $0x0  }
0x24: {  	s3 =	sadd.s32 $0x88, s3;
	s6 =	simm.s32 @!p1 $0x1082;
	[sflag:s4] =	ssyncset.s32 $0xFFFFF086  }
0x25: {  	[simem:s6], [sflag:s4] =	dma.local [hbm:s3], $0xF7A  }
0x26: {  	[smem:$0x3F8B] =	sst s1;
	(tag) =	ssettag s2;
	_ =	strace s9  }
0x27: {  	s1 =	sld [smem:$0x3F9B]  }
0x28: {  	s2 =	sld [smem:$0x3F9C]  }
0x29: {  	s4 =	sld [smem:$0x3F9E]  }
0x2a: {  	p0 =	seq.s32 s5, $0x0;
	s5 =	sld [smem:$0x3F9F]  }
0x2b: {  	s6 =	sld [smem:$0x3FA0]  }
0x2c: {  	s7 =	sld [smem:$0x3FA1]  }
0x2d: {  	s3 =	simm.s32 $0x108;
	s8 =	sld [smem:$0x3FA2]  }
0x2e: {  	s3 =	simm.s32 @!p0 $0x1082;
	s9 =	sld [smem:$0x3FA3]  }
0x2f: {  	lr =	sadd.s32 s0, s3;
	s0 =	sld [smem:$0x3F9A]  }
0x30: {  	s3 =	sld [smem:$0x3F9D]  }
0x31: {  	[smem:$0x3FA6] =	sst s10  }
0x32: {  	s10 =	sld [smem:$0x3FA4];
	_ =	sdelay $0x3  }
0x33: {  	p0 =	seq.s32 s10, $0x1;
	s10 =	sld [smem:$0x3FA6];
	_ =	sdelay $0x3  }
0x34: {  	[smem:$0x3FA6] =	sst s10  }
0x35: {  	s10 =	sld [smem:$0x3FA5];
	_ =	sdelay $0x3  }
0x36: {  	p1 =	seq.s32 s10, $0x1;
	s10 =	sld [smem:$0x3FA6];
	_ =	sdelay $0x3  }
0x37: {  	[smem:$0x3FA6] =	sst s10  }
0x38: {  	s10 =	sld [smem:$0x3FA7]  }
0x39: {  	_ = 	snop;
	(pc) =	sbr.ind lr, $3  }
0x3a: {  	_ = 	snop  }
0x3b: {  	_ = 	snop  }
0x3c: {  	p2 =	seq.s32 s10, $0x1;
	s10 =	sld [smem:$0x3FA6]  }
0x3d: {  	_ =	shalt  }
0x3e: {  	_ =	shalt  }
0x3f: {  	_ =	shalt  }
0x40: {  	_ =	shalt  }
0x41: {  	_ =	shalt  }
0x42: {  	_ =	shalt  }
0x43: {  	_ =	shalt  }
0x44: {  	_ =	shalt  }
0x45: {  	_ =	shalt  }
0x46: {  	_ =	shalt  }
0x47: {  	_ =	shalt  }
0x48: {  	_ =	shalt  }
0x49: {  	_ =	shalt  }
0x4a: {  	_ =	shalt  }
0x4b: {  	_ =	shalt  }
0x4c: {  	_ =	shalt  }
0x4d: {  	_ =	shalt  }
0x4e: {  	_ =	shalt  }
0x4f: {  	_ =	shalt  }
0x50: {  	_ =	shalt  }
0x51: {  	_ =	shalt  }
0x52: {  	_ =	shalt  }
0x53: {  	_ =	shalt  }
0x54: {  	_ =	shalt  }
0x55: {  	_ =	shalt  }
0x56: {  	_ =	shalt  }
0x57: {  	_ =	shalt  }
0x58: {  	_ =	shalt  }
0x59: {  	_ =	shalt  }
0x5a: {  	_ =	shalt  }
0x5b: {  	_ =	shalt  }
0x5c: {  	_ =	shalt  }
0x5d: {  	_ =	shalt  }
0x5e: {  	_ =	shalt  }
0x5f: {  	_ =	shalt  }
0x60: {  	_ =	shalt  }
0x61: {  	_ =	shalt  }
0x62: {  	_ =	shalt  }
0x63: {  	_ =	shalt  }
0x64: {  	_ =	shalt  }
0x65: {  	_ =	shalt  }
0x66: {  	_ =	shalt  }
0x67: {  	_ =	shalt  }
0x68: {  	_ =	shalt  }
0x69: {  	_ =	shalt  }
0x6a: {  	_ =	shalt  }
0x6b: {  	_ =	shalt  }
0x6c: {  	_ =	shalt  }
0x6d: {  	_ =	shalt  }
0x6e: {  	_ =	shalt  }
0x6f: {  	_ =	shalt  }
0x70: {  	_ =	shalt  }
0x71: {  	_ =	shalt  }
0x72: {  	_ =	shalt  }
0x73: {  	_ =	shalt  }
0x74: {  	_ =	shalt  }
0x75: {  	_ =	shalt  }
0x76: {  	_ =	shalt  }
0x77: {  	_ =	shalt  }
0x78: {  	_ =	shalt  }
0x79: {  	_ =	shalt  }
0x7a: {  	_ =	shalt  }
0x7b: {  	_ =	shalt  }
0x7c: {  	_ =	shalt  }
0x7d: {  	_ =	shalt  }
0x7e: {  	_ =	shalt  }
0x7f: {  	_ =	shalt  }
0x80: {  	_ =	shalt  }
0x81: {  	_ =	shalt  }
0x82: {  	_ =	shalt  }
0x83: {  	_ =	shalt  }
0x84: {  	_ =	shalt  }
0x85: {  	_ =	shalt  }
0x86: {  	_ =	shalt  }
0x87: {  	_ =	shalt  }
.Lfunc_end0:
.L_simem_size_0:
called_computation_lowered:
.L_overlay_start_0:
0x88: {  	s2 =	sld [smem:$0x3FD9]  }
0x89: {  	s3 =	sld [smem:$0x3FFE];
	_ =	sdelay $0x1  }
0x8a: {  	s1 =	srdreg.scid  }
0x8b: {  	s0 =	sand.u32 $0x1, s1  }
0x8c: {  	s17 =	sshll.u32 s0, $0xA;
	s2 =	sadd.s32 s3, s2  }
0x8d: {  	s2 =	sadd.s32 s2, s17  }
0x8e: {  	[smem:$0x3FB2] =	sst s2  }
0x8f: {  	_ = 	snop  }
0x90: {  	s2 =	sld [smem:$0x3FD0];
	(tm) =	ssettm $0x1  }
0x91: {  	s18 =	sld [smem:$0x3FFB];
	_ =	sdelay $0x3  }
0x92: {  	_ =	strace s18  }
0x93: {  	s3 =	sld [smem:$0x3FFC];
	_ =	sdelay $0x3  }
0x94: {  	_ =	strace s3  }
0x95: {  	s3 =	sld [smem:$0x3FFD];
	_ =	sdelay $0x3  }
0x96: {  	_ =	strace s3  }
0x97: {  	_ =	strace $0x8FFFFFFF  }
0x98: {  	s19 =	sld [smem:$0x3FDB];
	_ =	sdelay $0x1  }
0x99: {  	s4 =	simm.s32 $_scs_section_size  }
0x9a: {  	s5 =	simm.s32 $_size__tile_overlayer_lowered;
	s6 =	simm.s32 $_tile_overlayer_lowered  }
0x9b: {  	s22 =	simm.s32 $0x1BFF;
	s21 =	sshll.u32 s6, $0x1;
	s3 =	sadd.s32 s4, s19  }
0x9c: {  	s7 =	simm.s32 $0x0;
	s20 =	sshll.u32 s5, $0x1;
	s5 =	sadd.s32 s21, s3  }
0x9d: {  	[timem:s7], [sflag:s22] =	dma.local [hbm:s5], s20  }
0x9e: {  	_ =	swait.ge [sflag:s22], s20  }
0x9f: {  	s4 =	ssub.s32 $0x0, s20;
	[sflag:s22] =	ssyncset.done $0x0  }
0xa0: {  	[sflag:s22] =	ssyncadd.s32 s4;
	_ =	sdelay $0x1  }
0xa1: {  	s23 =	simm.s32 $0x1B8B  }
0xa2: {  	_ =	swait.ge [sflag:s23], $0x1  }
0xa3: {  	[sflag:s23] =	ssyncset.done $0x0  }
0xa4: {  	s25 =	simm.s32 $0x1B8E;
	s24 =	sld [smem:$0x3FFE];
	[sflag:s23] =	ssyncadd.s32 $0xFFFFFFFF  }
0xa5: {  	s26 =	simm.s32 $execute0_lowered;
	[smem:$0x3FD2] =	sst s25  }
0xa6: {  	s5 =	sshll.u32 s26, $0x1;
	_ =	strace $0x80000046;
	[dreg:$0x1] =	wrdreg $0xFFFFFFFF  }
0xa7: {  	s28 =	simm.s32 $_size_execute0_lowered;
	s3 =	sadd.s32 s3, s5;
	[dreg:$0x0] =	wrdreg $0x0  }
0xa8: {  	s5 =	sshll.u32 s28, $0x1;
	[dreg:$0x2] =	wrdreg s3  }
0xa9: {  	[dreg:$0x3] =	wrdreg s5  }
0xaa: {  	[dreg:$0x4] =	wrdreg $0xC0  }
0xab: {  	_ =	task [dreg:s7], $0x5FFFF  }
0xac: {  	[dreg:$0x1] =	wrdreg $0xFFFFFFFF  }
0xad: {  	[dreg:$0x0] =	wrdreg $0x60  }
0xae: {  	[dreg:$0x2] =	wrdreg s2  }
0xaf: {  	[dreg:$0x3] =	wrdreg s24  }
0xb0: {  	[dreg:$0x4] =	wrdreg $0x9  }
0xb1: {  	_ =	task.clear_ibuf [dreg:s7], $0x5FFFF;
	_ =	strace $0x90000046  }
0xb2: {  	s29 =	simm.s32 $0x9;
	_ =	strace $0x80000048  }
0xb3: {  	_ =	swait.ge [sflag:s29], $0x1  }
0xb4: {  	[sflag:s29] =	ssyncadd.s32 $0xFFFFFFFF  }
0xb5: {  	_ =	strace $0x90000048  }
0xb6: {  	_ =	sfence  }
0xb7: {  	s30 =	sld [smem:$0x0];
	_ =	sdelay $0x2  }
0xb8: {  	s31 =	sshll.u32 s1, $0xD;
	s1 =	sshrl.u32 s1, $0x2  }
0xb9: {  	s3 =	sand.u32 $0x4000, s31;
	s1 =	sadd.s32 s1, s30  }
0xba: {  	s0 =	sor.u32 s3, s0;
	s1 =	sshll.u32 s1, $0x11  }
0xbb: {  	s0 =	sor.u32 s1, s0  }
0xbc: {  	s0 =	sadd.s32 $0x8F2B, s0  }
0xbd: {  	[sflag:s0] =	ssyncadd.remote.s32 $0x1  }
0xbe: {  	_ =	sfence.sel $0xFFFF  }
0xbf: {  	[dreg:$0x0] =	wrdreg $0xFFFFFFFF;
	(pc) =	sbr.abs _section_cstart, $3  }
0xc0: {  	[dreg:$0x1] =	wrdreg $0xFFFFFFFF  }
0xc1: {  	_ =	task.clear_ibuf [dreg:s7], $0x2FFFF;
	_ =	strace $0x9FFFFFFF  }
0xc2: {  	(tm) =	ssettm $0x7FFFFFFF  }
0xc3: {  	_ =	shalt  }
tec
execute0_lowered:
.L_overlay_start_1:
0x0: {  	(tag) =	ssettag $0x1  }
0x1: {  	s11 =	rddreg [dreg:$0x0]  }
0x2: {  	s7 =	rddreg [dreg:$0x1]  }
0x3: {  	s0 =	rddreg [dreg:$0x2];
	s2 =	simm.s32 $0x0;
	s1 =	stileid.u32  }
0x4: {  	s3 =	srdreg.scid;
	s17 =	simm.s32 $0x4080;
	s8 =	smul.u32 $0x28000, s1  }
0x5: {  	v0 =	vlaneseq.u32;
	s18 =	simm.s32 $0x1;
	s19 =	simm.s32 $0x0;
	s9 =	smul.u32 $0x5000, s1  }
0x6: {  	[smem:$0x7FF] =	sst s2;
	s10 =	sand.u32 $0x1, s3;
	v0 =	vmul.u32 $0x10, v0;
	s14 =	smul.u32 $0x2800, s1  }
0x7: {  	s3 =	sadd.s32 $0x4000, s7;
	s4 =	sadd.s32 $0x3A00, s7;
	s12 =	smul.u32 $0x14000, s10  }
0x8: {  	v1 =	vimm.f32 $0.0e+00;
	s5 =	sadd.s32 $0x3400, s7;
	s6 =	sadd.s32 $0x2E00, s7;
	s16 =	smul.u32 $0x1400, s10;
	v2 =	vor.u32 $0x1, v0;
	v3 =	vor.u32 $0x2, v0  }
0x9: {  	_ =	strace $0x80000047;
	s13 =	ssub.s32 $0x2, s10;
	s10 =	smul.u32 $0x2800, s10;
	v4 =	vor.u32 $0x100, v0;
	v5 =	vor.u32 $0x101, v0;
	v6 =	vor.u32 $0x102, v0  }
0xa: {  	s15 =	sshrl.u32 s13, $0x1;
	s8 =	sadd.s32 s8, s7;
	s9 =	sadd.s32 s9, s7;
	v7 =	vor.u32 $0x200, v0;
	v8 =	vor.u32 $0x201, v0;
	v9 =	vor.u32 $0x202, v0  }
0xb: {  	v10 =	vor.u32 $0x300, v0;
	v11 =	vor.u32 $0x301, v0;
	v12 =	vor.u32 $0x302, v0;
	s13 =	ssub.s32 s13, s15;
	s8 =	sadd.s32 s12, s8;
	s31 =	sadd.s32 s16, s14  }
0xc: {  	v13 =	vor.u32 $0x400, v0;
	v14 =	vor.u32 $0x401, v0;
	v15 =	vor.u32 $0x402, v0;
	s10 =	sadd.s32 s10, s9;
	s14 =	simm.s32 $0x7080;
	s15 =	simm.s32 $0x9880  }
0xd: {  	v16 =	vor.u32 $0x500, v0;
	v17 =	vor.u32 $0x501, v0;
	v18 =	vor.u32 $0x502, v0;
	s16 =	simm.s32 $0x80;
	s7 =	smax.u32 s13, $0x1;
	s8 =	sadd.s32 $0x7C000, s8  }
0xe: {  	v19 =	vor.u32 $0x600, v0;
	v20 =	vor.u32 $0x601, v0;
	v21 =	vor.u32 $0x602, v0;
	s9 =	sshrl.u32 s31, $0x4;
	s10 =	sadd.s32 $0x2C000, s10;
	s12 =	sshrl.u32 s31, $0x3  }
0xf: {  	v22 =	vor.u32 $0x700, v0;
	v23 =	vor.u32 $0x701, v0;
	v24 =	vor.u32 $0x702, v0;
	s13 =	simm.s32 $0x2;
	s11 =	sadd.s32 s12, s11;
	s12 =	simm.s32 $0x4880  }
.LBB2_1:
0x10: {  	[tilespmem:s12], [sflag:$0x2] =	stream.linear.gather [hbm4b:s4+s2], $0x2800, $0x38;
	[tilespmem:$0xC080] =	vst v63  }
0x11: {  	_ =	swait.ge [sflag:s13], $0x2800  }
0x12: {  	[sflag:s13] =	ssyncset.done $0x0  }
0x13: {  	[sflag:s13] =	ssyncadd.s32 $0xFFFFD800  }
0x14: {  	[tilespmem:s14], [sflag:$0x2] =	stream.linear.gather [hbm4b:s5+s2], $0x2800, $0x38;
	[tilespmem:$0xC080] =	vst v63  }
0x15: {  	_ =	swait.ge [sflag:s13], $0x2800  }
0x16: {  	[sflag:s13] =	ssyncset.done $0x0  }
0x17: {  	[sflag:s13] =	ssyncadd.s32 $0xFFFFD800  }
0x18: {  	[tilespmem:s15], [sflag:$0x2] =	stream.linear.gather [hbm4b:s6+s2], $0x2800, $0x38;
	[tilespmem:$0xC080] =	vst v63  }
0x19: {  	_ =	swait.ge [sflag:s13], $0x2800  }
0x1a: {  	[sflag:s13] =	ssyncset.done $0x0  }
0x1b: {  	[sflag:s13] =	ssyncadd.s32 $0xFFFFD800  }
0x1c: {  	[tilespmem:$0x4080] =	vst v1  }
0x1d: {  	[tilespmem:$0x4090] =	vst v1  }
0x1e: {  	[tilespmem:$0x40A0] =	vst v1  }
0x1f: {  	[tilespmem:$0x40B0] =	vst v1  }
0x20: {  	[tilespmem:$0x40C0] =	vst v1  }
0x21: {  	[tilespmem:$0x40D0] =	vst v1  }
0x22: {  	[tilespmem:$0x40E0] =	vst v1  }
0x23: {  	[tilespmem:$0x40F0] =	vst v1  }
0x24: {  	[tilespmem:$0x4100] =	vst v1  }
0x25: {  	[tilespmem:$0x4110] =	vst v1  }
0x26: {  	[tilespmem:$0x4120] =	vst v1  }
0x27: {  	[tilespmem:$0x4130] =	vst v1  }
0x28: {  	[tilespmem:$0x4140] =	vst v1  }
0x29: {  	[tilespmem:$0x4150] =	vst v1  }
0x2a: {  	[tilespmem:$0x4160] =	vst v1  }
0x2b: {  	[tilespmem:$0x4170] =	vst v1  }
0x2c: {  	[tilespmem:$0x4180] =	vst v1  }
0x2d: {  	[tilespmem:$0x4190] =	vst v1  }
0x2e: {  	[tilespmem:$0x41A0] =	vst v1  }
0x2f: {  	[tilespmem:$0x41B0] =	vst v1  }
0x30: {  	[tilespmem:$0x41C0] =	vst v1  }
0x31: {  	[tilespmem:$0x41D0] =	vst v1  }
0x32: {  	[tilespmem:$0x41E0] =	vst v1  }
0x33: {  	[tilespmem:$0x41F0] =	vst v1  }
0x34: {  	[tilespmem:$0x4200] =	vst v1  }
0x35: {  	[tilespmem:$0x4210] =	vst v1  }
0x36: {  	[tilespmem:$0x4220] =	vst v1  }
0x37: {  	[tilespmem:$0x4230] =	vst v1  }
0x38: {  	[tilespmem:$0x4240] =	vst v1  }
0x39: {  	[tilespmem:$0x4250] =	vst v1  }
0x3a: {  	[tilespmem:$0x4260] =	vst v1  }
0x3b: {  	[tilespmem:$0x4270] =	vst v1  }
0x3c: {  	[tilespmem:$0x4280] =	vst v1  }
0x3d: {  	[tilespmem:$0x4290] =	vst v1  }
0x3e: {  	[tilespmem:$0x42A0] =	vst v1  }
0x3f: {  	[tilespmem:$0x42B0] =	vst v1  }
0x40: {  	[tilespmem:$0x42C0] =	vst v1  }
0x41: {  	[tilespmem:$0x42D0] =	vst v1  }
0x42: {  	[tilespmem:$0x42E0] =	vst v1  }
0x43: {  	[tilespmem:$0x42F0] =	vst v1  }
0x44: {  	[tilespmem:$0x4300] =	vst v1  }
0x45: {  	[tilespmem:$0x4310] =	vst v1  }
0x46: {  	[tilespmem:$0x4320] =	vst v1  }
0x47: {  	[tilespmem:$0x4330] =	vst v1  }
0x48: {  	[tilespmem:$0x4340] =	vst v1  }
0x49: {  	[tilespmem:$0x4350] =	vst v1  }
0x4a: {  	[tilespmem:$0x4360] =	vst v1  }
0x4b: {  	[tilespmem:$0x4370] =	vst v1  }
0x4c: {  	[tilespmem:$0x4380] =	vst v1  }
0x4d: {  	[tilespmem:$0x4390] =	vst v1  }
0x4e: {  	[tilespmem:$0x43A0] =	vst v1  }
0x4f: {  	[tilespmem:$0x43B0] =	vst v1  }
0x50: {  	[tilespmem:$0x43C0] =	vst v1  }
0x51: {  	[tilespmem:$0x43D0] =	vst v1  }
0x52: {  	[tilespmem:$0x43E0] =	vst v1  }
0x53: {  	[tilespmem:$0x43F0] =	vst v1  }
0x54: {  	[tilespmem:$0x4400] =	vst v1  }
0x55: {  	[tilespmem:$0x4410] =	vst v1  }
0x56: {  	[tilespmem:$0x4420] =	vst v1  }
0x57: {  	[tilespmem:$0x4430] =	vst v1  }
0x58: {  	[tilespmem:$0x4440] =	vst v1  }
0x59: {  	[tilespmem:$0x4450] =	vst v1  }
0x5a: {  	[tilespmem:$0x4460] =	vst v1  }
0x5b: {  	[tilespmem:$0x4470] =	vst v1  }
0x5c: {  	[tilespmem:$0x4480] =	vst v1  }
0x5d: {  	[tilespmem:$0x4490] =	vst v1  }
0x5e: {  	[tilespmem:$0x44A0] =	vst v1  }
0x5f: {  	[tilespmem:$0x44B0] =	vst v1  }
0x60: {  	[tilespmem:$0x44C0] =	vst v1  }
0x61: {  	[tilespmem:$0x44D0] =	vst v1  }
0x62: {  	[tilespmem:$0x44E0] =	vst v1  }
0x63: {  	[tilespmem:$0x44F0] =	vst v1  }
0x64: {  	[tilespmem:$0x4500] =	vst v1  }
0x65: {  	[tilespmem:$0x4510] =	vst v1  }
0x66: {  	[tilespmem:$0x4520] =	vst v1  }
0x67: {  	[tilespmem:$0x4530] =	vst v1  }
0x68: {  	[tilespmem:$0x4540] =	vst v1  }
0x69: {  	[tilespmem:$0x4550] =	vst v1  }
0x6a: {  	[tilespmem:$0x4560] =	vst v1  }
0x6b: {  	[tilespmem:$0x4570] =	vst v1  }
0x6c: {  	[tilespmem:$0x4580] =	vst v1  }
0x6d: {  	[tilespmem:$0x4590] =	vst v1  }
0x6e: {  	[tilespmem:$0x45A0] =	vst v1  }
0x6f: {  	[tilespmem:$0x45B0] =	vst v1  }
0x70: {  	[tilespmem:$0x45C0] =	vst v1  }
0x71: {  	[tilespmem:$0x45D0] =	vst v1  }
0x72: {  	[tilespmem:$0x45E0] =	vst v1  }
0x73: {  	[tilespmem:$0x45F0] =	vst v1  }
0x74: {  	[tilespmem:$0x4600] =	vst v1  }
0x75: {  	[tilespmem:$0x4610] =	vst v1  }
0x76: {  	[tilespmem:$0x4620] =	vst v1  }
0x77: {  	[tilespmem:$0x4630] =	vst v1  }
0x78: {  	[tilespmem:$0x4640] =	vst v1  }
0x79: {  	[tilespmem:$0x4650] =	vst v1  }
0x7a: {  	[tilespmem:$0x4660] =	vst v1  }
0x7b: {  	[tilespmem:$0x4670] =	vst v1  }
0x7c: {  	[tilespmem:$0x4680] =	vst v1  }
0x7d: {  	[tilespmem:$0x4690] =	vst v1  }
0x7e: {  	[tilespmem:$0x46A0] =	vst v1  }
0x7f: {  	[tilespmem:$0x46B0] =	vst v1  }
0x80: {  	[tilespmem:$0x46C0] =	vst v1  }
0x81: {  	[tilespmem:$0x46D0] =	vst v1  }
0x82: {  	[tilespmem:$0x46E0] =	vst v1  }
0x83: {  	[tilespmem:$0x46F0] =	vst v1  }
0x84: {  	[tilespmem:$0x4700] =	vst v1  }
0x85: {  	[tilespmem:$0x4710] =	vst v1  }
0x86: {  	[tilespmem:$0x4720] =	vst v1  }
0x87: {  	[tilespmem:$0x4730] =	vst v1  }
0x88: {  	[tilespmem:$0x4740] =	vst v1  }
0x89: {  	[tilespmem:$0x4750] =	vst v1  }
0x8a: {  	[tilespmem:$0x4760] =	vst v1  }
0x8b: {  	[tilespmem:$0x4770] =	vst v1  }
0x8c: {  	[tilespmem:$0x4780] =	vst v1  }
0x8d: {  	[tilespmem:$0x4790] =	vst v1  }
0x8e: {  	[tilespmem:$0x47A0] =	vst v1  }
0x8f: {  	[tilespmem:$0x47B0] =	vst v1  }
0x90: {  	[tilespmem:$0x47C0] =	vst v1  }
0x91: {  	[tilespmem:$0x47D0] =	vst v1  }
0x92: {  	[tilespmem:$0x47E0] =	vst v1  }
0x93: {  	[tilespmem:$0x47F0] =	vst v1  }
0x94: {  	[tilespmem:$0x4800] =	vst v1  }
0x95: {  	[tilespmem:$0x4810] =	vst v1  }
0x96: {  	[tilespmem:$0x4820] =	vst v1  }
0x97: {  	[tilespmem:$0x4830] =	vst v1  }
0x98: {  	[tilespmem:$0x4840] =	vst v1  }
0x99: {  	[tilespmem:$0x4850] =	vst v1  }
0x9a: {  	s20 =	smov.u32 s11;
	[tilespmem:$0x4860] =	vst v1  }
0x9b: {  	s21 =	smov.u32 s10;
	s22 =	smov.u32 s8;
	s23 =	simm.s32 $0x0;
	[tilespmem:$0x4870] =	vst v1  }
.LBB2_2:
0x9c: {  	[tilespmem:s2], [sflag:$0x2] =	stream.linear.gather [hbm4b:s20+s2], $0x80, $0x38;
	[tilespmem:$0xC080] =	vst v63  }
0x9d: {  	_ =	swait.ge [sflag:s13], $0x80  }
0x9e: {  	[sflag:s13] =	ssyncset.done $0x0  }
0x9f: {  	s24 =	sadd.s32 s23, s9;
	[sflag:s13] =	ssyncadd.s32 $0xFFFFFF80  }
0xa0: {  	v26 =	vmov s24;
	[tilespmem:s16], [sflag:$0x1] =	stream.indirect.gather [hbm4b:s3+s16], $0x80, s2, s16, $0xb8;
	[tilespmem:$0xC080] =	vst v63  }
0xa1: {  	v26 =	vand.u32 $0xFFFFFFF8, v26;
	v25 =	vld [tilespmem:$0x0]  }
0xa2: {  	v26 =	vbroadcast v26, $0x0;
	_ =	sdelay $0x5  }
0xa3: {  	v28 =	vld.idx.msk [tilespmem:v26+s12+$0x0], $0xffff  }
0xa4: {  	v27 =	vld.idx.msk [tilespmem:v25+s12+$0x0], $0xffff;
	_ =	sdelay $0x4  }
0xa5: {  	v27 =	vsub.f32 v27, v28;
	_ =	sdelay $0x1  }
0xa6: {  	[tilespmem:v0+s17+$0x0] =	vst.idx.msk $0xffff, v27  }
0xa7: {  	v27 =	vld.idx.msk [tilespmem:v25+s14+$0x0], $0xffff  }
0xa8: {  	v49 =	vld.idx.msk [tilespmem:v26+s14+$0x0], $0xffff;
	_ =	sdelay $0x4  }
0xa9: {  	v27 =	vsub.f32 v27, v49;
	_ =	sdelay $0x1  }
0xaa: {  	[tilespmem:v2+s17+$0x0] =	vst.idx.msk $0xffff, v27  }
0xab: {  	v25 =	vld.idx.msk [tilespmem:v25+s15+$0x0], $0xffff  }
0xac: {  	v26 =	vld.idx.msk [tilespmem:v26+s15+$0x0], $0xffff;
	_ =	sdelay $0x4  }
0xad: {  	v25 =	vsub.f32 v25, v26  }
0xae: {  	s25 =	sadd.s32 $0x1, s24  }
0xaf: {  	v26 =	vmov s25;
	[tilespmem:v3+s17+$0x0] =	vst.idx.msk $0xffff, v25  }
0xb0: {  	v26 =	vand.u32 $0xFFFFFFF9, v26;
	v25 =	vld [tilespmem:$0x10]  }
0xb1: {  	v26 =	vbroadcast v26, $0x0;
	_ =	sdelay $0x5  }
0xb2: {  	v50 =	vld.idx.msk [tilespmem:v26+s12+$0x0], $0xffff  }
0xb3: {  	v27 =	vld.idx.msk [tilespmem:v25+s12+$0x0], $0xffff;
	_ =	sdelay $0x4  }
0xb4: {  	v27 =	vsub.f32 v27, v50;
	_ =	sdelay $0x1  }
0xb5: {  	[tilespmem:v4+s17+$0x0] =	vst.idx.msk $0xffff, v27  }
0xb6: {  	v27 =	vld.idx.msk [tilespmem:v25+s14+$0x0], $0xffff  }
0xb7: {  	v51 =	vld.idx.msk [tilespmem:v26+s14+$0x0], $0xffff;
	_ =	sdelay $0x4  }
0xb8: {  	v27 =	vsub.f32 v27, v51;
	_ =	sdelay $0x1  }
0xb9: {  	[tilespmem:v5+s17+$0x0] =	vst.idx.msk $0xffff, v27  }
0xba: {  	v25 =	vld.idx.msk [tilespmem:v25+s15+$0x0], $0xffff  }
0xbb: {  	v26 =	vld.idx.msk [tilespmem:v26+s15+$0x0], $0xffff;
	_ =	sdelay $0x4  }
0xbc: {  	v25 =	vsub.f32 v25, v26  }
0xbd: {  	s26 =	sadd.s32 $0x2, s24  }
0xbe: {  	v26 =	vmov s26;
	[tilespmem:v6+s17+$0x0] =	vst.idx.msk $0xffff, v25  }
0xbf: {  	v26 =	vand.u32 $0xFFFFFFFA, v26;
	v25 =	vld [tilespmem:$0x20]  }
0xc0: {  	v26 =	vbroadcast v26, $0x0;
	_ =	sdelay $0x5  }
0xc1: {  	v52 =	vld.idx.msk [tilespmem:v26+s12+$0x0], $0xffff  }
0xc2: {  	v27 =	vld.idx.msk [tilespmem:v25+s12+$0x0], $0xffff;
	_ =	sdelay $0x4  }
0xc3: {  	v27 =	vsub.f32 v27, v52;
	_ =	sdelay $0x1  }
0xc4: {  	[tilespmem:v7+s17+$0x0] =	vst.idx.msk $0xffff, v27  }
0xc5: {  	v27 =	vld.idx.msk [tilespmem:v25+s14+$0x0], $0xffff  }
0xc6: {  	v53 =	vld.idx.msk [tilespmem:v26+s14+$0x0], $0xffff;
	_ =	sdelay $0x4  }
0xc7: {  	v27 =	vsub.f32 v27, v53;
	_ =	sdelay $0x1  }
0xc8: {  	[tilespmem:v8+s17+$0x0] =	vst.idx.msk $0xffff, v27  }
0xc9: {  	v25 =	vld.idx.msk [tilespmem:v25+s15+$0x0], $0xffff  }
0xca: {  	v26 =	vld.idx.msk [tilespmem:v26+s15+$0x0], $0xffff;
	_ =	sdelay $0x4  }
0xcb: {  	v25 =	vsub.f32 v25, v26  }
0xcc: {  	s28 =	sadd.s32 $0x3, s24  }
0xcd: {  	v26 =	vmov s28;
	[tilespmem:v9+s17+$0x0] =	vst.idx.msk $0xffff, v25  }
0xce: {  	v26 =	vand.u32 $0xFFFFFFFB, v26;
	v25 =	vld [tilespmem:$0x30]  }
0xcf: {  	v26 =	vbroadcast v26, $0x0;
	_ =	sdelay $0x5  }
0xd0: {  	v54 =	vld.idx.msk [tilespmem:v26+s12+$0x0], $0xffff  }
0xd1: {  	v27 =	vld.idx.msk [tilespmem:v25+s12+$0x0], $0xffff;
	_ =	sdelay $0x4  }
0xd2: {  	v27 =	vsub.f32 v27, v54;
	_ =	sdelay $0x1  }
0xd3: {  	[tilespmem:v10+s17+$0x0] =	vst.idx.msk $0xffff, v27  }
0xd4: {  	v27 =	vld.idx.msk [tilespmem:v25+s14+$0x0], $0xffff  }
0xd5: {  	v55 =	vld.idx.msk [tilespmem:v26+s14+$0x0], $0xffff;
	_ =	sdelay $0x4  }
0xd6: {  	v27 =	vsub.f32 v27, v55;
	_ =	sdelay $0x1  }
0xd7: {  	[tilespmem:v11+s17+$0x0] =	vst.idx.msk $0xffff, v27  }
0xd8: {  	v25 =	vld.idx.msk [tilespmem:v25+s15+$0x0], $0xffff  }
0xd9: {  	v26 =	vld.idx.msk [tilespmem:v26+s15+$0x0], $0xffff;
	_ =	sdelay $0x4  }
0xda: {  	v25 =	vsub.f32 v25, v26  }
0xdb: {  	s29 =	sadd.s32 $0x4, s24  }
0xdc: {  	v26 =	vmov s29;
	[tilespmem:v12+s17+$0x0] =	vst.idx.msk $0xffff, v25  }
0xdd: {  	v26 =	vand.u32 $0xFFFFFFFC, v26;
	v25 =	vld [tilespmem:$0x40]  }
0xde: {  	v26 =	vbroadcast v26, $0x0;
	_ =	sdelay $0x5  }
0xdf: {  	v56 =	vld.idx.msk [tilespmem:v26+s12+$0x0], $0xffff  }
0xe0: {  	v27 =	vld.idx.msk [tilespmem:v25+s12+$0x0], $0xffff;
	_ =	sdelay $0x4  }
0xe1: {  	v27 =	vsub.f32 v27, v56;
	_ =	sdelay $0x1  }
0xe2: {  	[tilespmem:v13+s17+$0x0] =	vst.idx.msk $0xffff, v27  }
0xe3: {  	v27 =	vld.idx.msk [tilespmem:v25+s14+$0x0], $0xffff  }
0xe4: {  	v57 =	vld.idx.msk [tilespmem:v26+s14+$0x0], $0xffff;
	_ =	sdelay $0x4  }
0xe5: {  	v27 =	vsub.f32 v27, v57;
	_ =	sdelay $0x1  }
0xe6: {  	[tilespmem:v14+s17+$0x0] =	vst.idx.msk $0xffff, v27  }
0xe7: {  	v25 =	vld.idx.msk [tilespmem:v25+s15+$0x0], $0xffff  }
0xe8: {  	v26 =	vld.idx.msk [tilespmem:v26+s15+$0x0], $0xffff;
	_ =	sdelay $0x4  }
0xe9: {  	v25 =	vsub.f32 v25, v26  }
0xea: {  	s30 =	sadd.s32 $0x5, s24  }
0xeb: {  	v26 =	vmov s30;
	[tilespmem:v15+s17+$0x0] =	vst.idx.msk $0xffff, v25  }
0xec: {  	v26 =	vand.u32 $0xFFFFFFFD, v26;
	v25 =	vld [tilespmem:$0x50]  }
0xed: {  	v26 =	vbroadcast v26, $0x0;
	_ =	sdelay $0x5  }
0xee: {  	v58 =	vld.idx.msk [tilespmem:v26+s12+$0x0], $0xffff  }
0xef: {  	v27 =	vld.idx.msk [tilespmem:v25+s12+$0x0], $0xffff;
	_ =	sdelay $0x4  }
0xf0: {  	v27 =	vsub.f32 v27, v58;
	_ =	sdelay $0x1  }
0xf1: {  	[tilespmem:v16+s17+$0x0] =	vst.idx.msk $0xffff, v27  }
0xf2: {  	v27 =	vld.idx.msk [tilespmem:v25+s14+$0x0], $0xffff  }
0xf3: {  	v59 =	vld.idx.msk [tilespmem:v26+s14+$0x0], $0xffff;
	_ =	sdelay $0x4  }
0xf4: {  	v27 =	vsub.f32 v27, v59;
	_ =	sdelay $0x1  }
0xf5: {  	[tilespmem:v17+s17+$0x0] =	vst.idx.msk $0xffff, v27  }
0xf6: {  	v25 =	vld.idx.msk [tilespmem:v25+s15+$0x0], $0xffff  }
0xf7: {  	v26 =	vld.idx.msk [tilespmem:v26+s15+$0x0], $0xffff;
	_ =	sdelay $0x4  }
0xf8: {  	v25 =	vsub.f32 v25, v26  }
0xf9: {  	s31 =	sadd.s32 $0x6, s24  }
0xfa: {  	v26 =	vmov s31;
	[tilespmem:v18+s17+$0x0] =	vst.idx.msk $0xffff, v25  }
0xfb: {  	v26 =	vand.u32 $0xFFFFFFFE, v26;
	v25 =	vld [tilespmem:$0x60]  }
0xfc: {  	v26 =	vbroadcast v26, $0x0;
	_ =	sdelay $0x5  }
0xfd: {  	v60 =	vld.idx.msk [tilespmem:v26+s12+$0x0], $0xffff  }
0xfe: {  	v27 =	vld.idx.msk [tilespmem:v25+s12+$0x0], $0xffff;
	_ =	sdelay $0x4  }
0xff: {  	v27 =	vsub.f32 v27, v60;
	_ =	sdelay $0x1  }
0x100: {  	[tilespmem:v19+s17+$0x0] =	vst.idx.msk $0xffff, v27  }
0x101: {  	v27 =	vld.idx.msk [tilespmem:v25+s14+$0x0], $0xffff  }
0x102: {  	v61 =	vld.idx.msk [tilespmem:v26+s14+$0x0], $0xffff;
	_ =	sdelay $0x4  }
0x103: {  	v27 =	vsub.f32 v27, v61;
	_ =	sdelay $0x1  }
0x104: {  	[tilespmem:v20+s17+$0x0] =	vst.idx.msk $0xffff, v27  }
0x105: {  	v25 =	vld.idx.msk [tilespmem:v25+s15+$0x0], $0xffff  }
0x106: {  	v26 =	vld.idx.msk [tilespmem:v26+s15+$0x0], $0xffff;
	_ =	sdelay $0x4  }
0x107: {  	v25 =	vsub.f32 v25, v26;
	_ =	sdelay $0x1  }
0x108: {  	[tilespmem:v21+s17+$0x0] =	vst.idx.msk $0xffff, v25  }
0x109: {  	v25 =	vld [tilespmem:$0x70]  }
0x10a: {  	s24 =	sadd.s32 $0x7, s24  }
0x10b: {  	v26 =	vmov s24;
	_ =	sdelay $0x4  }
0x10c: {  	v62 =	vld.idx.msk [tilespmem:v26+s12+$0x0], $0xffff  }
0x10d: {  	v27 =	vld.idx.msk [tilespmem:v25+s12+$0x0], $0xffff;
	_ =	sdelay $0x4  }
0x10e: {  	v27 =	vsub.f32 v27, v62;
	_ =	sdelay $0x1  }
0x10f: {  	[tilespmem:v22+s17+$0x0] =	vst.idx.msk $0xffff, v27  }
0x110: {  	v27 =	vld.idx.msk [tilespmem:v25+s14+$0x0], $0xffff  }
0x111: {  	v63 =	vld.idx.msk [tilespmem:v26+s14+$0x0], $0xffff;
	_ =	sdelay $0x4  }
0x112: {  	v27 =	vsub.f32 v27, v63;
	_ =	sdelay $0x1  }
0x113: {  	[tilespmem:v23+s17+$0x0] =	vst.idx.msk $0xffff, v27  }
0x114: {  	v25 =	vld.idx.msk [tilespmem:v25+s15+$0x0], $0xffff  }
0x115: {  	v26 =	vld.idx.msk [tilespmem:v26+s15+$0x0], $0xffff;
	_ =	sdelay $0x4  }
0x116: {  	v25 =	vsub.f32 v25, v26;
	_ =	sdelay $0x1  }
0x117: {  	[tilespmem:v24+s17+$0x0] =	vst.idx.msk $0xffff, v25  }
0x118: {  	_ =	swait.ge [sflag:s18], $0x4000  }
0x119: {  	[sflag:s18] =	ssyncset.done $0x0  }
0x11a: {  	[sflag:s18] =	ssyncadd.s32 $0xFFFFC000  }
0x11b: {  	[hbm4b:s22+s2] =	stream.linear.scatter [tilespmem:s16], [sflag:$0x2], $0x4000, $0x38;
	[tilespmem:$0xC080] =	vst v63  }
0x11c: {  	_ =	swait.ge [sflag:s13], $0x4000  }
0x11d: {  	p0 =	sne.s32 s23, $0x138;
	[sflag:s13] =	ssyncset.done $0x0  }
.Ltmp0:
0x11e: {  	[sflag:s13] =	ssyncadd.s32 $0xFFFFC000;
	(pc) =	sbr.rel @p0 .LBB2_2-.Ltmp0, $4  }
0x11f: {  	[hbm4b:s21+s2] =	stream.linear.scatter [tilespmem:s17], [sflag:$0x2], $0x800, $0x38;
	[tilespmem:$0xC080] =	vst v63  }
0x120: {  	_ =	swait.ge [sflag:s13], $0x800  }
0x121: {  	s20 =	sadd.s32 $0x10, s20;
	s23 =	sadd.s32 $0x8, s23;
	[sflag:s13] =	ssyncset.done $0x0  }
0x122: {  	s22 =	sadd.s32 $0x800, s22;
	s21 =	sadd.s32 $0x100, s21;
	[sflag:s13] =	ssyncadd.s32 $0xFFFFF800  }
0x123: {  	s19 =	sadd.s32 $0x1, s19  }
0x124: {  	p0 =	sne.s32 s19, s7  }
.Ltmp1:
0x125: {  	_ = 	snop;
	(pc) =	sbr.rel @p0 .LBB2_1-.Ltmp1, $1  }
0x126: {  	_ =	sdelay $0x3  }
0x127: {  	_ =	sfence.sel $0x180000  }
0x128: {  	[bflag:$0x0] =	sbarrier.arrive $0xFFFF  }
0x129: {  	p0 =	sne.s32 s1, $0x0;
	_ =	strace $0x90000047  }
0x12a: {  	s0 =	sadd.s32 @!p0 $0x100000, s0;
	[bflag:$0x2] =	sbarrier.arrive $0xFFFF  }
0x12b: {  	[sflag:s0] =	ssyncadd.tile.s32 @!p0 $0x1;
	_ =	shalt  }
.Lfunc_end2:
_tile_overlayer_lowered:
.L_overlay_start_2:
0x12c: {  	(tag) =	ssettag $0x2  }
0x12d: {  	s0 =	rddreg [dreg:$0x0];
	s2 =	stileid.u32  }
0x12e: {  	s1 =	rddreg [dreg:$0x1];
	p0 =	sne.s32 s2, $0x0  }
0x12f: {  	s3 =	rddreg [dreg:$0x2];
	[bflag:$0x3] =	sbarrier.arrive $0xFFFF;
	s2 =	simm.s32 @!p0 $0x1C02  }
0x130: {  	[timem:s3], [sflag:s2] =	dma.local @!p0 [hbm:s0], s1  }
0x131: {  	s0 =	simm.s32 @!p0 $0x2  }
0x132: {  	_ =	swait.ge @!p0 [sflag:s0], s1  }
0x133: {  	s1 =	ssub.s32 @!p0 $0x0, s1;
	[sflag:s0] =	ssyncset.done @!p0 $0x0  }
0x134: {  	[sflag:s0] =	ssyncadd.s32 @!p0 s1  }
0x135: {  	[bflag:$0x3] =	sbarrier.arrive $0xFFFF  }
0x136: {  	_ =	shalt  }

</sc_bundles>
